<compile_context>
chip_gen: v7x
topology: tpu7x:2x2x1
jax: 0.10.2.dev20260603
libtpu: 0.0.44.dev20260713+nightly
codegen_flags: <defaults>
</compile_context>

<pallas_src>
import functools

import jax
import jax.numpy as jnp
from jax import lax
from jax.experimental import pallas as pl
from jax.experimental.pallas import tpu as pltpu
from jax.experimental.pallas import tpu_sc as plsc

BATCH = 16384
N_POS = 20
N_SLOT = 5
N_OUTCOME = 4
LANES = 16
BLK = 128
NBLK = BATCH // BLK

_info = plsc.get_sparse_core_info()
NW = _info.num_cores * _info.num_subcores
BPW = BATCH // NW
CHUNKS = BPW // LANES
assert BATCH % (NW * LANES) == 0 and BPW % BLK == 0


def _sqrt(x, iters=2):
    i = plsc.bitcast(x, jnp.int32)
    i = jnp.int32(0x5F3759DF) - (i >> 1)
    y = plsc.bitcast(i, jnp.float32)
    for _ in range(iters):
        t = (x * y) * y
        y = y * (1.5 - 0.5 * t)
    return x * y


_mesh = plsc.VectorSubcoreMesh(core_axis_name="c", subcore_axis_name="s")


@functools.partial(
    pl.kernel,
    mesh=_mesh,
    compiler_params=pltpu.CompilerParams(needs_layout_passes=False),
    out_type=jax.ShapeDtypeStruct((BATCH * N_OUTCOME,), jnp.float32),
    scratch_types=[
        pltpu.VMEM((BPW * N_POS,), jnp.int32),
        pltpu.VMEM((BPW * 2,), jnp.float32),
        pltpu.VMEM((BPW * 2,), jnp.float32),
        pltpu.VMEM((62,), jnp.float32),
        pltpu.VMEM((62,), jnp.float32),
        pltpu.VMEM((62,), jnp.float32),
        pltpu.VMEM((62,), jnp.float32),
        pltpu.VMEM((2,), jnp.float32),
        pltpu.VMEM((256,), jnp.float32),
        pltpu.VMEM((BPW * N_OUTCOME,), jnp.float32),
        pltpu.SemaphoreType.DMA,
    ],
)
def _rank_sc(idx_hbm, g0_hbm, g1_hbm, e0_hbm, e1_hbm, e2_hbm, e3_hbm, w_hbm,
             out_hbm,
             idx_v, g0_v, g1_v, e0_v, e1_v, e2_v, e3_v, w_v, tab_v, out_v,
             sem):
    wid = lax.axis_index("s") * _info.num_cores + lax.axis_index("c")
    base = wid * BPW
    copies = []
    for s in range(N_SLOT):
        copies.append(pltpu.make_async_copy(
            idx_hbm.at[pl.ds(s * (BATCH * N_OUTCOME) + base * N_OUTCOME,
                             BPW * N_OUTCOME)],
            idx_v.at[pl.ds(s * (BPW * N_OUTCOME), BPW * N_OUTCOME)], sem))
    copies.append(pltpu.make_async_copy(
        g0_hbm.at[pl.ds(base * 2, BPW * 2)], g0_v, sem))
    copies.append(pltpu.make_async_copy(
        g1_hbm.at[pl.ds(base * 2, BPW * 2)], g1_v, sem))
    for src, dst in ((e0_hbm, e0_v), (e1_hbm, e1_v),
                     (e2_hbm, e2_v), (e3_hbm, e3_v), (w_hbm, w_v)):
        copies.append(pltpu.make_async_copy(src, dst, sem))
    for c in copies:
        c.start()
    for c in copies:
        c.wait()

    lane = lax.iota(jnp.int32, LANES)
    for half in range(2):
        rows = jnp.minimum(lane + half * LANES, 30)
        r2 = rows + rows
        for t, ev in enumerate((e0_v, e1_v, e2_v, e3_v)):
            for d2 in range(2):
                vals = plsc.load_gather(ev, [r2 + d2])
                tab_v[pl.ds((t * 2 + d2) * 32 + half * LANES, LANES)] = vals

    czero = jnp.zeros((LANES,), jnp.int32)
    w0v = plsc.load_gather(w_v, [czero])
    w1v = plsc.load_gather(w_v, [czero + 1])

    @plsc.parallel_loop(0, CHUNKS * N_OUTCOME, unroll=2)
    def step(it):
        i = it // N_OUTCOME
        o = it % N_OUTCOME
        rb = i // (BLK // LANES)
        rm = (i % (BLK // LANES)) * LANES
        goff = rb * (2 * BLK) + rm
        ga = g1_v[pl.ds(goff, LANES)]
        gb = g1_v[pl.ds(goff + BLK, LANES)]
        gc = g0_v[pl.ds(goff, LANES)]
        gd = g0_v[pl.ds(goff + BLK, LANES)]
        wt = (gc * ga, gc * gb, gd * ga, gd * gb)

        obase = rb * (N_OUTCOME * BLK) + o * BLK + rm
        z0s, z1s = [], []
        for s in range(N_SLOT):
            ip = idx_v[pl.ds(s * (BPW * N_OUTCOME) + obase, LANES)]
            v = [plsc.load_gather(tab_v, [ip + (td * 32)]) for td in range(8)]
            z0 = wt[0] * v[0] + wt[1] * v[2] + wt[2] * v[4] + wt[3] * v[6]
            z1 = wt[0] * v[1] + wt[1] * v[3] + wt[2] * v[5] + wt[3] * v[7]
            z0s.append(z0)
            z1s.append(z1)

        s_refs = []
        for r in range(1, 5):
            d0 = z0s[0] - z0s[r]
            d1 = z1s[0] - z1s[r]
            dist = _sqrt((w0v * d0) * d0 + (w1v * d1) * d1)
            s_refs.append(jnp.exp(-10.0 * dist))
        tot = (s_refs[0] + s_refs[1]) + (s_refs[2] + s_refs[3])
        out_v[pl.ds(obase, LANES)] = s_refs[0] / tot

    pltpu.sync_copy(out_v, out_hbm.at[pl.ds(base * N_OUTCOME, BPW * N_OUTCOME)])


def kernel(stimulus_set, percept_gate_weights_0, percept_gate_weights_1,
              E0, E1, E2, E3, w):
    idx = (stimulus_set.astype(jnp.int32)
           .reshape(NBLK, BLK, N_SLOT, N_OUTCOME)
           .transpose(2, 0, 3, 1)
           .reshape(BATCH * N_POS))
    g0 = (percept_gate_weights_0.reshape(NBLK, BLK, 2)
          .transpose(0, 2, 1).reshape(BATCH * 2))
    g1 = (percept_gate_weights_1.reshape(NBLK, BLK, 2)
          .transpose(0, 2, 1).reshape(BATCH * 2))
    out = _rank_sc(idx, g0, g1,
                   E0.reshape(62), E1.reshape(62),
                   E2.reshape(62), E3.reshape(62),
                   w.astype(jnp.float32))
    return (out.reshape(NBLK, N_OUTCOME, BLK)
            .transpose(0, 2, 1).reshape(BATCH, N_OUTCOME))

# --- scband reference (transcript-rebuilt; emitter-appended) ---
"""Pipeline reference for scband-rank-model-d-38869454029483 (READ-ONLY COPY).

The authoritative reference and input builder live on the scoring server;
editing this copy changes nothing except your own understanding.
"""

import jax, jax.numpy as jnp
import numpy as np

BATCH = 16384
N_STIMULI = 30
N_DIM = 2
N_REF = 4
N_OUTCOME = 4


def setup_inputs(seed: int = 0) -> dict:
    key = jax.random.key(seed)
    ks = jax.random.split(key, 8)
    # stimulus ids in [1, 30]; 0 is the mask token (avoid it so no refs are masked)
    stimulus_set = jax.random.randint(ks[0], (BATCH, N_REF + 1, N_OUTCOME), 1, N_STIMULI + 1)
    # gate weights: nonnegative mixing coefficients that sum to 1 per example
    g0 = jax.random.uniform(ks[1], (BATCH, 2), dtype=jnp.float32) + 1e-3
    g0 = g0 / jnp.sum(g0, axis=-1, keepdims=True)
    g1 = jax.random.uniform(ks[2], (BATCH, 2), dtype=jnp.float32) + 1e-3
    g1 = g1 / jnp.sum(g1, axis=-1, keepdims=True)
    # four percept embedding tables, (n_stimuli+1, n_dim), row 0 is the mask row
    E0 = 0.17 * jax.random.normal(ks[3], (N_STIMULI + 1, N_DIM), dtype=jnp.float32)
    E1 = 0.17 * jax.random.normal(ks[4], (N_STIMULI + 1, N_DIM), dtype=jnp.float32)
    E2 = 0.17 * jax.random.normal(ks[5], (N_STIMULI + 1, N_DIM), dtype=jnp.float32)
    E3 = 0.17 * jax.random.normal(ks[6], (N_STIMULI + 1, N_DIM), dtype=jnp.float32)
    # Minkowski weights (trainable, NonNegNorm-constrained at init to [1.2, 0.8])
    w = jnp.array([1.2, 0.8], dtype=jnp.float32)
    return {
        "stimulus_set": stimulus_set,
        "percept_gate_weights_0": g0,
        "percept_gate_weights_1": g1,
        "E0": E0, "E1": E1, "E2": E2, "E3": E3,
        "w": w,
    }


def reference(stimulus_set, percept_gate_weights_0, percept_gate_weights_1, E0, E1, E2, E3, w):
    g0 = percept_gate_weights_0
    g1 = percept_gate_weights_1
    # Embedding lookups (gather): [B, 5, O, D]
    z0 = jnp.take(E0, stimulus_set, axis=0)
    z1 = jnp.take(E1, stimulus_set, axis=0)
    z2 = jnp.take(E2, stimulus_set, axis=0)
    z3 = jnp.take(E3, stimulus_set, axis=0)
    # Inner braid gates (percept_01, percept_23) mix with gate weights 1
    a = g1[:, 0][:, None, None, None]
    b = g1[:, 1][:, None, None, None]
    z01 = a * z0 + b * z1
    z23 = a * z2 + b * z3
    # Outer braid gate (percept) mixes with gate weights 0
    c = g0[:, 0][:, None, None, None]
    d_ = g0[:, 1][:, None, None, None]
    z = c * z01 + d_ * z23  # [B, 5, O, D]
    # Split query and references
    z_q = z[:, :1]   # [B, 1, O, D]
    z_r = z[:, 1:]   # [B, 4, O, D]
    # Weighted Minkowski distance, rho = 2
    rho = 2.0
    dist = jnp.power(jnp.sum(w * jnp.power(jnp.abs(z_q - z_r), rho), axis=-1), 1.0 / rho)  # [B, 4, O]
    # Exponential similarity: exp(-beta * d^tau) + gamma; beta=10, tau=1, gamma=0
    s = jnp.exp(-10.0 * dist) + 0.0
    # Mask-zero handling: stimulus id 0 means absent reference
    is_present = (stimulus_set[:, 1:] != 0).astype(s.dtype)  # [B, 4, O]
    s = s * is_present
    # Rank probability for n_select=1: selected ref (position 0) over all refs, per outcome
    prob = s[:, 0, :] / jnp.sum(s, axis=1)  # [B, O]
    return prob

if __name__ == "__main__":
    import jax
    _d = setup_inputs()
    print(jax.jit(kernel)(*tuple(_d.values())))

</pallas_src>

<mosaic_0001>
#map = affine_map<(d0, d1) -> (0)>
module attributes {stable_mosaic.version = 14 : i64} {
  func.func @_rank_sc(%arg0: i32, %arg1: i32, %arg2: memref<327680xi32, #tpu.memory_space<hbm>>, %arg3: memref<32768xf32, #tpu.memory_space<hbm>>, %arg4: memref<32768xf32, #tpu.memory_space<hbm>>, %arg5: memref<62xf32, #tpu.memory_space<hbm>>, %arg6: memref<62xf32, #tpu.memory_space<hbm>>, %arg7: memref<62xf32, #tpu.memory_space<hbm>>, %arg8: memref<62xf32, #tpu.memory_space<hbm>>, %arg9: memref<2xf32, #tpu.memory_space<hbm>>, %arg10: memref<65536xf32, #tpu.memory_space<hbm>>, %arg11: memref<10240xi32, #tpu.memory_space<vmem>>, %arg12: memref<1024xf32, #tpu.memory_space<vmem>>, %arg13: memref<1024xf32, #tpu.memory_space<vmem>>, %arg14: memref<62xf32, #tpu.memory_space<vmem>>, %arg15: memref<62xf32, #tpu.memory_space<vmem>>, %arg16: memref<62xf32, #tpu.memory_space<vmem>>, %arg17: memref<62xf32, #tpu.memory_space<vmem>>, %arg18: memref<2xf32, #tpu.memory_space<vmem>>, %arg19: memref<256xf32, #tpu.memory_space<vmem>>, %arg20: memref<2048xf32, #tpu.memory_space<vmem>>, %arg21: memref<!tpu.dma_semaphore, #tpu.memory_space<semaphore_mem>>) attributes {dimension_semantics = [#tpu.dimension_semantics<core_parallel>, #tpu.dimension_semantics<subcore_parallel>], iteration_bounds = array<i64: 2, 16>, scalar_prefetch = 0 : i64, scratch_operands = 11 : i64, tpu.core_type = #tpu.core_type<sc_vector_subcore>, window_params = [{transform_indices = #map}, {transform_indices = #map}, {transform_indices = #map}, {transform_indices = #map}, {transform_indices = #map}, {transform_indices = #map}, {transform_indices = #map}, {transform_indices = #map}, {transform_indices = #map}]} {
    %mul3A = arith.constant 2 : i32
    %mul3A_0 = arith.muli %arg1, %mul3A : i32
    %add3A = arith.addi %mul3A_0, %arg0 : i32
    %mul3A_1 = arith.constant 512 : i32
    %mul3A_2 = arith.muli %add3A, %mul3A_1 : i32
    %mul3A_3 = arith.constant 4 : i32
    %mul3A_4 = arith.muli %mul3A_2, %mul3A_3 : i32
    %add3A_5 = arith.constant 0 : i32
    %add3A_6 = arith.addi %add3A_5, %mul3A_4 : i32
    %mul3A_7 = arith.constant 4 : i32
    %mul3A_8 = arith.muli %mul3A_2, %mul3A_7 : i32
    %add3A_9 = arith.constant 65536 : i32
    %add3A_10 = arith.addi %add3A_9, %mul3A_8 : i32
    %mul3A_11 = arith.constant 4 : i32
    %mul3A_12 = arith.muli %mul3A_2, %mul3A_11 : i32
    %add3A_13 = arith.constant 131072 : i32
    %add3A_14 = arith.addi %add3A_13, %mul3A_12 : i32
    %mul3A_15 = arith.constant 4 : i32
    %mul3A_16 = arith.muli %mul3A_2, %mul3A_15 : i32
    %add3A_17 = arith.constant 196608 : i32
    %add3A_18 = arith.addi %add3A_17, %mul3A_16 : i32
    %mul3A_19 = arith.constant 4 : i32
    %mul3A_20 = arith.muli %mul3A_2, %mul3A_19 : i32
    %add3A_21 = arith.constant 262144 : i32
    %add3A_22 = arith.addi %add3A_21, %mul3A_20 : i32
    %mul3A_23 = arith.constant 2 : i32
    %mul3A_24 = arith.muli %mul3A_2, %mul3A_23 : i32
    %mul3A_25 = arith.constant 2 : i32
    %mul3A_26 = arith.muli %mul3A_2, %mul3A_25 : i32
    %dma_start3A = arith.constant 0 : i32
    %dma_start3A_27 = tpu.memref_slice %arg11[%dma_start3A] : memref<10240xi32, #tpu.memory_space<vmem>> -> memref<2048xi32, #tpu.memory_space<vmem>>
    %dma_start3A_28 = tpu.memref_slice %arg2[%add3A_6] : memref<327680xi32, #tpu.memory_space<hbm>> -> memref<2048xi32, #tpu.memory_space<hbm>>
    %dma_start3A_29 = arith.constant 0 : i32
    %dma_start3A_30 = tpu.memref_slice %arg11[%dma_start3A_29] : memref<10240xi32, #tpu.memory_space<vmem>> -> memref<2048xi32, #tpu.memory_space<vmem>>
    %dma_start3A_31 = tpu.memref_slice %arg2[%add3A_6] : memref<327680xi32, #tpu.memory_space<hbm>> -> memref<2048xi32, #tpu.memory_space<hbm>>
    tpu.enqueue_dma source(%dma_start3A_31 : memref<2048xi32, #tpu.memory_space<hbm>>) target(%dma_start3A_30 : memref<2048xi32, #tpu.memory_space<vmem>>) target_semaphore(%arg21 : memref<!tpu.dma_semaphore, #tpu.memory_space<semaphore_mem>>)
    %dma_start3A_32 = arith.constant 2048 : i32
    %dma_start3A_33 = tpu.memref_slice %arg11[%dma_start3A_32] : memref<10240xi32, #tpu.memory_space<vmem>> -> memref<2048xi32, #tpu.memory_space<vmem>>
    %dma_start3A_34 = tpu.memref_slice %arg2[%add3A_10] : memref<327680xi32, #tpu.memory_space<hbm>> -> memref<2048xi32, #tpu.memory_space<hbm>>
    %dma_start3A_35 = arith.constant 2048 : i32
    %dma_start3A_36 = tpu.memref_slice %arg11[%dma_start3A_35] : memref<10240xi32, #tpu.memory_space<vmem>> -> memref<2048xi32, #tpu.memory_space<vmem>>
    %dma_start3A_37 = tpu.memref_slice %arg2[%add3A_10] : memref<327680xi32, #tpu.memory_space<hbm>> -> memref<2048xi32, #tpu.memory_space<hbm>>
    tpu.enqueue_dma source(%dma_start3A_37 : memref<2048xi32, #tpu.memory_space<hbm>>) target(%dma_start3A_36 : memref<2048xi32, #tpu.memory_space<vmem>>) target_semaphore(%arg21 : memref<!tpu.dma_semaphore, #tpu.memory_space<semaphore_mem>>)
    %dma_start3A_38 = arith.constant 4096 : i32
    %dma_start3A_39 = tpu.memref_slice %arg11[%dma_start3A_38] : memref<10240xi32, #tpu.memory_space<vmem>> -> memref<2048xi32, #tpu.memory_space<vmem>>
    %dma_start3A_40 = tpu.memref_slice %arg2[%add3A_14] : memref<327680xi32, #tpu.memory_space<hbm>> -> memref<2048xi32, #tpu.memory_space<hbm>>
    %dma_start3A_41 = arith.constant 4096 : i32
    %dma_start3A_42 = tpu.memref_slice %arg11[%dma_start3A_41] : memref<10240xi32, #tpu.memory_space<vmem>> -> memref<2048xi32, #tpu.memory_space<vmem>>
    %dma_start3A_43 = tpu.memref_slice %arg2[%add3A_14] : memref<327680xi32, #tpu.memory_space<hbm>> -> memref<2048xi32, #tpu.memory_space<hbm>>
    tpu.enqueue_dma source(%dma_start3A_43 : memref<2048xi32, #tpu.memory_space<hbm>>) target(%dma_start3A_42 : memref<2048xi32, #tpu.memory_space<vmem>>) target_semaphore(%arg21 : memref<!tpu.dma_semaphore, #tpu.memory_space<semaphore_mem>>)
    %dma_start3A_44 = arith.constant 6144 : i32
    %dma_start3A_45 = tpu.memref_slice %arg11[%dma_start3A_44] : memref<10240xi32, #tpu.memory_space<vmem>> -> memref<2048xi32, #tpu.memory_space<vmem>>
    %dma_start3A_46 = tpu.memref_slice %arg2[%add3A_18] : memref<327680xi32, #tpu.memory_space<hbm>> -> memref<2048xi32, #tpu.memory_space<hbm>>
    %dma_start3A_47 = arith.constant 6144 : i32
    %dma_start3A_48 = tpu.memref_slice %arg11[%dma_start3A_47] : memref<10240xi32, #tpu.memory_space<vmem>> -> memref<2048xi32, #tpu.memory_space<vmem>>
    %dma_start3A_49 = tpu.memref_slice %arg2[%add3A_18] : memref<327680xi32, #tpu.memory_space<hbm>> -> memref<2048xi32, #tpu.memory_space<hbm>>
    tpu.enqueue_dma source(%dma_start3A_49 : memref<2048xi32, #tpu.memory_space<hbm>>) target(%dma_start3A_48 : memref<2048xi32, #tpu.memory_space<vmem>>) target_semaphore(%arg21 : memref<!tpu.dma_semaphore, #tpu.memory_space<semaphore_mem>>)
    %dma_start3A_50 = arith.constant 8192 : i32
    %dma_start3A_51 = tpu.memref_slice %arg11[%dma_start3A_50] : memref<10240xi32, #tpu.memory_space<vmem>> -> memref<2048xi32, #tpu.memory_space<vmem>>
    %dma_start3A_52 = tpu.memref_slice %arg2[%add3A_22] : memref<327680xi32, #tpu.memory_space<hbm>> -> memref<2048xi32, #tpu.memory_space<hbm>>
    %dma_start3A_53 = arith.constant 8192 : i32
    %dma_start3A_54 = tpu.memref_slice %arg11[%dma_start3A_53] : memref<10240xi32, #tpu.memory_space<vmem>> -> memref<2048xi32, #tpu.memory_space<vmem>>
    %dma_start3A_55 = tpu.memref_slice %arg2[%add3A_22] : memref<327680xi32, #tpu.memory_space<hbm>> -> memref<2048xi32, #tpu.memory_space<hbm>>
    tpu.enqueue_dma source(%dma_start3A_55 : memref<2048xi32, #tpu.memory_space<hbm>>) target(%dma_start3A_54 : memref<2048xi32, #tpu.memory_space<vmem>>) target_semaphore(%arg21 : memref<!tpu.dma_semaphore, #tpu.memory_space<semaphore_mem>>)
    %dma_start3A_56 = tpu.memref_slice %arg3[%mul3A_24] : memref<32768xf32, #tpu.memory_space<hbm>> -> memref<1024xf32, #tpu.memory_space<hbm>>
    %dma_start3A_57 = tpu.memref_slice %arg3[%mul3A_24] : memref<32768xf32, #tpu.memory_space<hbm>> -> memref<1024xf32, #tpu.memory_space<hbm>>
    tpu.enqueue_dma source(%dma_start3A_57 : memref<1024xf32, #tpu.memory_space<hbm>>) target(%arg12 : memref<1024xf32, #tpu.memory_space<vmem>>) target_semaphore(%arg21 : memref<!tpu.dma_semaphore, #tpu.memory_space<semaphore_mem>>)
    %dma_start3A_58 = tpu.memref_slice %arg4[%mul3A_26] : memref<32768xf32, #tpu.memory_space<hbm>> -> memref<1024xf32, #tpu.memory_space<hbm>>
    %dma_start3A_59 = tpu.memref_slice %arg4[%mul3A_26] : memref<32768xf32, #tpu.memory_space<hbm>> -> memref<1024xf32, #tpu.memory_space<hbm>>
    tpu.enqueue_dma source(%dma_start3A_59 : memref<1024xf32, #tpu.memory_space<hbm>>) target(%arg13 : memref<1024xf32, #tpu.memory_space<vmem>>) target_semaphore(%arg21 : memref<!tpu.dma_semaphore, #tpu.memory_space<semaphore_mem>>)
    tpu.enqueue_dma source(%arg5 : memref<62xf32, #tpu.memory_space<hbm>>) target(%arg14 : memref<62xf32, #tpu.memory_space<vmem>>) target_semaphore(%arg21 : memref<!tpu.dma_semaphore, #tpu.memory_space<semaphore_mem>>)
    tpu.enqueue_dma source(%arg6 : memref<62xf32, #tpu.memory_space<hbm>>) target(%arg15 : memref<62xf32, #tpu.memory_space<vmem>>) target_semaphore(%arg21 : memref<!tpu.dma_semaphore, #tpu.memory_space<semaphore_mem>>)
    tpu.enqueue_dma source(%arg7 : memref<62xf32, #tpu.memory_space<hbm>>) target(%arg16 : memref<62xf32, #tpu.memory_space<vmem>>) target_semaphore(%arg21 : memref<!tpu.dma_semaphore, #tpu.memory_space<semaphore_mem>>)
    tpu.enqueue_dma source(%arg8 : memref<62xf32, #tpu.memory_space<hbm>>) target(%arg17 : memref<62xf32, #tpu.memory_space<vmem>>) target_semaphore(%arg21 : memref<!tpu.dma_semaphore, #tpu.memory_space<semaphore_mem>>)
    tpu.enqueue_dma source(%arg9 : memref<2xf32, #tpu.memory_space<hbm>>) target(%arg18 : memref<2xf32, #tpu.memory_space<vmem>>) target_semaphore(%arg21 : memref<!tpu.dma_semaphore, #tpu.memory_space<semaphore_mem>>)
    %dma_wait3A = arith.constant 0 : i32
    %dma_wait3A_60 = tpu.memref_slice %arg11[%dma_wait3A] : memref<10240xi32, #tpu.memory_space<vmem>> -> memref<2048xi32, #tpu.memory_space<vmem>>
    %dma_wait3A_61 = tpu.memref_slice %arg2[%add3A_6] : memref<327680xi32, #tpu.memory_space<hbm>> -> memref<2048xi32, #tpu.memory_space<hbm>>
    %dma_wait3A_62 = arith.constant 0 : i32
    %dma_wait3A_63 = tpu.memref_slice %arg11[%dma_wait3A_62] : memref<10240xi32, #tpu.memory_space<vmem>> -> memref<2048xi32, #tpu.memory_space<vmem>>
    %dma_wait3A_64 = tpu.memref_slice %arg2[%add3A_6] : memref<327680xi32, #tpu.memory_space<hbm>> -> memref<2048xi32, #tpu.memory_space<hbm>>
    tpu.wait_dma2 semaphore(%arg21 : memref<!tpu.dma_semaphore, #tpu.memory_space<semaphore_mem>>) src(%dma_wait3A_64 : memref<2048xi32, #tpu.memory_space<hbm>>) dst(%dma_wait3A_63 : memref<2048xi32, #tpu.memory_space<vmem>>)
    %dma_wait3A_65 = arith.constant 2048 : i32
    %dma_wait3A_66 = tpu.memref_slice %arg11[%dma_wait3A_65] : memref<10240xi32, #tpu.memory_space<vmem>> -> memref<2048xi32, #tpu.memory_space<vmem>>
    %dma_wait3A_67 = tpu.memref_slice %arg2[%add3A_10] : memref<327680xi32, #tpu.memory_space<hbm>> -> memref<2048xi32, #tpu.memory_space<hbm>>
    %dma_wait3A_68 = arith.constant 2048 : i32
    %dma_wait3A_69 = tpu.memref_slice %arg11[%dma_wait3A_68] : memref<10240xi32, #tpu.memory_space<vmem>> -> memref<2048xi32, #tpu.memory_space<vmem>>
    %dma_wait3A_70 = tpu.memref_slice %arg2[%add3A_10] : memref<327680xi32, #tpu.memory_space<hbm>> -> memref<2048xi32, #tpu.memory_space<hbm>>
    tpu.wait_dma2 semaphore(%arg21 : memref<!tpu.dma_semaphore, #tpu.memory_space<semaphore_mem>>) src(%dma_wait3A_70 : memref<2048xi32, #tpu.memory_space<hbm>>) dst(%dma_wait3A_69 : memref<2048xi32, #tpu.memory_space<vmem>>)
    %dma_wait3A_71 = arith.constant 4096 : i32
    %dma_wait3A_72 = tpu.memref_slice %arg11[%dma_wait3A_71] : memref<10240xi32, #tpu.memory_space<vmem>> -> memref<2048xi32, #tpu.memory_space<vmem>>
    %dma_wait3A_73 = tpu.memref_slice %arg2[%add3A_14] : memref<327680xi32, #tpu.memory_space<hbm>> -> memref<2048xi32, #tpu.memory_space<hbm>>
    %dma_wait3A_74 = arith.constant 4096 : i32
    %dma_wait3A_75 = tpu.memref_slice %arg11[%dma_wait3A_74] : memref<10240xi32, #tpu.memory_space<vmem>> -> memref<2048xi32, #tpu.memory_space<vmem>>
    %dma_wait3A_76 = tpu.memref_slice %arg2[%add3A_14] : memref<327680xi32, #tpu.memory_space<hbm>> -> memref<2048xi32, #tpu.memory_space<hbm>>
    tpu.wait_dma2 semaphore(%arg21 : memref<!tpu.dma_semaphore, #tpu.memory_space<semaphore_mem>>) src(%dma_wait3A_76 : memref<2048xi32, #tpu.memory_space<hbm>>) dst(%dma_wait3A_75 : memref<2048xi32, #tpu.memory_space<vmem>>)
    %dma_wait3A_77 = arith.constant 6144 : i32
    %dma_wait3A_78 = tpu.memref_slice %arg11[%dma_wait3A_77] : memref<10240xi32, #tpu.memory_space<vmem>> -> memref<2048xi32, #tpu.memory_space<vmem>>
    %dma_wait3A_79 = tpu.memref_slice %arg2[%add3A_18] : memref<327680xi32, #tpu.memory_space<hbm>> -> memref<2048xi32, #tpu.memory_space<hbm>>
    %dma_wait3A_80 = arith.constant 6144 : i32
    %dma_wait3A_81 = tpu.memref_slice %arg11[%dma_wait3A_80] : memref<10240xi32, #tpu.memory_space<vmem>> -> memref<2048xi32, #tpu.memory_space<vmem>>
    %dma_wait3A_82 = tpu.memref_slice %arg2[%add3A_18] : memref<327680xi32, #tpu.memory_space<hbm>> -> memref<2048xi32, #tpu.memory_space<hbm>>
    tpu.wait_dma2 semaphore(%arg21 : memref<!tpu.dma_semaphore, #tpu.memory_space<semaphore_mem>>) src(%dma_wait3A_82 : memref<2048xi32, #tpu.memory_space<hbm>>) dst(%dma_wait3A_81 : memref<2048xi32, #tpu.memory_space<vmem>>)
    %dma_wait3A_83 = arith.constant 8192 : i32
    %dma_wait3A_84 = tpu.memref_slice %arg11[%dma_wait3A_83] : memref<10240xi32, #tpu.memory_space<vmem>> -> memref<2048xi32, #tpu.memory_space<vmem>>
    %dma_wait3A_85 = tpu.memref_slice %arg2[%add3A_22] : memref<327680xi32, #tpu.memory_space<hbm>> -> memref<2048xi32, #tpu.memory_space<hbm>>
    %dma_wait3A_86 = arith.constant 8192 : i32
    %dma_wait3A_87 = tpu.memref_slice %arg11[%dma_wait3A_86] : memref<10240xi32, #tpu.memory_space<vmem>> -> memref<2048xi32, #tpu.memory_space<vmem>>
    %dma_wait3A_88 = tpu.memref_slice %arg2[%add3A_22] : memref<327680xi32, #tpu.memory_space<hbm>> -> memref<2048xi32, #tpu.memory_space<hbm>>
    tpu.wait_dma2 semaphore(%arg21 : memref<!tpu.dma_semaphore, #tpu.memory_space<semaphore_mem>>) src(%dma_wait3A_88 : memref<2048xi32, #tpu.memory_space<hbm>>) dst(%dma_wait3A_87 : memref<2048xi32, #tpu.memory_space<vmem>>)
    %dma_wait3A_89 = tpu.memref_slice %arg3[%mul3A_24] : memref<32768xf32, #tpu.memory_space<hbm>> -> memref<1024xf32, #tpu.memory_space<hbm>>
    %dma_wait3A_90 = tpu.memref_slice %arg3[%mul3A_24] : memref<32768xf32, #tpu.memory_space<hbm>> -> memref<1024xf32, #tpu.memory_space<hbm>>
    tpu.wait_dma2 semaphore(%arg21 : memref<!tpu.dma_semaphore, #tpu.memory_space<semaphore_mem>>) src(%dma_wait3A_90 : memref<1024xf32, #tpu.memory_space<hbm>>) dst(%arg12 : memref<1024xf32, #tpu.memory_space<vmem>>)
    %dma_wait3A_91 = tpu.memref_slice %arg4[%mul3A_26] : memref<32768xf32, #tpu.memory_space<hbm>> -> memref<1024xf32, #tpu.memory_space<hbm>>
    %dma_wait3A_92 = tpu.memref_slice %arg4[%mul3A_26] : memref<32768xf32, #tpu.memory_space<hbm>> -> memref<1024xf32, #tpu.memory_space<hbm>>
    tpu.wait_dma2 semaphore(%arg21 : memref<!tpu.dma_semaphore, #tpu.memory_space<semaphore_mem>>) src(%dma_wait3A_92 : memref<1024xf32, #tpu.memory_space<hbm>>) dst(%arg13 : memref<1024xf32, #tpu.memory_space<vmem>>)
    tpu.wait_dma2 semaphore(%arg21 : memref<!tpu.dma_semaphore, #tpu.memory_space<semaphore_mem>>) src(%arg5 : memref<62xf32, #tpu.memory_space<hbm>>) dst(%arg14 : memref<62xf32, #tpu.memory_space<vmem>>)
    tpu.wait_dma2 semaphore(%arg21 : memref<!tpu.dma_semaphore, #tpu.memory_space<semaphore_mem>>) src(%arg6 : memref<62xf32, #tpu.memory_space<hbm>>) dst(%arg15 : memref<62xf32, #tpu.memory_space<vmem>>)
    tpu.wait_dma2 semaphore(%arg21 : memref<!tpu.dma_semaphore, #tpu.memory_space<semaphore_mem>>) src(%arg7 : memref<62xf32, #tpu.memory_space<hbm>>) dst(%arg16 : memref<62xf32, #tpu.memory_space<vmem>>)
    tpu.wait_dma2 semaphore(%arg21 : memref<!tpu.dma_semaphore, #tpu.memory_space<semaphore_mem>>) src(%arg8 : memref<62xf32, #tpu.memory_space<hbm>>) dst(%arg17 : memref<62xf32, #tpu.memory_space<vmem>>)
    tpu.wait_dma2 semaphore(%arg21 : memref<!tpu.dma_semaphore, #tpu.memory_space<semaphore_mem>>) src(%arg9 : memref<2xf32, #tpu.memory_space<hbm>>) dst(%arg18 : memref<2xf32, #tpu.memory_space<vmem>>)
    %iota3A = tpu.iota {dimensions = array<i32: 0>} : vector<16xi32>
    %add3A_93 = arith.constant 0 : i32
    %add3A_94 = vector.broadcast %add3A_93 : i32 to vector<16xi32>
    %add3A_95 = arith.addi %iota3A, %add3A_94 : vector<16xi32>
    %min3A = arith.constant 30 : i32
    %min3A_96 = vector.broadcast %min3A : i32 to vector<16xi32>
    %min3A_97 = arith.minsi %add3A_95, %min3A_96 : vector<16xi32>
    %add3A_98 = arith.addi %min3A_97, %min3A_97 : vector<16xi32>
    %add3A_99 = arith.constant 0 : i32
    %add3A_100 = vector.broadcast %add3A_99 : i32 to vector<16xi32>
    %add3A_101 = arith.addi %add3A_98, %add3A_100 : vector<16xi32>
    %gather3A = tpu.vector_load_idx %arg14[%add3A_101] : memref<62xf32, #tpu.memory_space<vmem>>[vector<16xi32>], vector<16xf32>,
    %swap3A = arith.constant 0 : index
    %swap3A_102 = tpu.vector_load %arg19[%swap3A] {strides = array<i32>} : memref<256xf32, #tpu.memory_space<vmem>>, vector<16xf32>,
    tpu.vector_store %arg19[%swap3A], %gather3A {strides = array<i32>} : memref<256xf32, #tpu.memory_space<vmem>>, vector<16xf32>,
    %add3A_103 = arith.constant 1 : i32
    %add3A_104 = vector.broadcast %add3A_103 : i32 to vector<16xi32>
    %add3A_105 = arith.addi %add3A_98, %add3A_104 : vector<16xi32>
    %gather3A_106 = tpu.vector_load_idx %arg14[%add3A_105] : memref<62xf32, #tpu.memory_space<vmem>>[vector<16xi32>], vector<16xf32>,
    %swap3A_107 = arith.constant 32 : index
    %swap3A_108 = tpu.vector_load %arg19[%swap3A_107] {strides = array<i32>} : memref<256xf32, #tpu.memory_space<vmem>>, vector<16xf32>,
    tpu.vector_store %arg19[%swap3A_107], %gather3A_106 {strides = array<i32>} : memref<256xf32, #tpu.memory_space<vmem>>, vector<16xf32>,
    %add3A_109 = arith.constant 0 : i32
    %add3A_110 = vector.broadcast %add3A_109 : i32 to vector<16xi32>
    %add3A_111 = arith.addi %add3A_98, %add3A_110 : vector<16xi32>
    %gather3A_112 = tpu.vector_load_idx %arg15[%add3A_111] : memref<62xf32, #tpu.memory_space<vmem>>[vector<16xi32>], vector<16xf32>,
    %swap3A_113 = arith.constant 64 : index
    %swap3A_114 = tpu.vector_load %arg19[%swap3A_113] {strides = array<i32>} : memref<256xf32, #tpu.memory_space<vmem>>, vector<16xf32>,
    tpu.vector_store %arg19[%swap3A_113], %gather3A_112 {strides = array<i32>} : memref<256xf32, #tpu.memory_space<vmem>>, vector<16xf32>,
    %add3A_115 = arith.constant 1 : i32
    %add3A_116 = vector.broadcast %add3A_115 : i32 to vector<16xi32>
    %add3A_117 = arith.addi %add3A_98, %add3A_116 : vector<16xi32>
    %gather3A_118 = tpu.vector_load_idx %arg15[%add3A_117] : memref<62xf32, #tpu.memory_space<vmem>>[vector<16xi32>], vector<16xf32>,
    %swap3A_119 = arith.constant 96 : index
    %swap3A_120 = tpu.vector_load %arg19[%swap3A_119] {strides = array<i32>} : memref<256xf32, #tpu.memory_space<vmem>>, vector<16xf32>,
    tpu.vector_store %arg19[%swap3A_119], %gather3A_118 {strides = array<i32>} : memref<256xf32, #tpu.memory_space<vmem>>, vector<16xf32>,
    %add3A_121 = arith.constant 0 : i32
    %add3A_122 = vector.broadcast %add3A_121 : i32 to vector<16xi32>
    %add3A_123 = arith.addi %add3A_98, %add3A_122 : vector<16xi32>
    %gather3A_124 = tpu.vector_load_idx %arg16[%add3A_123] : memref<62xf32, #tpu.memory_space<vmem>>[vector<16xi32>], vector<16xf32>,
    %swap3A_125 = arith.constant 128 : index
    %swap3A_126 = tpu.vector_load %arg19[%swap3A_125] {strides = array<i32>} : memref<256xf32, #tpu.memory_space<vmem>>, vector<16xf32>,
    tpu.vector_store %arg19[%swap3A_125], %gather3A_124 {strides = array<i32>} : memref<256xf32, #tpu.memory_space<vmem>>, vector<16xf32>,
    %add3A_127 = arith.constant 1 : i32
    %add3A_128 = vector.broadcast %add3A_127 : i32 to vector<16xi32>
    %add3A_129 = arith.addi %add3A_98, %add3A_128 : vector<16xi32>
    %gather3A_130 = tpu.vector_load_idx %arg16[%add3A_129] : memref<62xf32, #tpu.memory_space<vmem>>[vector<16xi32>], vector<16xf32>,
    %swap3A_131 = arith.constant 160 : index
    %swap3A_132 = tpu.vector_load %arg19[%swap3A_131] {strides = array<i32>} : memref<256xf32, #tpu.memory_space<vmem>>, vector<16xf32>,
    tpu.vector_store %arg19[%swap3A_131], %gather3A_130 {strides = array<i32>} : memref<256xf32, #tpu.memory_space<vmem>>, vector<16xf32>,
    %add3A_133 = arith.constant 0 : i32
    %add3A_134 = vector.broadcast %add3A_133 : i32 to vector<16xi32>
    %add3A_135 = arith.addi %add3A_98, %add3A_134 : vector<16xi32>
    %gather3A_136 = tpu.vector_load_idx %arg17[%add3A_135] : memref<62xf32, #tpu.memory_space<vmem>>[vector<16xi32>], vector<16xf32>,
    %swap3A_137 = arith.constant 192 : index
    %swap3A_138 = tpu.vector_load %arg19[%swap3A_137] {strides = array<i32>} : memref<256xf32, #tpu.memory_space<vmem>>, vector<16xf32>,
    tpu.vector_store %arg19[%swap3A_137], %gather3A_136 {strides = array<i32>} : memref<256xf32, #tpu.memory_space<vmem>>, vector<16xf32>,
    %add3A_139 = arith.constant 1 : i32
    %add3A_140 = vector.broadcast %add3A_139 : i32 to vector<16xi32>
    %add3A_141 = arith.addi %add3A_98, %add3A_140 : vector<16xi32>
    %gather3A_142 = tpu.vector_load_idx %arg17[%add3A_141] : memref<62xf32, #tpu.memory_space<vmem>>[vector<16xi32>], vector<16xf32>,
    %swap3A_143 = arith.constant 224 : index
    %swap3A_144 = tpu.vector_load %arg19[%swap3A_143] {strides = array<i32>} : memref<256xf32, #tpu.memory_space<vmem>>, vector<16xf32>,
    tpu.vector_store %arg19[%swap3A_143], %gather3A_142 {strides = array<i32>} : memref<256xf32, #tpu.memory_space<vmem>>, vector<16xf32>,
    %add3A_145 = arith.constant 16 : i32
    %add3A_146 = vector.broadcast %add3A_145 : i32 to vector<16xi32>
    %add3A_147 = arith.addi %iota3A, %add3A_146 : vector<16xi32>
    %min3A_148 = arith.constant 30 : i32
    %min3A_149 = vector.broadcast %min3A_148 : i32 to vector<16xi32>
    %min3A_150 = arith.minsi %add3A_147, %min3A_149 : vector<16xi32>
    %add3A_151 = arith.addi %min3A_150, %min3A_150 : vector<16xi32>
    %add3A_152 = arith.constant 0 : i32
    %add3A_153 = vector.broadcast %add3A_152 : i32 to vector<16xi32>
    %add3A_154 = arith.addi %add3A_151, %add3A_153 : vector<16xi32>
    %gather3A_155 = tpu.vector_load_idx %arg14[%add3A_154] : memref<62xf32, #tpu.memory_space<vmem>>[vector<16xi32>], vector<16xf32>,
    %swap3A_156 = arith.constant 16 : index
    %swap3A_157 = tpu.vector_load %arg19[%swap3A_156] {strides = array<i32>} : memref<256xf32, #tpu.memory_space<vmem>>, vector<16xf32>,
    tpu.vector_store %arg19[%swap3A_156], %gather3A_155 {strides = array<i32>} : memref<256xf32, #tpu.memory_space<vmem>>, vector<16xf32>,
    %add3A_158 = arith.constant 1 : i32
    %add3A_159 = vector.broadcast %add3A_158 : i32 to vector<16xi32>
    %add3A_160 = arith.addi %add3A_151, %add3A_159 : vector<16xi32>
    %gather3A_161 = tpu.vector_load_idx %arg14[%add3A_160] : memref<62xf32, #tpu.memory_space<vmem>>[vector<16xi32>], vector<16xf32>,
    %swap3A_162 = arith.constant 48 : index
    %swap3A_163 = tpu.vector_load %arg19[%swap3A_162] {strides = array<i32>} : memref<256xf32, #tpu.memory_space<vmem>>, vector<16xf32>,
    tpu.vector_store %arg19[%swap3A_162], %gather3A_161 {strides = array<i32>} : memref<256xf32, #tpu.memory_space<vmem>>, vector<16xf32>,
    %add3A_164 = arith.constant 0 : i32
    %add3A_165 = vector.broadcast %add3A_164 : i32 to vector<16xi32>
    %add3A_166 = arith.addi %add3A_151, %add3A_165 : vector<16xi32>
    %gather3A_167 = tpu.vector_load_idx %arg15[%add3A_166] : memref<62xf32, #tpu.memory_space<vmem>>[vector<16xi32>], vector<16xf32>,
    %swap3A_168 = arith.constant 80 : index
    %swap3A_169 = tpu.vector_load %arg19[%swap3A_168] {strides = array<i32>} : memref<256xf32, #tpu.memory_space<vmem>>, vector<16xf32>,
    tpu.vector_store %arg19[%swap3A_168], %gather3A_167 {strides = array<i32>} : memref<256xf32, #tpu.memory_space<vmem>>, vector<16xf32>,
    %add3A_170 = arith.constant 1 : i32
    %add3A_171 = vector.broadcast %add3A_170 : i32 to vector<16xi32>
    %add3A_172 = arith.addi %add3A_151, %add3A_171 : vector<16xi32>
    %gather3A_173 = tpu.vector_load_idx %arg15[%add3A_172] : memref<62xf32, #tpu.memory_space<vmem>>[vector<16xi32>], vector<16xf32>,
    %swap3A_174 = arith.constant 112 : index
    %swap3A_175 = tpu.vector_load %arg19[%swap3A_174] {strides = array<i32>} : memref<256xf32, #tpu.memory_space<vmem>>, vector<16xf32>,
    tpu.vector_store %arg19[%swap3A_174], %gather3A_173 {strides = array<i32>} : memref<256xf32, #tpu.memory_space<vmem>>, vector<16xf32>,
    %add3A_176 = arith.constant 0 : i32
    %add3A_177 = vector.broadcast %add3A_176 : i32 to vector<16xi32>
    %add3A_178 = arith.addi %add3A_151, %add3A_177 : vector<16xi32>
    %gather3A_179 = tpu.vector_load_idx %arg16[%add3A_178] : memref<62xf32, #tpu.memory_space<vmem>>[vector<16xi32>], vector<16xf32>,
    %swap3A_180 = arith.constant 144 : index
    %swap3A_181 = tpu.vector_load %arg19[%swap3A_180] {strides = array<i32>} : memref<256xf32, #tpu.memory_space<vmem>>, vector<16xf32>,
    tpu.vector_store %arg19[%swap3A_180], %gather3A_179 {strides = array<i32>} : memref<256xf32, #tpu.memory_space<vmem>>, vector<16xf32>,
    %add3A_182 = arith.constant 1 : i32
    %add3A_183 = vector.broadcast %add3A_182 : i32 to vector<16xi32>
    %add3A_184 = arith.addi %add3A_151, %add3A_183 : vector<16xi32>
    %gather3A_185 = tpu.vector_load_idx %arg16[%add3A_184] : memref<62xf32, #tpu.memory_space<vmem>>[vector<16xi32>], vector<16xf32>,
    %swap3A_186 = arith.constant 176 : index
    %swap3A_187 = tpu.vector_load %arg19[%swap3A_186] {strides = array<i32>} : memref<256xf32, #tpu.memory_space<vmem>>, vector<16xf32>,
    tpu.vector_store %arg19[%swap3A_186], %gather3A_185 {strides = array<i32>} : memref<256xf32, #tpu.memory_space<vmem>>, vector<16xf32>,
    %add3A_188 = arith.constant 0 : i32
    %add3A_189 = vector.broadcast %add3A_188 : i32 to vector<16xi32>
    %add3A_190 = arith.addi %add3A_151, %add3A_189 : vector<16xi32>
    %gather3A_191 = tpu.vector_load_idx %arg17[%add3A_190] : memref<62xf32, #tpu.memory_space<vmem>>[vector<16xi32>], vector<16xf32>,
    %swap3A_192 = arith.constant 208 : index
    %swap3A_193 = tpu.vector_load %arg19[%swap3A_192] {strides = array<i32>} : memref<256xf32, #tpu.memory_space<vmem>>, vector<16xf32>,
    tpu.vector_store %arg19[%swap3A_192], %gather3A_191 {strides = array<i32>} : memref<256xf32, #tpu.memory_space<vmem>>, vector<16xf32>,
    %add3A_194 = arith.constant 1 : i32
    %add3A_195 = vector.broadcast %add3A_194 : i32 to vector<16xi32>
    %add3A_196 = arith.addi %add3A_151, %add3A_195 : vector<16xi32>
    %gather3A_197 = tpu.vector_load_idx %arg17[%add3A_196] : memref<62xf32, #tpu.memory_space<vmem>>[vector<16xi32>], vector<16xf32>,
    %swap3A_198 = arith.constant 240 : index
    %swap3A_199 = tpu.vector_load %arg19[%swap3A_198] {strides = array<i32>} : memref<256xf32, #tpu.memory_space<vmem>>, vector<16xf32>,
    tpu.vector_store %arg19[%swap3A_198], %gather3A_197 {strides = array<i32>} : memref<256xf32, #tpu.memory_space<vmem>>, vector<16xf32>,
    %broadcast_in_dim3A = arith.constant 0 : i32
    %broadcast_in_dim3A_200 = vector.broadcast %broadcast_in_dim3A : i32 to vector<16xi32>
    %gather3A_201 = tpu.vector_load_idx %arg18[%broadcast_in_dim3A_200] : memref<2xf32, #tpu.memory_space<vmem>>[vector<16xi32>], vector<16xf32>,
    %add3A_202 = arith.constant 1 : i32
    %add3A_203 = vector.broadcast %add3A_202 : i32 to vector<16xi32>
    %add3A_204 = arith.addi %broadcast_in_dim3A_200, %add3A_203 : vector<16xi32>
    %gather3A_205 = tpu.vector_load_idx %arg18[%add3A_204] : memref<2xf32, #tpu.memory_space<vmem>>[vector<16xi32>], vector<16xf32>,
    %parallel_loop3A = arith.constant 0 : i32
    %parallel_loop3A_206 = arith.constant 128 : i32
    %parallel_loop3A_207 = arith.constant 1 : i32
    scf.for %parallel_loop3A_210 = %parallel_loop3A to %parallel_loop3A_206 step %parallel_loop3A_207  : i32 {
      %parallel_loop3A_211 = arith.constant 4 : i32
      %parallel_loop3A_212 = arith.divsi %parallel_loop3A_210, %parallel_loop3A_211 : i32
      %parallel_loop3A_213 = arith.constant 0 : i32
      %parallel_loop3A_214 = arith.cmpi sgt, %parallel_loop3A_210, %parallel_loop3A_213 : i32
      %parallel_loop3A_215 = arith.extui %parallel_loop3A_214 : i1 to i32
      %parallel_loop3A_216 = arith.constant 0 : i32
      %parallel_loop3A_217 = arith.cmpi slt, %parallel_loop3A_210, %parallel_loop3A_216 : i32
      %parallel_loop3A_218 = arith.extui %parallel_loop3A_217 : i1 to i32
      %parallel_loop3A_219 = arith.subi %parallel_loop3A_215, %parallel_loop3A_218 : i32
      %parallel_loop3A_220 = arith.constant 0 : i32
      %parallel_loop3A_221 = arith.cmpi sgt, %parallel_loop3A_211, %parallel_loop3A_220 : i32
      %parallel_loop3A_222 = arith.extui %parallel_loop3A_221 : i1 to i32
      %parallel_loop3A_223 = arith.constant 0 : i32
      %parallel_loop3A_224 = arith.cmpi slt, %parallel_loop3A_211, %parallel_loop3A_223 : i32
      %parallel_loop3A_225 = arith.extui %parallel_loop3A_224 : i1 to i32
      %parallel_loop3A_226 = arith.subi %parallel_loop3A_222, %parallel_loop3A_225 : i32
      %parallel_loop3A_227 = arith.cmpi ne, %parallel_loop3A_219, %parallel_loop3A_226 : i32
      %parallel_loop3A_228 = arith.remsi %parallel_loop3A_210, %parallel_loop3A_211 : i32
      %parallel_loop3A_229 = arith.constant 0 : i32
      %parallel_loop3A_230 = arith.cmpi ne, %parallel_loop3A_228, %parallel_loop3A_229 : i32
      %parallel_loop3A_231 = arith.andi %parallel_loop3A_227, %parallel_loop3A_230 : i1
      %parallel_loop3A_232 = arith.constant 1 : i32
      %parallel_loop3A_233 = arith.subi %parallel_loop3A_212, %parallel_loop3A_232 : i32
      %parallel_loop3A_234 = arith.select %parallel_loop3A_231, %parallel_loop3A_233, %parallel_loop3A_212 : i32
      %parallel_loop3A_235 = arith.constant 4 : i32
      %parallel_loop3A_236 = arith.constant 0 : i32
      %parallel_loop3A_237 = arith.cmpi eq, %parallel_loop3A_235, %parallel_loop3A_236 : i32
      %parallel_loop3A_238 = arith.constant 1 : i32
      %parallel_loop3A_239 = arith.select %parallel_loop3A_237, %parallel_loop3A_238, %parallel_loop3A_235 : i32
      %parallel_loop3A_240 = arith.remsi %parallel_loop3A_210, %parallel_loop3A_239 : i32
      %parallel_loop3A_241 = arith.constant 0 : i32
      %parallel_loop3A_242 = arith.cmpi ne, %parallel_loop3A_240, %parallel_loop3A_241 : i32
      %parallel_loop3A_243 = arith.constant 0 : i32
      %parallel_loop3A_244 = arith.cmpi slt, %parallel_loop3A_240, %parallel_loop3A_243 : i32
      %parallel_loop3A_245 = arith.constant 0 : i32
      %parallel_loop3A_246 = arith.cmpi slt, %parallel_loop3A_239, %parallel_loop3A_245 : i32
      %parallel_loop3A_247 = arith.xori %parallel_loop3A_244, %parallel_loop3A_246 : i1
      %parallel_loop3A_248 = arith.andi %parallel_loop3A_247, %parallel_loop3A_242 : i1
      %parallel_loop3A_249 = arith.addi %parallel_loop3A_240, %parallel_loop3A_239 : i32
      %parallel_loop3A_250 = arith.select %parallel_loop3A_248, %parallel_loop3A_249, %parallel_loop3A_240 : i32
      %parallel_loop3A_251 = arith.constant 8 : i32
      %parallel_loop3A_252 = arith.divsi %parallel_loop3A_234, %parallel_loop3A_251 : i32
      %parallel_loop3A_253 = arith.constant 0 : i32
      %parallel_loop3A_254 = arith.cmpi sgt, %parallel_loop3A_234, %parallel_loop3A_253 : i32
      %parallel_loop3A_255 = arith.extui %parallel_loop3A_254 : i1 to i32
      %parallel_loop3A_256 = arith.constant 0 : i32
      %parallel_loop3A_257 = arith.cmpi slt, %parallel_loop3A_234, %parallel_loop3A_256 : i32
      %parallel_loop3A_258 = arith.extui %parallel_loop3A_257 : i1 to i32
      %parallel_loop3A_259 = arith.subi %parallel_loop3A_255, %parallel_loop3A_258 : i32
      %parallel_loop3A_260 = arith.constant 0 : i32
      %parallel_loop3A_261 = arith.cmpi sgt, %parallel_loop3A_251, %parallel_loop3A_260 : i32
      %parallel_loop3A_262 = arith.extui %parallel_loop3A_261 : i1 to i32
      %parallel_loop3A_263 = arith.constant 0 : i32
      %parallel_loop3A_264 = arith.cmpi slt, %parallel_loop3A_251, %parallel_loop3A_263 : i32
      %parallel_loop3A_265 = arith.extui %parallel_loop3A_264 : i1 to i32
      %parallel_loop3A_266 = arith.subi %parallel_loop3A_262, %parallel_loop3A_265 : i32
      %parallel_loop3A_267 = arith.cmpi ne, %parallel_loop3A_259, %parallel_loop3A_266 : i32
      %parallel_loop3A_268 = arith.remsi %parallel_loop3A_234, %parallel_loop3A_251 : i32
      %parallel_loop3A_269 = arith.constant 0 : i32
      %parallel_loop3A_270 = arith.cmpi ne, %parallel_loop3A_268, %parallel_loop3A_269 : i32
      %parallel_loop3A_271 = arith.andi %parallel_loop3A_267, %parallel_loop3A_270 : i1
      %parallel_loop3A_272 = arith.constant 1 : i32
      %parallel_loop3A_273 = arith.subi %parallel_loop3A_252, %parallel_loop3A_272 : i32
      %parallel_loop3A_274 = arith.select %parallel_loop3A_271, %parallel_loop3A_273, %parallel_loop3A_252 : i32
      %parallel_loop3A_275 = arith.constant 8 : i32
      %parallel_loop3A_276 = arith.constant 0 : i32
      %parallel_loop3A_277 = arith.cmpi eq, %parallel_loop3A_275, %parallel_loop3A_276 : i32
      %parallel_loop3A_278 = arith.constant 1 : i32
      %parallel_loop3A_279 = arith.select %parallel_loop3A_277, %parallel_loop3A_278, %parallel_loop3A_275 : i32
      %parallel_loop3A_280 = arith.remsi %parallel_loop3A_234, %parallel_loop3A_279 : i32
      %parallel_loop3A_281 = arith.constant 0 : i32
      %parallel_loop3A_282 = arith.cmpi ne, %parallel_loop3A_280, %parallel_loop3A_281 : i32
      %parallel_loop3A_283 = arith.constant 0 : i32
      %parallel_loop3A_284 = arith.cmpi slt, %parallel_loop3A_280, %parallel_loop3A_283 : i32
      %parallel_loop3A_285 = arith.constant 0 : i32
      %parallel_loop3A_286 = arith.cmpi slt, %parallel_loop3A_279, %parallel_loop3A_285 : i32
      %parallel_loop3A_287 = arith.xori %parallel_loop3A_284, %parallel_loop3A_286 : i1
      %parallel_loop3A_288 = arith.andi %parallel_loop3A_287, %parallel_loop3A_282 : i1
      %parallel_loop3A_289 = arith.addi %parallel_loop3A_280, %parallel_loop3A_279 : i32
      %parallel_loop3A_290 = arith.select %parallel_loop3A_288, %parallel_loop3A_289, %parallel_loop3A_280 : i32
      %parallel_loop3A_291 = arith.constant 16 : i32
      %parallel_loop3A_292 = arith.muli %parallel_loop3A_290, %parallel_loop3A_291 : i32
      %parallel_loop3A_293 = arith.constant 256 : i32
      %parallel_loop3A_294 = arith.muli %parallel_loop3A_274, %parallel_loop3A_293 : i32
      %parallel_loop3A_295 = arith.addi %parallel_loop3A_294, %parallel_loop3A_292 : i32
      %parallel_loop3A_296 = arith.index_cast %parallel_loop3A_295 : i32 to index
      %parallel_loop3A_297 = tpu.vector_load %arg13[%parallel_loop3A_296] {strides = array<i32>} : memref<1024xf32, #tpu.memory_space<vmem>>, vector<16xf32>,
      %parallel_loop3A_298 = arith.constant 128 : i32
      %parallel_loop3A_299 = arith.addi %parallel_loop3A_295, %parallel_loop3A_298 : i32
      %parallel_loop3A_300 = arith.index_cast %parallel_loop3A_299 : i32 to index
      %parallel_loop3A_301 = tpu.vector_load %arg13[%parallel_loop3A_300] {strides = array<i32>} : memref<1024xf32, #tpu.memory_space<vmem>>, vector<16xf32>,
      %parallel_loop3A_302 = arith.index_cast %parallel_loop3A_295 : i32 to index
      %parallel_loop3A_303 = tpu.vector_load %arg12[%parallel_loop3A_302] {strides = array<i32>} : memref<1024xf32, #tpu.memory_space<vmem>>, vector<16xf32>,
      %parallel_loop3A_304 = arith.constant 128 : i32
      %parallel_loop3A_305 = arith.addi %parallel_loop3A_295, %parallel_loop3A_304 : i32
      %parallel_loop3A_306 = arith.index_cast %parallel_loop3A_305 : i32 to index
      %parallel_loop3A_307 = tpu.vector_load %arg12[%parallel_loop3A_306] {strides = array<i32>} : memref<1024xf32, #tpu.memory_space<vmem>>, vector<16xf32>,
      %parallel_loop3A_308 = arith.mulf %parallel_loop3A_303, %parallel_loop3A_297 : vector<16xf32>
      %parallel_loop3A_309 = arith.mulf %parallel_loop3A_303, %parallel_loop3A_301 : vector<16xf32>
      %parallel_loop3A_310 = arith.mulf %parallel_loop3A_307, %parallel_loop3A_297 : vector<16xf32>
      %parallel_loop3A_311 = arith.mulf %parallel_loop3A_307, %parallel_loop3A_301 : vector<16xf32>
      %parallel_loop3A_312 = arith.constant 512 : i32
      %parallel_loop3A_313 = arith.muli %parallel_loop3A_274, %parallel_loop3A_312 : i32
      %parallel_loop3A_314 = arith.constant 128 : i32
      %parallel_loop3A_315 = arith.muli %parallel_loop3A_250, %parallel_loop3A_314 : i32
      %parallel_loop3A_316 = arith.addi %parallel_loop3A_313, %parallel_loop3A_315 : i32
      %parallel_loop3A_317 = arith.addi %parallel_loop3A_316, %parallel_loop3A_292 : i32
      %parallel_loop3A_318 = arith.constant 0 : i32
      %parallel_loop3A_319 = arith.addi %parallel_loop3A_318, %parallel_loop3A_317 : i32
      %parallel_loop3A_320 = arith.index_cast %parallel_loop3A_319 : i32 to index
      %parallel_loop3A_321 = tpu.vector_load %arg11[%parallel_loop3A_320] {strides = array<i32>} : memref<10240xi32, #tpu.memory_space<vmem>>, vector<16xi32>,
      %parallel_loop3A_322 = arith.constant 0 : i32
      %parallel_loop3A_323 = vector.broadcast %parallel_loop3A_322 : i32 to vector<16xi32>
      %parallel_loop3A_324 = arith.addi %parallel_loop3A_321, %parallel_loop3A_323 : vector<16xi32>
      %parallel_loop3A_325 = tpu.vector_load_idx %arg19[%parallel_loop3A_324] : memref<256xf32, #tpu.memory_space<vmem>>[vector<16xi32>], vector<16xf32>,
      %parallel_loop3A_326 = arith.constant 32 : i32
      %parallel_loop3A_327 = vector.broadcast %parallel_loop3A_326 : i32 to vector<16xi32>
      %parallel_loop3A_328 = arith.addi %parallel_loop3A_321, %parallel_loop3A_327 : vector<16xi32>
      %parallel_loop3A_329 = tpu.vector_load_idx %arg19[%parallel_loop3A_328] : memref<256xf32, #tpu.memory_space<vmem>>[vector<16xi32>], vector<16xf32>,
      %parallel_loop3A_330 = arith.constant 64 : i32
      %parallel_loop3A_331 = vector.broadcast %parallel_loop3A_330 : i32 to vector<16xi32>
      %parallel_loop3A_332 = arith.addi %parallel_loop3A_321, %parallel_loop3A_331 : vector<16xi32>
      %parallel_loop3A_333 = tpu.vector_load_idx %arg19[%parallel_loop3A_332] : memref<256xf32, #tpu.memory_space<vmem>>[vector<16xi32>], vector<16xf32>,
      %parallel_loop3A_334 = arith.constant 96 : i32
      %parallel_loop3A_335 = vector.broadcast %parallel_loop3A_334 : i32 to vector<16xi32>
      %parallel_loop3A_336 = arith.addi %parallel_loop3A_321, %parallel_loop3A_335 : vector<16xi32>
      %parallel_loop3A_337 = tpu.vector_load_idx %arg19[%parallel_loop3A_336] : memref<256xf32, #tpu.memory_space<vmem>>[vector<16xi32>], vector<16xf32>,
      %parallel_loop3A_338 = arith.constant 128 : i32
      %parallel_loop3A_339 = vector.broadcast %parallel_loop3A_338 : i32 to vector<16xi32>
      %parallel_loop3A_340 = arith.addi %parallel_loop3A_321, %parallel_loop3A_339 : vector<16xi32>
      %parallel_loop3A_341 = tpu.vector_load_idx %arg19[%parallel_loop3A_340] : memref<256xf32, #tpu.memory_space<vmem>>[vector<16xi32>], vector<16xf32>,
      %parallel_loop3A_342 = arith.constant 160 : i32
      %parallel_loop3A_343 = vector.broadcast %parallel_loop3A_342 : i32 to vector<16xi32>
      %parallel_loop3A_344 = arith.addi %parallel_loop3A_321, %parallel_loop3A_343 : vector<16xi32>
      %parallel_loop3A_345 = tpu.vector_load_idx %arg19[%parallel_loop3A_344] : memref<256xf32, #tpu.memory_space<vmem>>[vector<16xi32>], vector<16xf32>,
      %parallel_loop3A_346 = arith.constant 192 : i32
      %parallel_loop3A_347 = vector.broadcast %parallel_loop3A_346 : i32 to vector<16xi32>
      %parallel_loop3A_348 = arith.addi %parallel_loop3A_321, %parallel_loop3A_347 : vector<16xi32>
      %parallel_loop3A_349 = tpu.vector_load_idx %arg19[%parallel_loop3A_348] : memref<256xf32, #tpu.memory_space<vmem>>[vector<16xi32>], vector<16xf32>,
      %parallel_loop3A_350 = arith.constant 224 : i32
      %parallel_loop3A_351 = vector.broadcast %parallel_loop3A_350 : i32 to vector<16xi32>
      %parallel_loop3A_352 = arith.addi %parallel_loop3A_321, %parallel_loop3A_351 : vector<16xi32>
      %parallel_loop3A_353 = tpu.vector_load_idx %arg19[%parallel_loop3A_352] : memref<256xf32, #tpu.memory_space<vmem>>[vector<16xi32>], vector<16xf32>,
      %parallel_loop3A_354 = arith.mulf %parallel_loop3A_308, %parallel_loop3A_325 : vector<16xf32>
      %parallel_loop3A_355 = arith.mulf %parallel_loop3A_309, %parallel_loop3A_333 : vector<16xf32>
      %parallel_loop3A_356 = arith.addf %parallel_loop3A_354, %parallel_loop3A_355 : vector<16xf32>
      %parallel_loop3A_357 = arith.mulf %parallel_loop3A_310, %parallel_loop3A_341 : vector<16xf32>
      %parallel_loop3A_358 = arith.addf %parallel_loop3A_356, %parallel_loop3A_357 : vector<16xf32>
      %parallel_loop3A_359 = arith.mulf %parallel_loop3A_311, %parallel_loop3A_349 : vector<16xf32>
      %parallel_loop3A_360 = arith.addf %parallel_loop3A_358, %parallel_loop3A_359 : vector<16xf32>
      %parallel_loop3A_361 = arith.mulf %parallel_loop3A_308, %parallel_loop3A_329 : vector<16xf32>
      %parallel_loop3A_362 = arith.mulf %parallel_loop3A_309, %parallel_loop3A_337 : vector<16xf32>
      %parallel_loop3A_363 = arith.addf %parallel_loop3A_361, %parallel_loop3A_362 : vector<16xf32>
      %parallel_loop3A_364 = arith.mulf %parallel_loop3A_310, %parallel_loop3A_345 : vector<16xf32>
      %parallel_loop3A_365 = arith.addf %parallel_loop3A_363, %parallel_loop3A_364 : vector<16xf32>
      %parallel_loop3A_366 = arith.mulf %parallel_loop3A_311, %parallel_loop3A_353 : vector<16xf32>
      %parallel_loop3A_367 = arith.addf %parallel_loop3A_365, %parallel_loop3A_366 : vector<16xf32>
      %parallel_loop3A_368 = arith.constant 2048 : i32
      %parallel_loop3A_369 = arith.addi %parallel_loop3A_368, %parallel_loop3A_317 : i32
      %parallel_loop3A_370 = arith.index_cast %parallel_loop3A_369 : i32 to index
      %parallel_loop3A_371 = tpu.vector_load %arg11[%parallel_loop3A_370] {strides = array<i32>} : memref<10240xi32, #tpu.memory_space<vmem>>, vector<16xi32>,
      %parallel_loop3A_372 = arith.constant 0 : i32
      %parallel_loop3A_373 = vector.broadcast %parallel_loop3A_372 : i32 to vector<16xi32>
      %parallel_loop3A_374 = arith.addi %parallel_loop3A_371, %parallel_loop3A_373 : vector<16xi32>
      %parallel_loop3A_375 = tpu.vector_load_idx %arg19[%parallel_loop3A_374] : memref<256xf32, #tpu.memory_space<vmem>>[vector<16xi32>], vector<16xf32>,
      %parallel_loop3A_376 = arith.constant 32 : i32
      %parallel_loop3A_377 = vector.broadcast %parallel_loop3A_376 : i32 to vector<16xi32>
      %parallel_loop3A_378 = arith.addi %parallel_loop3A_371, %parallel_loop3A_377 : vector<16xi32>
      %parallel_loop3A_379 = tpu.vector_load_idx %arg19[%parallel_loop3A_378] : memref<256xf32, #tpu.memory_space<vmem>>[vector<16xi32>], vector<16xf32>,
      %parallel_loop3A_380 = arith.constant 64 : i32
      %parallel_loop3A_381 = vector.broadcast %parallel_loop3A_380 : i32 to vector<16xi32>
      %parallel_loop3A_382 = arith.addi %parallel_loop3A_371, %parallel_loop3A_381 : vector<16xi32>
      %parallel_loop3A_383 = tpu.vector_load_idx %arg19[%parallel_loop3A_382] : memref<256xf32, #tpu.memory_space<vmem>>[vector<16xi32>], vector<16xf32>,
      %parallel_loop3A_384 = arith.constant 96 : i32
      %parallel_loop3A_385 = vector.broadcast %parallel_loop3A_384 : i32 to vector<16xi32>
      %parallel_loop3A_386 = arith.addi %parallel_loop3A_371, %parallel_loop3A_385 : vector<16xi32>
      %parallel_loop3A_387 = tpu.vector_load_idx %arg19[%parallel_loop3A_386] : memref<256xf32, #tpu.memory_space<vmem>>[vector<16xi32>], vector<16xf32>,
      %parallel_loop3A_388 = arith.constant 128 : i32
      %parallel_loop3A_389 = vector.broadcast %parallel_loop3A_388 : i32 to vector<16xi32>
      %parallel_loop3A_390 = arith.addi %parallel_loop3A_371, %parallel_loop3A_389 : vector<16xi32>
      %parallel_loop3A_391 = tpu.vector_load_idx %arg19[%parallel_loop3A_390] : memref<256xf32, #tpu.memory_space<vmem>>[vector<16xi32>], vector<16xf32>,
      %parallel_loop3A_392 = arith.constant 160 : i32
      %parallel_loop3A_393 = vector.broadcast %parallel_loop3A_392 : i32 to vector<16xi32>
      %parallel_loop3A_394 = arith.addi %parallel_loop3A_371, %parallel_loop3A_393 : vector<16xi32>
      %parallel_loop3A_395 = tpu.vector_load_idx %arg19[%parallel_loop3A_394] : memref<256xf32, #tpu.memory_space<vmem>>[vector<16xi32>], vector<16xf32>,
      %parallel_loop3A_396 = arith.constant 192 : i32
      %parallel_loop3A_397 = vector.broadcast %parallel_loop3A_396 : i32 to vector<16xi32>
      %parallel_loop3A_398 = arith.addi %parallel_loop3A_371, %parallel_loop3A_397 : vector<16xi32>
      %parallel_loop3A_399 = tpu.vector_load_idx %arg19[%parallel_loop3A_398] : memref<256xf32, #tpu.memory_space<vmem>>[vector<16xi32>], vector<16xf32>,
      %parallel_loop3A_400 = arith.constant 224 : i32
      %parallel_loop3A_401 = vector.broadcast %parallel_loop3A_400 : i32 to vector<16xi32>
      %parallel_loop3A_402 = arith.addi %parallel_loop3A_371, %parallel_loop3A_401 : vector<16xi32>
      %parallel_loop3A_403 = tpu.vector_load_idx %arg19[%parallel_loop3A_402] : memref<256xf32, #tpu.memory_space<vmem>>[vector<16xi32>], vector<16xf32>,
      %parallel_loop3A_404 = arith.mulf %parallel_loop3A_308, %parallel_loop3A_375 : vector<16xf32>
      %parallel_loop3A_405 = arith.mulf %parallel_loop3A_309, %parallel_loop3A_383 : vector<16xf32>
      %parallel_loop3A_406 = arith.addf %parallel_loop3A_404, %parallel_loop3A_405 : vector<16xf32>
      %parallel_loop3A_407 = arith.mulf %parallel_loop3A_310, %parallel_loop3A_391 : vector<16xf32>
      %parallel_loop3A_408 = arith.addf %parallel_loop3A_406, %parallel_loop3A_407 : vector<16xf32>
      %parallel_loop3A_409 = arith.mulf %parallel_loop3A_311, %parallel_loop3A_399 : vector<16xf32>
      %parallel_loop3A_410 = arith.addf %parallel_loop3A_408, %parallel_loop3A_409 : vector<16xf32>
      %parallel_loop3A_411 = arith.mulf %parallel_loop3A_308, %parallel_loop3A_379 : vector<16xf32>
      %parallel_loop3A_412 = arith.mulf %parallel_loop3A_309, %parallel_loop3A_387 : vector<16xf32>
      %parallel_loop3A_413 = arith.addf %parallel_loop3A_411, %parallel_loop3A_412 : vector<16xf32>
      %parallel_loop3A_414 = arith.mulf %parallel_loop3A_310, %parallel_loop3A_395 : vector<16xf32>
      %parallel_loop3A_415 = arith.addf %parallel_loop3A_413, %parallel_loop3A_414 : vector<16xf32>
      %parallel_loop3A_416 = arith.mulf %parallel_loop3A_311, %parallel_loop3A_403 : vector<16xf32>
      %parallel_loop3A_417 = arith.addf %parallel_loop3A_415, %parallel_loop3A_416 : vector<16xf32>
      %parallel_loop3A_418 = arith.constant 4096 : i32
      %parallel_loop3A_419 = arith.addi %parallel_loop3A_418, %parallel_loop3A_317 : i32
      %parallel_loop3A_420 = arith.index_cast %parallel_loop3A_419 : i32 to index
      %parallel_loop3A_421 = tpu.vector_load %arg11[%parallel_loop3A_420] {strides = array<i32>} : memref<10240xi32, #tpu.memory_space<vmem>>, vector<16xi32>,
      %parallel_loop3A_422 = arith.constant 0 : i32
      %parallel_loop3A_423 = vector.broadcast %parallel_loop3A_422 : i32 to vector<16xi32>
      %parallel_loop3A_424 = arith.addi %parallel_loop3A_421, %parallel_loop3A_423 : vector<16xi32>
      %parallel_loop3A_425 = tpu.vector_load_idx %arg19[%parallel_loop3A_424] : memref<256xf32, #tpu.memory_space<vmem>>[vector<16xi32>], vector<16xf32>,
      %parallel_loop3A_426 = arith.constant 32 : i32
      %parallel_loop3A_427 = vector.broadcast %parallel_loop3A_426 : i32 to vector<16xi32>
      %parallel_loop3A_428 = arith.addi %parallel_loop3A_421, %parallel_loop3A_427 : vector<16xi32>
      %parallel_loop3A_429 = tpu.vector_load_idx %arg19[%parallel_loop3A_428] : memref<256xf32, #tpu.memory_space<vmem>>[vector<16xi32>], vector<16xf32>,
      %parallel_loop3A_430 = arith.constant 64 : i32
      %parallel_loop3A_431 = vector.broadcast %parallel_loop3A_430 : i32 to vector<16xi32>
      %parallel_loop3A_432 = arith.addi %parallel_loop3A_421, %parallel_loop3A_431 : vector<16xi32>
      %parallel_loop3A_433 = tpu.vector_load_idx %arg19[%parallel_loop3A_432] : memref<256xf32, #tpu.memory_space<vmem>>[vector<16xi32>], vector<16xf32>,
      %parallel_loop3A_434 = arith.constant 96 : i32
      %parallel_loop3A_435 = vector.broadcast %parallel_loop3A_434 : i32 to vector<16xi32>
      %parallel_loop3A_436 = arith.addi %parallel_loop3A_421, %parallel_loop3A_435 : vector<16xi32>
      %parallel_loop3A_437 = tpu.vector_load_idx %arg19[%parallel_loop3A_436] : memref<256xf32, #tpu.memory_space<vmem>>[vector<16xi32>], vector<16xf32>,
      %parallel_loop3A_438 = arith.constant 128 : i32
      %parallel_loop3A_439 = vector.broadcast %parallel_loop3A_438 : i32 to vector<16xi32>
      %parallel_loop3A_440 = arith.addi %parallel_loop3A_421, %parallel_loop3A_439 : vector<16xi32>
      %parallel_loop3A_441 = tpu.vector_load_idx %arg19[%parallel_loop3A_440] : memref<256xf32, #tpu.memory_space<vmem>>[vector<16xi32>], vector<16xf32>,
      %parallel_loop3A_442 = arith.constant 160 : i32
      %parallel_loop3A_443 = vector.broadcast %parallel_loop3A_442 : i32 to vector<16xi32>
      %parallel_loop3A_444 = arith.addi %parallel_loop3A_421, %parallel_loop3A_443 : vector<16xi32>
      %parallel_loop3A_445 = tpu.vector_load_idx %arg19[%parallel_loop3A_444] : memref<256xf32, #tpu.memory_space<vmem>>[vector<16xi32>], vector<16xf32>,
      %parallel_loop3A_446 = arith.constant 192 : i32
      %parallel_loop3A_447 = vector.broadcast %parallel_loop3A_446 : i32 to vector<16xi32>
      %parallel_loop3A_448 = arith.addi %parallel_loop3A_421, %parallel_loop3A_447 : vector<16xi32>
      %parallel_loop3A_449 = tpu.vector_load_idx %arg19[%parallel_loop3A_448] : memref<256xf32, #tpu.memory_space<vmem>>[vector<16xi32>], vector<16xf32>,
      %parallel_loop3A_450 = arith.constant 224 : i32
      %parallel_loop3A_451 = vector.broadcast %parallel_loop3A_450 : i32 to vector<16xi32>
      %parallel_loop3A_452 = arith.addi %parallel_loop3A_421, %parallel_loop3A_451 : vector<16xi32>
      %parallel_loop3A_453 = tpu.vector_load_idx %arg19[%parallel_loop3A_452] : memref<256xf32, #tpu.memory_space<vmem>>[vector<16xi32>], vector<16xf32>,
      %parallel_loop3A_454 = arith.mulf %parallel_loop3A_308, %parallel_loop3A_425 : vector<16xf32>
      %parallel_loop3A_455 = arith.mulf %parallel_loop3A_309, %parallel_loop3A_433 : vector<16xf32>
      %parallel_loop3A_456 = arith.addf %parallel_loop3A_454, %parallel_loop3A_455 : vector<16xf32>
      %parallel_loop3A_457 = arith.mulf %parallel_loop3A_310, %parallel_loop3A_441 : vector<16xf32>
      %parallel_loop3A_458 = arith.addf %parallel_loop3A_456, %parallel_loop3A_457 : vector<16xf32>
      %parallel_loop3A_459 = arith.mulf %parallel_loop3A_311, %parallel_loop3A_449 : vector<16xf32>
      %parallel_loop3A_460 = arith.addf %parallel_loop3A_458, %parallel_loop3A_459 : vector<16xf32>
      %parallel_loop3A_461 = arith.mulf %parallel_loop3A_308, %parallel_loop3A_429 : vector<16xf32>
      %parallel_loop3A_462 = arith.mulf %parallel_loop3A_309, %parallel_loop3A_437 : vector<16xf32>
      %parallel_loop3A_463 = arith.addf %parallel_loop3A_461, %parallel_loop3A_462 : vector<16xf32>
      %parallel_loop3A_464 = arith.mulf %parallel_loop3A_310, %parallel_loop3A_445 : vector<16xf32>
      %parallel_loop3A_465 = arith.addf %parallel_loop3A_463, %parallel_loop3A_464 : vector<16xf32>
      %parallel_loop3A_466 = arith.mulf %parallel_loop3A_311, %parallel_loop3A_453 : vector<16xf32>
      %parallel_loop3A_467 = arith.addf %parallel_loop3A_465, %parallel_loop3A_466 : vector<16xf32>
      %parallel_loop3A_468 = arith.constant 6144 : i32
      %parallel_loop3A_469 = arith.addi %parallel_loop3A_468, %parallel_loop3A_317 : i32
      %parallel_loop3A_470 = arith.index_cast %parallel_loop3A_469 : i32 to index
      %parallel_loop3A_471 = tpu.vector_load %arg11[%parallel_loop3A_470] {strides = array<i32>} : memref<10240xi32, #tpu.memory_space<vmem>>, vector<16xi32>,
      %parallel_loop3A_472 = arith.constant 0 : i32
      %parallel_loop3A_473 = vector.broadcast %parallel_loop3A_472 : i32 to vector<16xi32>
      %parallel_loop3A_474 = arith.addi %parallel_loop3A_471, %parallel_loop3A_473 : vector<16xi32>
      %parallel_loop3A_475 = tpu.vector_load_idx %arg19[%parallel_loop3A_474] : memref<256xf32, #tpu.memory_space<vmem>>[vector<16xi32>], vector<16xf32>,
      %parallel_loop3A_476 = arith.constant 32 : i32
      %parallel_loop3A_477 = vector.broadcast %parallel_loop3A_476 : i32 to vector<16xi32>
      %parallel_loop3A_478 = arith.addi %parallel_loop3A_471, %parallel_loop3A_477 : vector<16xi32>
      %parallel_loop3A_479 = tpu.vector_load_idx %arg19[%parallel_loop3A_478] : memref<256xf32, #tpu.memory_space<vmem>>[vector<16xi32>], vector<16xf32>,
      %parallel_loop3A_480 = arith.constant 64 : i32
      %parallel_loop3A_481 = vector.broadcast %parallel_loop3A_480 : i32 to vector<16xi32>
      %parallel_loop3A_482 = arith.addi %parallel_loop3A_471, %parallel_loop3A_481 : vector<16xi32>
      %parallel_loop3A_483 = tpu.vector_load_idx %arg19[%parallel_loop3A_482] : memref<256xf32, #tpu.memory_space<vmem>>[vector<16xi32>], vector<16xf32>,
      %parallel_loop3A_484 = arith.constant 96 : i32
      %parallel_loop3A_485 = vector.broadcast %parallel_loop3A_484 : i32 to vector<16xi32>
      %parallel_loop3A_486 = arith.addi %parallel_loop3A_471, %parallel_loop3A_485 : vector<16xi32>
      %parallel_loop3A_487 = tpu.vector_load_idx %arg19[%parallel_loop3A_486] : memref<256xf32, #tpu.memory_space<vmem>>[vector<16xi32>], vector<16xf32>,
      %parallel_loop3A_488 = arith.constant 128 : i32
      %parallel_loop3A_489 = vector.broadcast %parallel_loop3A_488 : i32 to vector<16xi32>
      %parallel_loop3A_490 = arith.addi %parallel_loop3A_471, %parallel_loop3A_489 : vector<16xi32>
      %parallel_loop3A_491 = tpu.vector_load_idx %arg19[%parallel_loop3A_490] : memref<256xf32, #tpu.memory_space<vmem>>[vector<16xi32>], vector<16xf32>,
      %parallel_loop3A_492 = arith.constant 160 : i32
      %parallel_loop3A_493 = vector.broadcast %parallel_loop3A_492 : i32 to vector<16xi32>
      %parallel_loop3A_494 = arith.addi %parallel_loop3A_471, %parallel_loop3A_493 : vector<16xi32>
      %parallel_loop3A_495 = tpu.vector_load_idx %arg19[%parallel_loop3A_494] : memref<256xf32, #tpu.memory_space<vmem>>[vector<16xi32>], vector<16xf32>,
      %parallel_loop3A_496 = arith.constant 192 : i32
      %parallel_loop3A_497 = vector.broadcast %parallel_loop3A_496 : i32 to vector<16xi32>
      %parallel_loop3A_498 = arith.addi %parallel_loop3A_471, %parallel_loop3A_497 : vector<16xi32>
      %parallel_loop3A_499 = tpu.vector_load_idx %arg19[%parallel_loop3A_498] : memref<256xf32, #tpu.memory_space<vmem>>[vector<16xi32>], vector<16xf32>,
      %parallel_loop3A_500 = arith.constant 224 : i32
      %parallel_loop3A_501 = vector.broadcast %parallel_loop3A_500 : i32 to vector<16xi32>
      %parallel_loop3A_502 = arith.addi %parallel_loop3A_471, %parallel_loop3A_501 : vector<16xi32>
      %parallel_loop3A_503 = tpu.vector_load_idx %arg19[%parallel_loop3A_502] : memref<256xf32, #tpu.memory_space<vmem>>[vector<16xi32>], vector<16xf32>,
      %parallel_loop3A_504 = arith.mulf %parallel_loop3A_308, %parallel_loop3A_475 : vector<16xf32>
      %parallel_loop3A_505 = arith.mulf %parallel_loop3A_309, %parallel_loop3A_483 : vector<16xf32>
      %parallel_loop3A_506 = arith.addf %parallel_loop3A_504, %parallel_loop3A_505 : vector<16xf32>
      %parallel_loop3A_507 = arith.mulf %parallel_loop3A_310, %parallel_loop3A_491 : vector<16xf32>
      %parallel_loop3A_508 = arith.addf %parallel_loop3A_506, %parallel_loop3A_507 : vector<16xf32>
      %parallel_loop3A_509 = arith.mulf %parallel_loop3A_311, %parallel_loop3A_499 : vector<16xf32>
      %parallel_loop3A_510 = arith.addf %parallel_loop3A_508, %parallel_loop3A_509 : vector<16xf32>
      %parallel_loop3A_511 = arith.mulf %parallel_loop3A_308, %parallel_loop3A_479 : vector<16xf32>
      %parallel_loop3A_512 = arith.mulf %parallel_loop3A_309, %parallel_loop3A_487 : vector<16xf32>
      %parallel_loop3A_513 = arith.addf %parallel_loop3A_511, %parallel_loop3A_512 : vector<16xf32>
      %parallel_loop3A_514 = arith.mulf %parallel_loop3A_310, %parallel_loop3A_495 : vector<16xf32>
      %parallel_loop3A_515 = arith.addf %parallel_loop3A_513, %parallel_loop3A_514 : vector<16xf32>
      %parallel_loop3A_516 = arith.mulf %parallel_loop3A_311, %parallel_loop3A_503 : vector<16xf32>
      %parallel_loop3A_517 = arith.addf %parallel_loop3A_515, %parallel_loop3A_516 : vector<16xf32>
      %parallel_loop3A_518 = arith.constant 8192 : i32
      %parallel_loop3A_519 = arith.addi %parallel_loop3A_518, %parallel_loop3A_317 : i32
      %parallel_loop3A_520 = arith.index_cast %parallel_loop3A_519 : i32 to index
      %parallel_loop3A_521 = tpu.vector_load %arg11[%parallel_loop3A_520] {strides = array<i32>} : memref<10240xi32, #tpu.memory_space<vmem>>, vector<16xi32>,
      %parallel_loop3A_522 = arith.constant 0 : i32
      %parallel_loop3A_523 = vector.broadcast %parallel_loop3A_522 : i32 to vector<16xi32>
      %parallel_loop3A_524 = arith.addi %parallel_loop3A_521, %parallel_loop3A_523 : vector<16xi32>
      %parallel_loop3A_525 = tpu.vector_load_idx %arg19[%parallel_loop3A_524] : memref<256xf32, #tpu.memory_space<vmem>>[vector<16xi32>], vector<16xf32>,
      %parallel_loop3A_526 = arith.constant 32 : i32
      %parallel_loop3A_527 = vector.broadcast %parallel_loop3A_526 : i32 to vector<16xi32>
      %parallel_loop3A_528 = arith.addi %parallel_loop3A_521, %parallel_loop3A_527 : vector<16xi32>
      %parallel_loop3A_529 = tpu.vector_load_idx %arg19[%parallel_loop3A_528] : memref<256xf32, #tpu.memory_space<vmem>>[vector<16xi32>], vector<16xf32>,
      %parallel_loop3A_530 = arith.constant 64 : i32
      %parallel_loop3A_531 = vector.broadcast %parallel_loop3A_530 : i32 to vector<16xi32>
      %parallel_loop3A_532 = arith.addi %parallel_loop3A_521, %parallel_loop3A_531 : vector<16xi32>
      %parallel_loop3A_533 = tpu.vector_load_idx %arg19[%parallel_loop3A_532] : memref<256xf32, #tpu.memory_space<vmem>>[vector<16xi32>], vector<16xf32>,
      %parallel_loop3A_534 = arith.constant 96 : i32
      %parallel_loop3A_535 = vector.broadcast %parallel_loop3A_534 : i32 to vector<16xi32>
      %parallel_loop3A_536 = arith.addi %parallel_loop3A_521, %parallel_loop3A_535 : vector<16xi32>
      %parallel_loop3A_537 = tpu.vector_load_idx %arg19[%parallel_loop3A_536] : memref<256xf32, #tpu.memory_space<vmem>>[vector<16xi32>], vector<16xf32>,
      %parallel_loop3A_538 = arith.constant 128 : i32
      %parallel_loop3A_539 = vector.broadcast %parallel_loop3A_538 : i32 to vector<16xi32>
      %parallel_loop3A_540 = arith.addi %parallel_loop3A_521, %parallel_loop3A_539 : vector<16xi32>
      %parallel_loop3A_541 = tpu.vector_load_idx %arg19[%parallel_loop3A_540] : memref<256xf32, #tpu.memory_space<vmem>>[vector<16xi32>], vector<16xf32>,
      %parallel_loop3A_542 = arith.constant 160 : i32
      %parallel_loop3A_543 = vector.broadcast %parallel_loop3A_542 : i32 to vector<16xi32>
      %parallel_loop3A_544 = arith.addi %parallel_loop3A_521, %parallel_loop3A_543 : vector<16xi32>
      %parallel_loop3A_545 = tpu.vector_load_idx %arg19[%parallel_loop3A_544] : memref<256xf32, #tpu.memory_space<vmem>>[vector<16xi32>], vector<16xf32>,
      %parallel_loop3A_546 = arith.constant 192 : i32
      %parallel_loop3A_547 = vector.broadcast %parallel_loop3A_546 : i32 to vector<16xi32>
      %parallel_loop3A_548 = arith.addi %parallel_loop3A_521, %parallel_loop3A_547 : vector<16xi32>
      %parallel_loop3A_549 = tpu.vector_load_idx %arg19[%parallel_loop3A_548] : memref<256xf32, #tpu.memory_space<vmem>>[vector<16xi32>], vector<16xf32>,
      %parallel_loop3A_550 = arith.constant 224 : i32
      %parallel_loop3A_551 = vector.broadcast %parallel_loop3A_550 : i32 to vector<16xi32>
      %parallel_loop3A_552 = arith.addi %parallel_loop3A_521, %parallel_loop3A_551 : vector<16xi32>
      %parallel_loop3A_553 = tpu.vector_load_idx %arg19[%parallel_loop3A_552] : memref<256xf32, #tpu.memory_space<vmem>>[vector<16xi32>], vector<16xf32>,
      %parallel_loop3A_554 = arith.mulf %parallel_loop3A_308, %parallel_loop3A_525 : vector<16xf32>
      %parallel_loop3A_555 = arith.mulf %parallel_loop3A_309, %parallel_loop3A_533 : vector<16xf32>
      %parallel_loop3A_556 = arith.addf %parallel_loop3A_554, %parallel_loop3A_555 : vector<16xf32>
      %parallel_loop3A_557 = arith.mulf %parallel_loop3A_310, %parallel_loop3A_541 : vector<16xf32>
      %parallel_loop3A_558 = arith.addf %parallel_loop3A_556, %parallel_loop3A_557 : vector<16xf32>
      %parallel_loop3A_559 = arith.mulf %parallel_loop3A_311, %parallel_loop3A_549 : vector<16xf32>
      %parallel_loop3A_560 = arith.addf %parallel_loop3A_558, %parallel_loop3A_559 : vector<16xf32>
      %parallel_loop3A_561 = arith.mulf %parallel_loop3A_308, %parallel_loop3A_529 : vector<16xf32>
      %parallel_loop3A_562 = arith.mulf %parallel_loop3A_309, %parallel_loop3A_537 : vector<16xf32>
      %parallel_loop3A_563 = arith.addf %parallel_loop3A_561, %parallel_loop3A_562 : vector<16xf32>
      %parallel_loop3A_564 = arith.mulf %parallel_loop3A_310, %parallel_loop3A_545 : vector<16xf32>
      %parallel_loop3A_565 = arith.addf %parallel_loop3A_563, %parallel_loop3A_564 : vector<16xf32>
      %parallel_loop3A_566 = arith.mulf %parallel_loop3A_311, %parallel_loop3A_553 : vector<16xf32>
      %parallel_loop3A_567 = arith.addf %parallel_loop3A_565, %parallel_loop3A_566 : vector<16xf32>
      %parallel_loop3A_568 = arith.subf %parallel_loop3A_360, %parallel_loop3A_410 : vector<16xf32>
      %parallel_loop3A_569 = arith.subf %parallel_loop3A_367, %parallel_loop3A_417 : vector<16xf32>
      %parallel_loop3A_570 = arith.mulf %gather3A_201, %parallel_loop3A_568 : vector<16xf32>
      %parallel_loop3A_571 = arith.mulf %parallel_loop3A_570, %parallel_loop3A_568 : vector<16xf32>
      %parallel_loop3A_572 = arith.mulf %gather3A_205, %parallel_loop3A_569 : vector<16xf32>
      %parallel_loop3A_573 = arith.mulf %parallel_loop3A_572, %parallel_loop3A_569 : vector<16xf32>
      %parallel_loop3A_574 = arith.addf %parallel_loop3A_571, %parallel_loop3A_573 : vector<16xf32>
      %parallel_loop3A_575 = vector.bitcast %parallel_loop3A_574 : vector<16xf32> to vector<16xi32>
      %parallel_loop3A_576 = arith.constant 1 : i32
      %parallel_loop3A_577 = vector.broadcast %parallel_loop3A_576 : i32 to vector<16xi32>
      %parallel_loop3A_578 = arith.shrsi %parallel_loop3A_575, %parallel_loop3A_577 : vector<16xi32>
      %parallel_loop3A_579 = arith.constant 1597463007 : i32
      %parallel_loop3A_580 = vector.broadcast %parallel_loop3A_579 : i32 to vector<16xi32>
      %parallel_loop3A_581 = arith.subi %parallel_loop3A_580, %parallel_loop3A_578 : vector<16xi32>
      %parallel_loop3A_582 = vector.bitcast %parallel_loop3A_581 : vector<16xi32> to vector<16xf32>
      %parallel_loop3A_583 = arith.mulf %parallel_loop3A_574, %parallel_loop3A_582 : vector<16xf32>
      %parallel_loop3A_584 = arith.mulf %parallel_loop3A_583, %parallel_loop3A_582 : vector<16xf32>
      %parallel_loop3A_585 = arith.constant 5.000000e-01 : f32
      %parallel_loop3A_586 = vector.broadcast %parallel_loop3A_585 : f32 to vector<16xf32>
      %parallel_loop3A_587 = arith.mulf %parallel_loop3A_586, %parallel_loop3A_584 : vector<16xf32>
      %parallel_loop3A_588 = arith.constant 1.500000e+00 : f32
      %parallel_loop3A_589 = vector.broadcast %parallel_loop3A_588 : f32 to vector<16xf32>
      %parallel_loop3A_590 = arith.subf %parallel_loop3A_589, %parallel_loop3A_587 : vector<16xf32>
      %parallel_loop3A_591 = arith.mulf %parallel_loop3A_582, %parallel_loop3A_590 : vector<16xf32>
      %parallel_loop3A_592 = arith.mulf %parallel_loop3A_574, %parallel_loop3A_591 : vector<16xf32>
      %parallel_loop3A_593 = arith.mulf %parallel_loop3A_592, %parallel_loop3A_591 : vector<16xf32>
      %parallel_loop3A_594 = arith.constant 5.000000e-01 : f32
      %parallel_loop3A_595 = vector.broadcast %parallel_loop3A_594 : f32 to vector<16xf32>
      %parallel_loop3A_596 = arith.mulf %parallel_loop3A_595, %parallel_loop3A_593 : vector<16xf32>
      %parallel_loop3A_597 = arith.constant 1.500000e+00 : f32
      %parallel_loop3A_598 = vector.broadcast %parallel_loop3A_597 : f32 to vector<16xf32>
      %parallel_loop3A_599 = arith.subf %parallel_loop3A_598, %parallel_loop3A_596 : vector<16xf32>
      %parallel_loop3A_600 = arith.mulf %parallel_loop3A_591, %parallel_loop3A_599 : vector<16xf32>
      %parallel_loop3A_601 = arith.mulf %parallel_loop3A_574, %parallel_loop3A_600 : vector<16xf32>
      %parallel_loop3A_602 = arith.constant -1.000000e+01 : f32
      %parallel_loop3A_603 = vector.broadcast %parallel_loop3A_602 : f32 to vector<16xf32>
      %parallel_loop3A_604 = arith.mulf %parallel_loop3A_603, %parallel_loop3A_601 : vector<16xf32>
      %parallel_loop3A_605 = math.exp %parallel_loop3A_604 : vector<16xf32>
      %parallel_loop3A_606 = arith.subf %parallel_loop3A_360, %parallel_loop3A_460 : vector<16xf32>
      %parallel_loop3A_607 = arith.subf %parallel_loop3A_367, %parallel_loop3A_467 : vector<16xf32>
      %parallel_loop3A_608 = arith.mulf %gather3A_201, %parallel_loop3A_606 : vector<16xf32>
      %parallel_loop3A_609 = arith.mulf %parallel_loop3A_608, %parallel_loop3A_606 : vector<16xf32>
      %parallel_loop3A_610 = arith.mulf %gather3A_205, %parallel_loop3A_607 : vector<16xf32>
      %parallel_loop3A_611 = arith.mulf %parallel_loop3A_610, %parallel_loop3A_607 : vector<16xf32>
      %parallel_loop3A_612 = arith.addf %parallel_loop3A_609, %parallel_loop3A_611 : vector<16xf32>
      %parallel_loop3A_613 = vector.bitcast %parallel_loop3A_612 : vector<16xf32> to vector<16xi32>
      %parallel_loop3A_614 = arith.constant 1 : i32
      %parallel_loop3A_615 = vector.broadcast %parallel_loop3A_614 : i32 to vector<16xi32>
      %parallel_loop3A_616 = arith.shrsi %parallel_loop3A_613, %parallel_loop3A_615 : vector<16xi32>
      %parallel_loop3A_617 = arith.constant 1597463007 : i32
      %parallel_loop3A_618 = vector.broadcast %parallel_loop3A_617 : i32 to vector<16xi32>
      %parallel_loop3A_619 = arith.subi %parallel_loop3A_618, %parallel_loop3A_616 : vector<16xi32>
      %parallel_loop3A_620 = vector.bitcast %parallel_loop3A_619 : vector<16xi32> to vector<16xf32>
      %parallel_loop3A_621 = arith.mulf %parallel_loop3A_612, %parallel_loop3A_620 : vector<16xf32>
      %parallel_loop3A_622 = arith.mulf %parallel_loop3A_621, %parallel_loop3A_620 : vector<16xf32>
      %parallel_loop3A_623 = arith.constant 5.000000e-01 : f32
      %parallel_loop3A_624 = vector.broadcast %parallel_loop3A_623 : f32 to vector<16xf32>
      %parallel_loop3A_625 = arith.mulf %parallel_loop3A_624, %parallel_loop3A_622 : vector<16xf32>
      %parallel_loop3A_626 = arith.constant 1.500000e+00 : f32
      %parallel_loop3A_627 = vector.broadcast %parallel_loop3A_626 : f32 to vector<16xf32>
      %parallel_loop3A_628 = arith.subf %parallel_loop3A_627, %parallel_loop3A_625 : vector<16xf32>
      %parallel_loop3A_629 = arith.mulf %parallel_loop3A_620, %parallel_loop3A_628 : vector<16xf32>
      %parallel_loop3A_630 = arith.mulf %parallel_loop3A_612, %parallel_loop3A_629 : vector<16xf32>
      %parallel_loop3A_631 = arith.mulf %parallel_loop3A_630, %parallel_loop3A_629 : vector<16xf32>
      %parallel_loop3A_632 = arith.constant 5.000000e-01 : f32
      %parallel_loop3A_633 = vector.broadcast %parallel_loop3A_632 : f32 to vector<16xf32>
      %parallel_loop3A_634 = arith.mulf %parallel_loop3A_633, %parallel_loop3A_631 : vector<16xf32>
      %parallel_loop3A_635 = arith.constant 1.500000e+00 : f32
      %parallel_loop3A_636 = vector.broadcast %parallel_loop3A_635 : f32 to vector<16xf32>
      %parallel_loop3A_637 = arith.subf %parallel_loop3A_636, %parallel_loop3A_634 : vector<16xf32>
      %parallel_loop3A_638 = arith.mulf %parallel_loop3A_629, %parallel_loop3A_637 : vector<16xf32>
      %parallel_loop3A_639 = arith.mulf %parallel_loop3A_612, %parallel_loop3A_638 : vector<16xf32>
      %parallel_loop3A_640 = arith.constant -1.000000e+01 : f32
      %parallel_loop3A_641 = vector.broadcast %parallel_loop3A_640 : f32 to vector<16xf32>
      %parallel_loop3A_642 = arith.mulf %parallel_loop3A_641, %parallel_loop3A_639 : vector<16xf32>
      %parallel_loop3A_643 = math.exp %parallel_loop3A_642 : vector<16xf32>
      %parallel_loop3A_644 = arith.subf %parallel_loop3A_360, %parallel_loop3A_510 : vector<16xf32>
      %parallel_loop3A_645 = arith.subf %parallel_loop3A_367, %parallel_loop3A_517 : vector<16xf32>
      %parallel_loop3A_646 = arith.mulf %gather3A_201, %parallel_loop3A_644 : vector<16xf32>
      %parallel_loop3A_647 = arith.mulf %parallel_loop3A_646, %parallel_loop3A_644 : vector<16xf32>
      %parallel_loop3A_648 = arith.mulf %gather3A_205, %parallel_loop3A_645 : vector<16xf32>
      %parallel_loop3A_649 = arith.mulf %parallel_loop3A_648, %parallel_loop3A_645 : vector<16xf32>
      %parallel_loop3A_650 = arith.addf %parallel_loop3A_647, %parallel_loop3A_649 : vector<16xf32>
      %parallel_loop3A_651 = vector.bitcast %parallel_loop3A_650 : vector<16xf32> to vector<16xi32>
      %parallel_loop3A_652 = arith.constant 1 : i32
      %parallel_loop3A_653 = vector.broadcast %parallel_loop3A_652 : i32 to vector<16xi32>
      %parallel_loop3A_654 = arith.shrsi %parallel_loop3A_651, %parallel_loop3A_653 : vector<16xi32>
      %parallel_loop3A_655 = arith.constant 1597463007 : i32
      %parallel_loop3A_656 = vector.broadcast %parallel_loop3A_655 : i32 to vector<16xi32>
      %parallel_loop3A_657 = arith.subi %parallel_loop3A_656, %parallel_loop3A_654 : vector<16xi32>
      %parallel_loop3A_658 = vector.bitcast %parallel_loop3A_657 : vector<16xi32> to vector<16xf32>
      %parallel_loop3A_659 = arith.mulf %parallel_loop3A_650, %parallel_loop3A_658 : vector<16xf32>
      %parallel_loop3A_660 = arith.mulf %parallel_loop3A_659, %parallel_loop3A_658 : vector<16xf32>
      %parallel_loop3A_661 = arith.constant 5.000000e-01 : f32
      %parallel_loop3A_662 = vector.broadcast %parallel_loop3A_661 : f32 to vector<16xf32>
      %parallel_loop3A_663 = arith.mulf %parallel_loop3A_662, %parallel_loop3A_660 : vector<16xf32>
      %parallel_loop3A_664 = arith.constant 1.500000e+00 : f32
      %parallel_loop3A_665 = vector.broadcast %parallel_loop3A_664 : f32 to vector<16xf32>
      %parallel_loop3A_666 = arith.subf %parallel_loop3A_665, %parallel_loop3A_663 : vector<16xf32>
      %parallel_loop3A_667 = arith.mulf %parallel_loop3A_658, %parallel_loop3A_666 : vector<16xf32>
      %parallel_loop3A_668 = arith.mulf %parallel_loop3A_650, %parallel_loop3A_667 : vector<16xf32>
      %parallel_loop3A_669 = arith.mulf %parallel_loop3A_668, %parallel_loop3A_667 : vector<16xf32>
      %parallel_loop3A_670 = arith.constant 5.000000e-01 : f32
      %parallel_loop3A_671 = vector.broadcast %parallel_loop3A_670 : f32 to vector<16xf32>
      %parallel_loop3A_672 = arith.mulf %parallel_loop3A_671, %parallel_loop3A_669 : vector<16xf32>
      %parallel_loop3A_673 = arith.constant 1.500000e+00 : f32
      %parallel_loop3A_674 = vector.broadcast %parallel_loop3A_673 : f32 to vector<16xf32>
      %parallel_loop3A_675 = arith.subf %parallel_loop3A_674, %parallel_loop3A_672 : vector<16xf32>
      %parallel_loop3A_676 = arith.mulf %parallel_loop3A_667, %parallel_loop3A_675 : vector<16xf32>
      %parallel_loop3A_677 = arith.mulf %parallel_loop3A_650, %parallel_loop3A_676 : vector<16xf32>
      %parallel_loop3A_678 = arith.constant -1.000000e+01 : f32
      %parallel_loop3A_679 = vector.broadcast %parallel_loop3A_678 : f32 to vector<16xf32>
      %parallel_loop3A_680 = arith.mulf %parallel_loop3A_679, %parallel_loop3A_677 : vector<16xf32>
      %parallel_loop3A_681 = math.exp %parallel_loop3A_680 : vector<16xf32>
      %parallel_loop3A_682 = arith.subf %parallel_loop3A_360, %parallel_loop3A_560 : vector<16xf32>
      %parallel_loop3A_683 = arith.subf %parallel_loop3A_367, %parallel_loop3A_567 : vector<16xf32>
      %parallel_loop3A_684 = arith.mulf %gather3A_201, %parallel_loop3A_682 : vector<16xf32>
      %parallel_loop3A_685 = arith.mulf %parallel_loop3A_684, %parallel_loop3A_682 : vector<16xf32>
      %parallel_loop3A_686 = arith.mulf %gather3A_205, %parallel_loop3A_683 : vector<16xf32>
      %parallel_loop3A_687 = arith.mulf %parallel_loop3A_686, %parallel_loop3A_683 : vector<16xf32>
      %parallel_loop3A_688 = arith.addf %parallel_loop3A_685, %parallel_loop3A_687 : vector<16xf32>
      %parallel_loop3A_689 = vector.bitcast %parallel_loop3A_688 : vector<16xf32> to vector<16xi32>
      %parallel_loop3A_690 = arith.constant 1 : i32
      %parallel_loop3A_691 = vector.broadcast %parallel_loop3A_690 : i32 to vector<16xi32>
      %parallel_loop3A_692 = arith.shrsi %parallel_loop3A_689, %parallel_loop3A_691 : vector<16xi32>
      %parallel_loop3A_693 = arith.constant 1597463007 : i32
      %parallel_loop3A_694 = vector.broadcast %parallel_loop3A_693 : i32 to vector<16xi32>
      %parallel_loop3A_695 = arith.subi %parallel_loop3A_694, %parallel_loop3A_692 : vector<16xi32>
      %parallel_loop3A_696 = vector.bitcast %parallel_loop3A_695 : vector<16xi32> to vector<16xf32>
      %parallel_loop3A_697 = arith.mulf %parallel_loop3A_688, %parallel_loop3A_696 : vector<16xf32>
      %parallel_loop3A_698 = arith.mulf %parallel_loop3A_697, %parallel_loop3A_696 : vector<16xf32>
      %parallel_loop3A_699 = arith.constant 5.000000e-01 : f32
      %parallel_loop3A_700 = vector.broadcast %parallel_loop3A_699 : f32 to vector<16xf32>
      %parallel_loop3A_701 = arith.mulf %parallel_loop3A_700, %parallel_loop3A_698 : vector<16xf32>
      %parallel_loop3A_702 = arith.constant 1.500000e+00 : f32
      %parallel_loop3A_703 = vector.broadcast %parallel_loop3A_702 : f32 to vector<16xf32>
      %parallel_loop3A_704 = arith.subf %parallel_loop3A_703, %parallel_loop3A_701 : vector<16xf32>
      %parallel_loop3A_705 = arith.mulf %parallel_loop3A_696, %parallel_loop3A_704 : vector<16xf32>
      %parallel_loop3A_706 = arith.mulf %parallel_loop3A_688, %parallel_loop3A_705 : vector<16xf32>
      %parallel_loop3A_707 = arith.mulf %parallel_loop3A_706, %parallel_loop3A_705 : vector<16xf32>
      %parallel_loop3A_708 = arith.constant 5.000000e-01 : f32
      %parallel_loop3A_709 = vector.broadcast %parallel_loop3A_708 : f32 to vector<16xf32>
      %parallel_loop3A_710 = arith.mulf %parallel_loop3A_709, %parallel_loop3A_707 : vector<16xf32>
      %parallel_loop3A_711 = arith.constant 1.500000e+00 : f32
      %parallel_loop3A_712 = vector.broadcast %parallel_loop3A_711 : f32 to vector<16xf32>
      %parallel_loop3A_713 = arith.subf %parallel_loop3A_712, %parallel_loop3A_710 : vector<16xf32>
      %parallel_loop3A_714 = arith.mulf %parallel_loop3A_705, %parallel_loop3A_713 : vector<16xf32>
      %parallel_loop3A_715 = arith.mulf %parallel_loop3A_688, %parallel_loop3A_714 : vector<16xf32>
      %parallel_loop3A_716 = arith.constant -1.000000e+01 : f32
      %parallel_loop3A_717 = vector.broadcast %parallel_loop3A_716 : f32 to vector<16xf32>
      %parallel_loop3A_718 = arith.mulf %parallel_loop3A_717, %parallel_loop3A_715 : vector<16xf32>
      %parallel_loop3A_719 = math.exp %parallel_loop3A_718 : vector<16xf32>
      %parallel_loop3A_720 = arith.addf %parallel_loop3A_605, %parallel_loop3A_643 : vector<16xf32>
      %parallel_loop3A_721 = arith.addf %parallel_loop3A_681, %parallel_loop3A_719 : vector<16xf32>
      %parallel_loop3A_722 = arith.addf %parallel_loop3A_720, %parallel_loop3A_721 : vector<16xf32>
      %parallel_loop3A_723 = arith.divf %parallel_loop3A_605, %parallel_loop3A_722 : vector<16xf32>
      %parallel_loop3A_724 = arith.index_cast %parallel_loop3A_317 : i32 to index
      %parallel_loop3A_725 = tpu.vector_load %arg20[%parallel_loop3A_724] {strides = array<i32>} : memref<2048xf32, #tpu.memory_space<vmem>>, vector<16xf32>,
      tpu.vector_store %arg20[%parallel_loop3A_724], %parallel_loop3A_723 {strides = array<i32>} : memref<2048xf32, #tpu.memory_space<vmem>>, vector<16xf32>,
    } {sc.loop_unroll_factor = 2 : i64, sc.parallel_access}
    %mul3A_208 = arith.constant 4 : i32
    %mul3A_209 = arith.muli %mul3A_2, %mul3A_208 : i32
    "tpu.region"() ({
      %run_scoped3A = tpu.sem_alloc : memref<!tpu.dma_semaphore, #tpu.memory_space<semaphore_mem>>
      %dma_start3A_210 = tpu.memref_slice %arg10[%mul3A_209] : memref<65536xf32, #tpu.memory_space<hbm>> -> memref<2048xf32, #tpu.memory_space<hbm>>
      %dma_start3A_211 = tpu.memref_slice %arg10[%mul3A_209] : memref<65536xf32, #tpu.memory_space<hbm>> -> memref<2048xf32, #tpu.memory_space<hbm>>
      tpu.enqueue_dma source(%arg20 : memref<2048xf32, #tpu.memory_space<vmem>>) target(%dma_start3A_211 : memref<2048xf32, #tpu.memory_space<hbm>>) target_semaphore(%run_scoped3A : memref<!tpu.dma_semaphore, #tpu.memory_space<semaphore_mem>>)
      %dma_wait3A_212 = tpu.memref_slice %arg10[%mul3A_209] : memref<65536xf32, #tpu.memory_space<hbm>> -> memref<2048xf32, #tpu.memory_space<hbm>>
      %dma_wait3A_213 = tpu.memref_slice %arg10[%mul3A_209] : memref<65536xf32, #tpu.memory_space<hbm>> -> memref<2048xf32, #tpu.memory_space<hbm>>
      tpu.wait_dma2 semaphore(%run_scoped3A : memref<!tpu.dma_semaphore, #tpu.memory_space<semaphore_mem>>) src(%arg20 : memref<2048xf32, #tpu.memory_space<vmem>>) dst(%dma_wait3A_213 : memref<2048xf32, #tpu.memory_space<hbm>>)
      tpu.yield
    }) : () -> ()
    return
  }
}

</mosaic_0001>

<sc_bundles>
// kernel: kernel.3.cloned.1.call-start
scs
__scs_entry_jumppad:
0x0: {  	(pc) =	sbr.rel $0x88, $3  }
0x1: {  	(tag) =	ssettag $0x0;
	lr =	simm.s32 $0x1  }
0x2: {  	[smem:$0x3F99] =	sst lr;
	_ =	strace $0xD0000000  }
0x3: {  	_ = 	snop  }
0x4: {  	_ = 	snop  }
0x5: {  	_ = 	snop  }
0x6: {  	_ = 	snop  }
0x7: {  	_ = 	snop  }
__scs_overlays_trampoline_lowered:
0x8: {  	[smem:$0x3FA8] =	sst s0  }
0x9: {  	[smem:$0x3FA9] =	sst s1  }
0xa: {  	[smem:$0x3FAA] =	sst s2  }
0xb: {  	[smem:$0x3FAB] =	sst s3  }
0xc: {  	[smem:$0x3FAC] =	sst s4  }
0xd: {  	[smem:$0x3FAD] =	sst s5  }
0xe: {  	[smem:$0x3FAE] =	sst s6  }
0xf: {  	[smem:$0x3FAF] =	sst s7  }
0x10: {  	[smem:$0x3FB0] =	sst s8  }
0x11: {  	[smem:$0x3FB1] =	sst s9;
	s0 =	simm.s32 @!p0 $0x0  }
0x12: {  	s1 =	sld [smem:$0x3F97];
	s0 =	simm.s32 @p0 $0x1  }
0x13: {  	[smem:$0x3FB2] =	sst s0;
	s0 =	simm.s32 @!p1 $0x0  }
0x14: {  	s2 =	sld [smem:$0x3F96];
	s0 =	simm.s32 @p1 $0x1  }
0x15: {  	[smem:$0x3FB3] =	sst s0;
	s0 =	simm.s32 @!p2 $0x0  }
0x16: {  	s3 =	sld [smem:$0x3FDB];
	s0 =	simm.s32 @p2 $0x1  }
0x17: {  	s4 =	simm.s32 $0x1BF5;
	[smem:$0x3FB5] =	sst s0  }
0x18: {  	s0 =	sld [smem:$0x3F98];
	_ =	swait.ge [sflag:s4], $0x0  }
0x19: {  	s7 =	sld [smem:$0x3F99]  }
0x1a: {  	s8 =	sadd.s32 $0xFFFFE003, lr  }
0x1b: {  	s9 =	sadd.s32 $0xFFFFFEF7, lr;
	s5 =	simm.s32 $0xFFFFFFFF;
	p2 =	slt.u32 s8, $0xFFFFF086  }
0x1c: {  	p1 =	slt.u32 s9, $0xF7A;
	s5 =	simm.s32 @!p2 $0x0  }
0x1d: {  	s5 =	simm.s32 @p1 $0x1;
	p0 =	seq.s32 s7, s2  }
0x1e: {  	s7 =	smul.u32 @!p0 $0xF7A, s2;
	p2 =	seq.s32 @!p0 s5, $0x0  }
0x1f: {  	s9 =	smul.u32 $0xF7A, s1;
	s8 =	simm.s32 @!p0 $0x1BF5;
	p2 =	por !p2, p0  }
0x20: {  	[sflag:s8] =	ssyncset.s32 @!p0 $0xFFFFF086;
	s6 =	sadd.s32 @!p0 s3, s7;
	s7 =	simm.s32 @!p0 $0x108  }
0x21: {  	s3 =	sadd.s32 s3, s9;
	s6 =	sadd.s32 @!p0 $0x88, s6;
	s7 =	simm.s32 @p2 $0x1082  }
0x22: {  	[simem:s7], [sflag:s8] =	dma.local @!p0 [hbm:s6], $0xF7A  }
0x23: {  	s9 =	sor.u32 $0xD0000000, s2;
	s6 =	simm.s32 $0x108;
	_ =	swait.ge @!p0 [sflag:s8], $0x0  }
0x24: {  	s3 =	sadd.s32 $0x88, s3;
	s6 =	simm.s32 @!p1 $0x1082;
	[sflag:s4] =	ssyncset.s32 $0xFFFFF086  }
0x25: {  	[simem:s6], [sflag:s4] =	dma.local [hbm:s3], $0xF7A  }
0x26: {  	[smem:$0x3F99] =	sst s1;
	(tag) =	ssettag s2;
	_ =	strace s9  }
0x27: {  	s1 =	sld [smem:$0x3FA9]  }
0x28: {  	s2 =	sld [smem:$0x3FAA]  }
0x29: {  	s4 =	sld [smem:$0x3FAC]  }
0x2a: {  	p0 =	seq.s32 s5, $0x0;
	s5 =	sld [smem:$0x3FAD]  }
0x2b: {  	s6 =	sld [smem:$0x3FAE]  }
0x2c: {  	s7 =	sld [smem:$0x3FAF]  }
0x2d: {  	s3 =	simm.s32 $0x108;
	s8 =	sld [smem:$0x3FB0]  }
0x2e: {  	s3 =	simm.s32 @!p0 $0x1082;
	s9 =	sld [smem:$0x3FB1]  }
0x2f: {  	lr =	sadd.s32 s0, s3;
	s0 =	sld [smem:$0x3FA8]  }
0x30: {  	s3 =	sld [smem:$0x3FAB]  }
0x31: {  	[smem:$0x3FB4] =	sst s10  }
0x32: {  	s10 =	sld [smem:$0x3FB2];
	_ =	sdelay $0x3  }
0x33: {  	p0 =	seq.s32 s10, $0x1;
	s10 =	sld [smem:$0x3FB4];
	_ =	sdelay $0x3  }
0x34: {  	[smem:$0x3FB4] =	sst s10  }
0x35: {  	s10 =	sld [smem:$0x3FB3];
	_ =	sdelay $0x3  }
0x36: {  	p1 =	seq.s32 s10, $0x1;
	s10 =	sld [smem:$0x3FB4];
	_ =	sdelay $0x3  }
0x37: {  	[smem:$0x3FB4] =	sst s10  }
0x38: {  	s10 =	sld [smem:$0x3FB5]  }
0x39: {  	_ = 	snop;
	(pc) =	sbr.ind lr, $3  }
0x3a: {  	_ = 	snop  }
0x3b: {  	_ = 	snop  }
0x3c: {  	p2 =	seq.s32 s10, $0x1;
	s10 =	sld [smem:$0x3FB4]  }
0x3d: {  	_ =	shalt  }
0x3e: {  	_ =	shalt  }
0x3f: {  	_ =	shalt  }
0x40: {  	_ =	shalt  }
0x41: {  	_ =	shalt  }
0x42: {  	_ =	shalt  }
0x43: {  	_ =	shalt  }
0x44: {  	_ =	shalt  }
0x45: {  	_ =	shalt  }
0x46: {  	_ =	shalt  }
0x47: {  	_ =	shalt  }
0x48: {  	_ =	shalt  }
0x49: {  	_ =	shalt  }
0x4a: {  	_ =	shalt  }
0x4b: {  	_ =	shalt  }
0x4c: {  	_ =	shalt  }
0x4d: {  	_ =	shalt  }
0x4e: {  	_ =	shalt  }
0x4f: {  	_ =	shalt  }
0x50: {  	_ =	shalt  }
0x51: {  	_ =	shalt  }
0x52: {  	_ =	shalt  }
0x53: {  	_ =	shalt  }
0x54: {  	_ =	shalt  }
0x55: {  	_ =	shalt  }
0x56: {  	_ =	shalt  }
0x57: {  	_ =	shalt  }
0x58: {  	_ =	shalt  }
0x59: {  	_ =	shalt  }
0x5a: {  	_ =	shalt  }
0x5b: {  	_ =	shalt  }
0x5c: {  	_ =	shalt  }
0x5d: {  	_ =	shalt  }
0x5e: {  	_ =	shalt  }
0x5f: {  	_ =	shalt  }
0x60: {  	_ =	shalt  }
0x61: {  	_ =	shalt  }
0x62: {  	_ =	shalt  }
0x63: {  	_ =	shalt  }
0x64: {  	_ =	shalt  }
0x65: {  	_ =	shalt  }
0x66: {  	_ =	shalt  }
0x67: {  	_ =	shalt  }
0x68: {  	_ =	shalt  }
0x69: {  	_ =	shalt  }
0x6a: {  	_ =	shalt  }
0x6b: {  	_ =	shalt  }
0x6c: {  	_ =	shalt  }
0x6d: {  	_ =	shalt  }
0x6e: {  	_ =	shalt  }
0x6f: {  	_ =	shalt  }
0x70: {  	_ =	shalt  }
0x71: {  	_ =	shalt  }
0x72: {  	_ =	shalt  }
0x73: {  	_ =	shalt  }
0x74: {  	_ =	shalt  }
0x75: {  	_ =	shalt  }
0x76: {  	_ =	shalt  }
0x77: {  	_ =	shalt  }
0x78: {  	_ =	shalt  }
0x79: {  	_ =	shalt  }
0x7a: {  	_ =	shalt  }
0x7b: {  	_ =	shalt  }
0x7c: {  	_ =	shalt  }
0x7d: {  	_ =	shalt  }
0x7e: {  	_ =	shalt  }
0x7f: {  	_ =	shalt  }
0x80: {  	_ =	shalt  }
0x81: {  	_ =	shalt  }
0x82: {  	_ =	shalt  }
0x83: {  	_ =	shalt  }
0x84: {  	_ =	shalt  }
0x85: {  	_ =	shalt  }
0x86: {  	_ =	shalt  }
0x87: {  	_ =	shalt  }
.Lfunc_end0:
.L_simem_size_0:
called_computation_lowered:
.L_overlay_start_0:
0x88: {  	s2 =	sld [smem:$0x3FD9]  }
0x89: {  	s3 =	sld [smem:$0x3FFE];
	_ =	sdelay $0x1  }
0x8a: {  	s1 =	srdreg.scid  }
0x8b: {  	s0 =	sand.u32 $0x1, s1  }
0x8c: {  	s17 =	sshll.u32 s0, $0xA;
	s2 =	sadd.s32 s3, s2  }
0x8d: {  	s2 =	sadd.s32 s2, s17  }
0x8e: {  	[smem:$0x3FC0] =	sst s2  }
0x8f: {  	_ = 	snop  }
0x90: {  	s2 =	sld [smem:$0x3FC9]  }
0x91: {  	s18 =	sld [smem:$0x3FC8]  }
0x92: {  	s4 =	sld [smem:$0x3FC7]  }
0x93: {  	s5 =	sld [smem:$0x3FC2]  }
0x94: {  	s6 =	sld [smem:$0x3FD0];
	(tm) =	ssettm $0x1  }
0x95: {  	s7 =	sld [smem:$0x3FFB];
	_ =	sdelay $0x3  }
0x96: {  	_ =	strace s7  }
0x97: {  	s7 =	sld [smem:$0x3FFC];
	_ =	sdelay $0x3  }
0x98: {  	_ =	strace s7  }
0x99: {  	s7 =	sld [smem:$0x3FFD];
	_ =	sdelay $0x3  }
0x9a: {  	_ =	strace s7  }
0x9b: {  	_ =	strace $0x8FFFFFFF  }
0x9c: {  	s19 =	sld [smem:$0x3FDB];
	_ =	sdelay $0x1  }
0x9d: {  	s8 =	simm.s32 $_scs_section_size  }
0x9e: {  	s9 =	simm.s32 $_size__tile_overlayer_lowered;
	s10 =	simm.s32 $_tile_overlayer_lowered  }
0x9f: {  	s22 =	simm.s32 $0x1BFF;
	s21 =	sshll.u32 s10, $0x1;
	s7 =	sadd.s32 s8, s19  }
0xa0: {  	s11 =	simm.s32 $0x0;
	s20 =	sshll.u32 s9, $0x1;
	s9 =	sadd.s32 s21, s7  }
0xa1: {  	[timem:s11], [sflag:s22] =	dma.local [hbm:s9], s20  }
0xa2: {  	_ =	swait.ge [sflag:s22], s20  }
0xa3: {  	s8 =	ssub.s32 $0x0, s20;
	[sflag:s22] =	ssyncset.done $0x0  }
0xa4: {  	[sflag:s22] =	ssyncadd.s32 s8;
	_ =	sdelay $0x1  }
0xa5: {  	s23 =	simm.s32 $0x1B8B  }
0xa6: {  	_ =	swait.ge [sflag:s23], $0x1  }
0xa7: {  	[sflag:s23] =	ssyncset.done $0x0  }
0xa8: {  	s25 =	simm.s32 $0x1B8E;
	s24 =	sld [smem:$0x3FFE];
	[sflag:s23] =	ssyncadd.s32 $0xFFFFFFFF  }
0xa9: {  	s26 =	simm.s32 $execute0_lowered;
	[smem:$0x3FD2] =	sst s25  }
0xaa: {  	s9 =	sshll.u32 s26, $0x1;
	_ =	strace $0x80000046;
	[dreg:$0x1] =	wrdreg $0xFFFFFFFF  }
0xab: {  	s28 =	simm.s32 $_size_execute0_lowered;
	s7 =	sadd.s32 s7, s9;
	[dreg:$0x0] =	wrdreg $0x0  }
0xac: {  	s9 =	sshll.u32 s28, $0x1;
	[dreg:$0x2] =	wrdreg s7  }
0xad: {  	[dreg:$0x3] =	wrdreg s9  }
0xae: {  	[dreg:$0x4] =	wrdreg $0xC0  }
0xaf: {  	_ =	task [dreg:s11], $0x5FFFF  }
0xb0: {  	[dreg:$0x1] =	wrdreg $0xFFFFFFFF  }
0xb1: {  	[dreg:$0x0] =	wrdreg $0x60  }
0xb2: {  	[dreg:$0x2] =	wrdreg s2  }
0xb3: {  	[dreg:$0x3] =	wrdreg s18  }
0xb4: {  	[dreg:$0x4] =	wrdreg s4  }
0xb5: {  	[dreg:$0x5] =	wrdreg s24  }
0xb6: {  	[dreg:$0x6] =	wrdreg s5  }
0xb7: {  	[dreg:$0x7] =	wrdreg s6  }
0xb8: {  	[dreg:$0x8] =	wrdreg $0x9  }
0xb9: {  	_ =	task.clear_ibuf [dreg:s11], $0x9FFFF;
	_ =	strace $0x90000046  }
0xba: {  	s29 =	simm.s32 $0x9;
	_ =	strace $0x80000048  }
0xbb: {  	_ =	swait.ge [sflag:s29], $0x1  }
0xbc: {  	[sflag:s29] =	ssyncadd.s32 $0xFFFFFFFF  }
0xbd: {  	_ =	strace $0x90000048  }
0xbe: {  	_ =	sfence  }
0xbf: {  	s30 =	sld [smem:$0x0];
	_ =	sdelay $0x2  }
0xc0: {  	s31 =	sshll.u32 s1, $0xD;
	s1 =	sshrl.u32 s1, $0x2  }
0xc1: {  	s3 =	sand.u32 $0x4000, s31;
	s1 =	sadd.s32 s1, s30  }
0xc2: {  	s0 =	sor.u32 s3, s0;
	s1 =	sshll.u32 s1, $0x11  }
0xc3: {  	s0 =	sor.u32 s1, s0  }
0xc4: {  	s0 =	sadd.s32 $0x8F2B, s0  }
0xc5: {  	[sflag:s0] =	ssyncadd.remote.s32 $0x1  }
0xc6: {  	_ =	sfence.sel $0xFFFF  }
0xc7: {  	[dreg:$0x0] =	wrdreg $0xFFFFFFFF;
	(pc) =	sbr.abs _section_cstart, $3  }
0xc8: {  	[dreg:$0x1] =	wrdreg $0xFFFFFFFF  }
0xc9: {  	_ =	task.clear_ibuf [dreg:s11], $0x2FFFF;
	_ =	strace $0x9FFFFFFF  }
0xca: {  	(tm) =	ssettm $0x7FFFFFFF  }
0xcb: {  	_ =	shalt  }
tec
execute0_lowered:
.L_overlay_start_1:
0x0: {  	(tag) =	ssettag $0x1  }
0x1: {  	s0 =	rddreg [dreg:$0x0]  }
0x2: {  	s1 =	rddreg [dreg:$0x1]  }
0x3: {  	s2 =	rddreg [dreg:$0x2]  }
0x4: {  	s8 =	rddreg [dreg:$0x3]  }
0x5: {  	s13 =	rddreg [dreg:$0x5]  }
0x6: {  	s4 =	srdreg.scid;
	s5 =	stileid.u32  }
0x7: {  	s3 =	simm.s32 $0x0;
	v1 =	vimm.s32 $0x36343230;
	v2 =	vimm.s32 $0x3C3C3A38;
	s28 =	simm.s32 $0x3200;
	s29 =	simm.s32 $0x1  }
0x8: {  	v3 =	vimm.s32 $0x26242220;
	v4 =	vimm.s32 $0x2E2C2A28;
	s30 =	simm.s32 $0x3280;
	s9 =	sand.u32 $0x1, s4;
	s23 =	sshll.u32 s5, $0x1  }
0x9: {  	v5 =	vimm.s32 $0x37353331;
	[smem:$0x7FF] =	sst s3;
	s24 =	sadd.s32 $0x400, s8;
	s25 =	sadd.s32 $0x600, s8  }
0xa: {  	v0 =	vlaneseq.u32;
	v6 =	vimm.s32 $0x3D3D3B39;
	s26 =	sadd.s32 $0x800, s8;
	_ =	strace $0x80000047;
	[dreg:$0x7] =	wrdreg s24  }
0xb: {  	vm0 =	vcmask $0x1F10;
	v7 =	vimm.s32 $0x27252321;
	v8 =	vimm.s32 $0x2F2D2B29;
	s8 =	sadd.s32 $0xA00, s8;
	s14 =	sor.u32 s9, s23;
	[dreg:$0x8] =	wrdreg s25  }
0xc: {  	v0 =	vmul.u32 $0x2, v0;
	v1 =	vunpack.c.0.s8.s32 v1;
	v2 =	vunpack.c.0.s8.s32 v2;
	[dreg:$0x9] =	wrdreg s26;
	s31 =	ssub.s32 $0x2, s9;
	s23 =	simm.s32 $0x3000  }
0xd: {  	v3 =	vunpack.c.0.s8.s32 v3;
	v4 =	vunpack.c.0.s8.s32 v4;
	v5 =	vunpack.c.0.s8.s32 v5;
	s24 =	simm.s32 $0x3080;
	s25 =	simm.s32 $0x3100;
	s26 =	simm.s32 $0x3180  }
0xe: {  	v6 =	vunpack.c.0.s8.s32 v6;
	v7 =	vunpack.c.0.s8.s32 v7;
	v8 =	vunpack.c.0.s8.s32 v8;
	s15 =	sshll.u32 s14, $0x8;
	s16 =	sshrl.u32 s31, $0x1;
	s17 =	sshll.u32 s14, $0x7  }
0xf: {  	v2 =	vsel vm0, v2, v1;
	v3 =	vsel vm0, v4, v3;
	[tilespmem:$0x1FFD0] =	vst v0;
	v0 =	vor.u32 $0x1, v0;
	s7 =	sadd.s32 s0, s15;
	s0 =	ssub.s32 s31, s16;
	s14 =	sadd.s32 s1, s17  }
0x10: {  	s18 =	sadd.s32 s2, s17;
	s19 =	sadd.s32 s13, s15;
	[tilespmem:$0x1FFE0] =	vst v0;
	v0 =	vcombine.low v3, v2;
	s1 =	simm.s32 $0x0  }
0x11: {  	v4 =	vsel vm0, v6, v5;
	v5 =	vsel vm0, v8, v7;
	s9 =	sadd.s32 $0x2000, s7;
	s10 =	sadd.s32 $0x4000, s7;
	s11 =	sadd.s32 $0x6000, s7  }
0x12: {  	v3 =	vcombine.low v5, v4;
	s12 =	sadd.s32 $0x8000, s7;
	s20 =	smax.u32 s0, $0x1;
	s0 =	simm.s32 $0x2;
	[tilespmem:$0x1FFF0] =	vst v0  }
.LBB2_1:
0x13: {  	[tilespmem:s3], [sflag:$0x1] =	stream.linear.gather [hbm4b:s7+s3], $0x800, $0x38;
	[tilespmem:$0x3B80] =	vst v63  }
0x14: {  	s2 =	simm.s32 $0x800  }
0x15: {  	[tilespmem:s2], [sflag:$0x1] =	stream.linear.gather [hbm4b:s9+s3], $0x800, $0x38;
	[tilespmem:$0x3B80] =	vst v63  }
0x16: {  	s13 =	simm.s32 $0x1000  }
0x17: {  	[tilespmem:s13], [sflag:$0x1] =	stream.linear.gather [hbm4b:s10+s3], $0x800, $0x38;
	[tilespmem:$0x3B80] =	vst v63  }
0x18: {  	s15 =	simm.s32 $0x1800  }
0x19: {  	[tilespmem:s15], [sflag:$0x1] =	stream.linear.gather [hbm4b:s11+s3], $0x800, $0x38;
	[tilespmem:$0x3B80] =	vst v63  }
0x1a: {  	s16 =	simm.s32 $0x2000  }
0x1b: {  	[tilespmem:s16], [sflag:$0x1] =	stream.linear.gather [hbm4b:s12+s3], $0x800, $0x38;
	[tilespmem:$0x3B80] =	vst v63  }
0x1c: {  	s17 =	simm.s32 $0x2800  }
0x1d: {  	[tilespmem:s17], [sflag:$0x1] =	stream.linear.gather [hbm4b:s14+s3], $0x400, $0x38;
	[tilespmem:$0x3B80] =	vst v63  }
0x1e: {  	s21 =	simm.s32 $0x2C00  }
0x1f: {  	[tilespmem:s21], [sflag:$0x1] =	stream.linear.gather [hbm4b:s18+s3], $0x400, $0x38;
	[tilespmem:$0x3B80] =	vst v63  }
0x20: {  	s22 =	rddreg [dreg:$0x7]  }
0x21: {  	[tilespmem:s23], [sflag:$0x1] =	stream.linear.gather [hbm4b:s22+s3], $0x80, $0x38;
	[tilespmem:$0x3B80] =	vst v63  }
0x22: {  	s31 =	rddreg [dreg:$0x8]  }
0x23: {  	[tilespmem:s24], [sflag:$0x1] =	stream.linear.gather [hbm4b:s31+s3], $0x80, $0x38;
	[tilespmem:$0x3B80] =	vst v63  }
0x24: {  	s4 =	rddreg [dreg:$0x9]  }
0x25: {  	[tilespmem:s25], [sflag:$0x1] =	stream.linear.gather [hbm4b:s4+s3], $0x80, $0x38;
	[tilespmem:$0x3B80] =	vst v63  }
0x26: {  	_ = 	snop  }
0x27: {  	[tilespmem:s26], [sflag:$0x1] =	stream.linear.gather [hbm4b:s8+s3], $0x80, $0x38;
	[tilespmem:$0x3B80] =	vst v63  }
0x28: {  	s5 =	rddreg [dreg:$0x4]  }
0x29: {  	[tilespmem:s28], [sflag:$0x1] =	stream.linear.gather [hbm4b:s5+s3], $0x80, $0x38;
	[tilespmem:$0x3B80] =	vst v63  }
0x2a: {  	_ =	swait.ge [sflag:s29], $0x800  }
0x2b: {  	[sflag:s29] =	ssyncset.done $0x0  }
0x2c: {  	[sflag:s29] =	ssyncadd.s32 $0xFFFFF800  }
0x2d: {  	_ =	swait.ge [sflag:s29], $0x800  }
0x2e: {  	[sflag:s29] =	ssyncset.done $0x0  }
0x2f: {  	[sflag:s29] =	ssyncadd.s32 $0xFFFFF800  }
0x30: {  	_ =	swait.ge [sflag:s29], $0x800  }
0x31: {  	[sflag:s29] =	ssyncset.done $0x0  }
0x32: {  	[sflag:s29] =	ssyncadd.s32 $0xFFFFF800  }
0x33: {  	_ =	swait.ge [sflag:s29], $0x800  }
0x34: {  	[sflag:s29] =	ssyncset.done $0x0  }
0x35: {  	[sflag:s29] =	ssyncadd.s32 $0xFFFFF800  }
0x36: {  	_ =	swait.ge [sflag:s29], $0x800  }
0x37: {  	[sflag:s29] =	ssyncset.done $0x0  }
0x38: {  	[sflag:s29] =	ssyncadd.s32 $0xFFFFF800  }
0x39: {  	_ =	swait.ge [sflag:s29], $0x400  }
0x3a: {  	[sflag:s29] =	ssyncset.done $0x0  }
0x3b: {  	[sflag:s29] =	ssyncadd.s32 $0xFFFFFC00  }
0x3c: {  	_ =	swait.ge [sflag:s29], $0x400  }
0x3d: {  	[sflag:s29] =	ssyncset.done $0x0  }
0x3e: {  	[sflag:s29] =	ssyncadd.s32 $0xFFFFFC00  }
0x3f: {  	_ =	swait.ge [sflag:s29], $0x80  }
0x40: {  	[sflag:s29] =	ssyncset.done $0x0  }
0x41: {  	[sflag:s29] =	ssyncadd.s32 $0xFFFFFF80  }
0x42: {  	_ =	swait.ge [sflag:s29], $0x80  }
0x43: {  	[sflag:s29] =	ssyncset.done $0x0  }
0x44: {  	[sflag:s29] =	ssyncadd.s32 $0xFFFFFF80  }
0x45: {  	_ =	swait.ge [sflag:s29], $0x80  }
0x46: {  	[sflag:s29] =	ssyncset.done $0x0  }
0x47: {  	[sflag:s29] =	ssyncadd.s32 $0xFFFFFF80  }
0x48: {  	_ =	swait.ge [sflag:s29], $0x80  }
0x49: {  	[sflag:s29] =	ssyncset.done $0x0  }
0x4a: {  	[sflag:s29] =	ssyncadd.s32 $0xFFFFFF80  }
0x4b: {  	_ =	swait.ge [sflag:s29], $0x80  }
0x4c: {  	v0 =	vld [tilespmem:$0x1FFD0];
	_ =	sdelay $0x5  }
0x4d: {  	[sflag:s29] =	ssyncset.done $0x0;
	v1 =	vld [tilespmem:$0x1FFE0]  }
0x4e: {  	[sflag:s29] =	ssyncadd.s32 $0xFFFFFF80  }
0x4f: {  	v5 =	vld.idx.msk [tilespmem:v0+s23+$0x0], $0xffff;
	_ =	sdelay $0x4  }
0x50: {  	[tilespmem:$0x3280] =	vst v5  }
0x51: {  	v5 =	vld.idx.msk [tilespmem:v1+s23+$0x0], $0xffff;
	_ =	sdelay $0x4  }
0x52: {  	[tilespmem:$0x32A0] =	vst v5  }
0x53: {  	v5 =	vld.idx.msk [tilespmem:v0+s24+$0x0], $0xffff;
	_ =	sdelay $0x4  }
0x54: {  	[tilespmem:$0x32C0] =	vst v5  }
0x55: {  	v5 =	vld.idx.msk [tilespmem:v1+s24+$0x0], $0xffff;
	_ =	sdelay $0x4  }
0x56: {  	[tilespmem:$0x32E0] =	vst v5  }
0x57: {  	v5 =	vld.idx.msk [tilespmem:v0+s25+$0x0], $0xffff;
	_ =	sdelay $0x4  }
0x58: {  	[tilespmem:$0x3300] =	vst v5  }
0x59: {  	v5 =	vld.idx.msk [tilespmem:v1+s25+$0x0], $0xffff;
	_ =	sdelay $0x4  }
0x5a: {  	[tilespmem:$0x3320] =	vst v5  }
0x5b: {  	v5 =	vld.idx.msk [tilespmem:v0+s26+$0x0], $0xffff;
	_ =	sdelay $0x3  }
0x5c: {  	v0 =	vld [tilespmem:$0x1FFF0]  }
0x5d: {  	[tilespmem:$0x3340] =	vst v5  }
0x5e: {  	v5 =	vld.idx.msk [tilespmem:v1+s26+$0x0], $0xffff;
	_ =	sdelay $0x4  }
0x5f: {  	[tilespmem:$0x3360] =	vst v5  }
0x60: {  	v5 =	vld.idx.msk [tilespmem:v0+s23+$0x0], $0xffff;
	_ =	sdelay $0x4  }
0x61: {  	[tilespmem:$0x3290] =	vst v5  }
0x62: {  	v5 =	vld.idx.msk [tilespmem:v3+s23+$0x0], $0xffff;
	_ =	sdelay $0x4  }
0x63: {  	[tilespmem:$0x32B0] =	vst v5  }
0x64: {  	v5 =	vld.idx.msk [tilespmem:v0+s24+$0x0], $0xffff;
	_ =	sdelay $0x4  }
0x65: {  	[tilespmem:$0x32D0] =	vst v5  }
0x66: {  	v5 =	vld.idx.msk [tilespmem:v3+s24+$0x0], $0xffff;
	_ =	sdelay $0x4  }
0x67: {  	[tilespmem:$0x32F0] =	vst v5  }
0x68: {  	v5 =	vld.idx.msk [tilespmem:v0+s25+$0x0], $0xffff;
	_ =	sdelay $0x4  }
0x69: {  	[tilespmem:$0x3310] =	vst v5  }
0x6a: {  	v5 =	vld.idx.msk [tilespmem:v3+s25+$0x0], $0xffff;
	_ =	sdelay $0x4  }
0x6b: {  	[tilespmem:$0x3330] =	vst v5  }
0x6c: {  	v5 =	vld.idx.msk [tilespmem:v0+s26+$0x0], $0xffff;
	_ =	sdelay $0x4  }
0x6d: {  	[tilespmem:$0x3350] =	vst v5  }
0x6e: {  	v5 =	vld.idx.msk [tilespmem:v3+s26+$0x0], $0xffff;
	_ =	sdelay $0x2  }
0x6f: {  	s6 =	sand.u32 $0x70, s3  }
0x70: {  	s13 =	simm.s32 $0x0;
	s15 =	simm.s32 $0x0;
	s16 =	sand.u32 $0x100, s3  }
0x71: {  	s13 =	sor.u32 s6, s13;
	s15 =	sor.u32 s16, s15;
	[tilespmem:$0x3370] =	vst v5  }
0x72: {  	s2 =	sor.u32 s6, s15;
	v5 =	vld [tilespmem:s13+$0x2880]  }
0x73: {  	v6 =	vld [tilespmem:s2+$0x80]  }
0x74: {  	v7 =	vld [tilespmem:s2+$0x880]  }
0x75: {  	v11 =	vld [tilespmem:s2+$0x1080]  }
0x76: {  	v12 =	vld [tilespmem:s2+$0x1880]  }
0x77: {  	v13 =	vld [tilespmem:s2+$0x2080]  }
0x78: {  	v8 =	vld [tilespmem:s13+$0x2C00]  }
0x79: {  	v10 =	vld [tilespmem:s13+$0x2C80]  }
0x7a: {  	v14 =	vld [tilespmem:s13+$0x2800]  }
0x7b: {  	v9 =	vadd.s32 $0xC0, v6;
	v15 =	vld.idx.msk [tilespmem:v6+s30+$0x0], $0xffff  }
0x7c: {  	v16 =	vadd.s32 $0xE0, v6;
	v17 =	vld.idx.msk [tilespmem:v7+s30+$0x0], $0xffff  }
0x7d: {  	v18 =	vadd.s32 $0xC0, v7;
	v19 =	vld.idx.msk [tilespmem:v11+s30+$0x0], $0xffff  }
0x7e: {  	v20 =	vadd.s32 $0xE0, v7;
	v21 =	vld.idx.msk [tilespmem:v12+s30+$0x0], $0xffff  }
0x7f: {  	v22 =	vadd.s32 $0xC0, v11;
	v23 =	vld.idx.msk [tilespmem:v13+s30+$0x0], $0xffff  }
0x80: {  	v24 =	vadd.s32 $0x80, v6;
	v25 =	vld.idx.msk [tilespmem:v9+s30+$0x0], $0xffff  }
0x81: {  	v26 =	vadd.s32 $0x80, v7;
	v16 =	vld.idx.msk [tilespmem:v16+s30+$0x0], $0xffff  }
0x82: {  	v27 =	vadd.s32 $0xA0, v7;
	v18 =	vld.idx.msk [tilespmem:v18+s30+$0x0], $0xffff  }
0x83: {  	v28 =	vadd.s32 $0x80, v11;
	v20 =	vld.idx.msk [tilespmem:v20+s30+$0x0], $0xffff  }
0x84: {  	v30 =	vadd.s32 $0x40, v6;
	v22 =	vld.idx.msk [tilespmem:v22+s30+$0x0], $0xffff  }
0x85: {  	v33 =	vadd.s32 $0x40, v7;
	v24 =	vld.idx.msk [tilespmem:v24+s30+$0x0], $0xffff  }
0x86: {  	v34 =	vadd.s32 $0x60, v7;
	v26 =	vld.idx.msk [tilespmem:v26+s30+$0x0], $0xffff  }
0x87: {  	v39 =	vadd.s32 $0x40, v12;
	v27 =	vld.idx.msk [tilespmem:v27+s30+$0x0], $0xffff  }
0x88: {  	v40 =	vadd.s32 $0x60, v12;
	v28 =	vld.idx.msk [tilespmem:v28+s30+$0x0], $0xffff  }
0x89: {  	v9 =	vadd.s32 $0xA0, v6;
	v30 =	vld.idx.msk [tilespmem:v30+s30+$0x0], $0xffff  }
0x8a: {  	v41 =	vadd.s32 $0x40, v13;
	v33 =	vld.idx.msk [tilespmem:v33+s30+$0x0], $0xffff  }
0x8b: {  	v0 =	vimm.s32 $0x1;
	v29 =	vadd.s32 $0x20, v6;
	v32 =	vadd.s32 $0x20, v7;
	v34 =	vld.idx.msk [tilespmem:v34+s30+$0x0], $0xffff  }
0x8c: {  	v35 =	vadd.s32 $0x20, v11;
	v36 =	vadd.s32 $0xE0, v11;
	v37 =	vadd.s32 $0x20, v12;
	v39 =	vld.idx.msk [tilespmem:v39+s30+$0x0], $0xffff  }
0x8d: {  	v38 =	vadd.s32 $0xC0, v12;
	v7 =	vmul.f32 v5, v10;
	v10 =	vmul.f32 v14, v10;
	v40 =	vld.idx.msk [tilespmem:v40+s30+$0x0], $0xffff  }
0x8e: {  	v42 =	vadd.s32 $0x20, v13;
	v31 =	vld.idx.msk [tilespmem:v9+s30+$0x0], $0xffff;
	v9 =	vmul.f32 v14, v8;
	v8 =	vmul.f32 v5, v8  }
0x8f: {  	v43 =	vadd.s32 $0x60, v13;
	v41 =	vld.idx.msk [tilespmem:v41+s30+$0x0], $0xffff;
	v25 =	vmul.f32 v25, v7;
	v16 =	vmul.f32 v16, v7  }
0x90: {  	v44 =	vadd.s32 $0x80, v12;
	v29 =	vld.idx.msk [tilespmem:v29+s30+$0x0], $0xffff;
	v18 =	vmul.f32 v18, v7;
	v20 =	vmul.f32 v20, v7  }
0x91: {  	v45 =	vadd.s32 $0xA0, v12;
	v32 =	vld.idx.msk [tilespmem:v32+s30+$0x0], $0xffff;
	v22 =	vmul.f32 v22, v7;
	v30 =	vmul.f32 v30, v10  }
0x92: {  	v46 =	vadd.s32 $0x80, v13;
	v35 =	vld.idx.msk [tilespmem:v35+s30+$0x0], $0xffff;
	v33 =	vmul.f32 v33, v10;
	v34 =	vmul.f32 v34, v10  }
0x93: {  	v47 =	vadd.s32 $0xA0, v13;
	v37 =	vld.idx.msk [tilespmem:v37+s30+$0x0], $0xffff;
	v39 =	vmul.f32 v39, v10;
	v40 =	vmul.f32 v40, v10  }
0x94: {  	v48 =	vadd.s32 $0xC0, v13;
	v42 =	vld.idx.msk [tilespmem:v42+s30+$0x0], $0xffff;
	v60 =	vmul.f32 v41, v10;
	v15 =	vmul.f32 v15, v9  }
0x95: {  	v6 =	vadd.s32 $0x60, v6;
	v44 =	vld.idx.msk [tilespmem:v44+s30+$0x0], $0xffff;
	v17 =	vmul.f32 v17, v9;
	v19 =	vmul.f32 v19, v9  }
0x96: {  	v12 =	vadd.s32 $0xE0, v12;
	v45 =	vld.idx.msk [tilespmem:v45+s30+$0x0], $0xffff;
	v21 =	vmul.f32 v21, v9;
	v23 =	vmul.f32 v23, v9  }
0x97: {  	v13 =	vadd.s32 $0xE0, v13;
	v61 =	vld.idx.msk [tilespmem:v46+s30+$0x0], $0xffff;
	v24 =	vmul.f32 v24, v8;
	v26 =	vmul.f32 v26, v8  }
0x98: {  	v63 =	vld.idx.msk [tilespmem:v47+s30+$0x0], $0xffff;
	v5 =	vadd.s32 $0x40, v11;
	v27 =	vmul.f32 v27, v8;
	v28 =	vmul.f32 v28, v8  }
0x99: {  	v47 =	vld.idx.msk [tilespmem:v48+s30+$0x0], $0xffff;
	v14 =	vadd.s32 $0x60, v11;
	v29 =	vmul.f32 v29, v9;
	v32 =	vmul.f32 v32, v9  }
0x9a: {  	v6 =	vld.idx.msk [tilespmem:v6+s30+$0x0], $0xffff;
	v11 =	vadd.s32 $0xA0, v11;
	v35 =	vmul.f32 v35, v9;
	v37 =	vmul.f32 v37, v9  }
0x9b: {  	v12 =	vld.idx.msk [tilespmem:v12+s30+$0x0], $0xffff;
	v62 =	vmul.f32 v42, v9;
	v15 =	vadd.f32 v30, v15;
	v17 =	vadd.f32 v33, v17  }
0x9c: {  	v13 =	vld.idx.msk [tilespmem:v13+s30+$0x0], $0xffff;
	v44 =	vmul.f32 v44, v8;
	v32 =	vadd.f32 v34, v32;
	v21 =	vadd.f32 v39, v21  }
0x9d: {  	v46 =	vmul.f32 v45, v8;
	v42 =	vadd.f32 v40, v37;
	v23 =	vadd.f32 v60, v23;
	v34 =	vld [tilespmem:s2+$0x2000]  }
0x9e: {  	v49 =	vmul.f32 v61, v8;
	v5 =	vld.idx.msk [tilespmem:v5+s30+$0x0], $0xffff;
	v15 =	vadd.f32 v24, v15;
	v17 =	vadd.f32 v26, v17  }
0x9f: {  	v14 =	vld.idx.msk [tilespmem:v14+s30+$0x0], $0xffff;
	v6 =	vmul.f32 v6, v10;
	v48 =	vadd.f32 v27, v32;
	v21 =	vadd.f32 v44, v21  }
0xa0: {  	v12 =	vmul.f32 v12, v7;
	v11 =	vld.idx.msk [tilespmem:v11+s30+$0x0], $0xffff;
	v24 =	vadd.f32 v46, v42;
	v23 =	vadd.f32 v49, v23  }
0xa1: {  	v43 =	vld.idx.msk [tilespmem:v43+s30+$0x0], $0xffff;
	v31 =	vmul.f32 v31, v8;
	v6 =	vadd.f32 v6, v29;
	v15 =	vadd.f32 v25, v15  }
0xa2: {  	v13 =	vmul.f32 v13, v7;
	v27 =	vld [tilespmem:s2+$0x1800];
	v17 =	vadd.f32 v18, v17;
	v18 =	vadd.f32 v20, v48  }
0xa3: {  	v20 =	vmul.f32 v47, v7;
	v12 =	vadd.f32 v12, v24;
	v6 =	vadd.f32 v31, v6  }
0xa4: {  	v41 =	vld.idx.msk [tilespmem:v36+s30+$0x0], $0xffff;
	v44 =	vadd.s32 $0x60, v34;
	v5 =	vmul.f32 v5, v10;
	v14 =	vmul.f32 v14, v10  }
0xa5: {  	v11 =	vmul.f32 v11, v8;
	v20 =	vadd.f32 v20, v23;
	v16 =	vadd.f32 v16, v6  }
0xa6: {  	v17 =	vsub.f32 v15, v17;
	v5 =	vadd.f32 v5, v19;
	v19 =	vmul.f32 v43, v10;
	v43 =	vld.idx.msk [tilespmem:v38+s30+$0x0], $0xffff  }
0xa7: {  	v6 =	vld.idx.msk [tilespmem:v0+s28+$0x0], $0xffff;
	v37 =	vadd.s32 $0x20, v27;
	v14 =	vadd.f32 v14, v35;
	v18 =	vsub.f32 v16, v18  }
0xa8: {  	v19 =	vadd.f32 v19, v62;
	v28 =	vadd.f32 v28, v5;
	v5 =	vmul.f32 v63, v8  }
0xa9: {  	v12 =	vsub.f32 v16, v12;
	v11 =	vadd.f32 v11, v14;
	v14 =	vmul.f32 v41, v7  }
0xaa: {  	v62 =	vadd.s32 $0x40, v27;
	v63 =	vadd.s32 $0x60, v27;
	v19 =	vadd.f32 v5, v19  }
0xab: {  	v5 =	vld.msk [tilespmem:s28+$0x0], $0xffff;
	v22 =	vadd.f32 v22, v28;
	v11 =	vadd.f32 v14, v11;
	v50 =	vmul.f32 v43, v7  }
0xac: {  	v23 =	vmul.f32 v18, v6;
	v52 =	vmul.f32 v12, v6;
	v28 =	vld [tilespmem:s2+$0x800];
	v13 =	vadd.f32 v13, v19  }
0xad: {  	v41 =	vadd.s32 $0x40, v34;
	v11 =	vsub.f32 v16, v11;
	v14 =	vadd.f32 v50, v21  }
0xae: {  	v19 =	vsub.f32 v15, v22;
	v18 =	vmul.f32 v23, v18;
	v12 =	vmul.f32 v52, v12  }
0xaf: {  	v21 =	vld [tilespmem:s2+$0x0];
	v51 =	vmul.f32 v11, v6;
	v13 =	vsub.f32 v16, v13;
	v14 =	vsub.f32 v15, v14  }
0xb0: {  	v22 =	vmul.f32 v17, v5;
	v15 =	vsub.f32 v15, v20;
	v20 =	vmul.f32 v19, v5  }
0xb1: {  	v30 =	vadd.s32 $0x40, v28;
	v54 =	vmul.f32 v13, v6;
	v11 =	vmul.f32 v51, v11  }
0xb2: {  	v60 =	vadd.s32 $0x60, v28;
	v16 =	vmul.f32 v14, v5;
	v17 =	vmul.f32 v22, v17  }
0xb3: {  	v49 =	vadd.s32 $0xA0, v28;
	v53 =	vmul.f32 v15, v5;
	v19 =	vmul.f32 v20, v19  }
0xb4: {  	v22 =	vadd.s32 $0x40, v21;
	v17 =	vadd.f32 v18, v17;
	v14 =	vmul.f32 v16, v14  }
0xb5: {  	v13 =	vmul.f32 v54, v13;
	v15 =	vmul.f32 v53, v15;
	v11 =	vadd.f32 v11, v19  }
0xb6: {  	v18 =	vshra.s32 v17, $0x1;
	v12 =	vadd.f32 v12, v14;
	v14 =	vadd.s32 $0x20, v28  }
0xb7: {  	v13 =	vadd.f32 v13, v15;
	v15 =	vld [tilespmem:s2+$0x1000];
	v19 =	vshra.s32 v11, $0x1;
	v18 =	vsub.s32 $0x5F3759DF, v18  }
0xb8: {  	v19 =	vsub.s32 $0x5F3759DF, v19;
	v20 =	vmul.f32 v18, v17;
	v23 =	vshra.s32 v12, $0x1  }
0xb9: {  	v30 =	vld.idx.msk [tilespmem:v30+s30+$0x0], $0xffff;
	v56 =	vshra.s32 v13, $0x1;
	v57 =	vmul.f32 v19, v11;
	v23 =	vsub.s32 $0x5F3759DF, v23  }
0xba: {  	v32 =	vld.idx.msk [tilespmem:v60+s30+$0x0], $0xffff;
	v24 =	vsub.s32 $0x5F3759DF, v56;
	v58 =	vmul.f32 v23, v12;
	v20 =	vmul.f32 v18, v20  }
0xbb: {  	v39 =	vadd.s32 $0xC0, v28;
	v22 =	vld.idx.msk [tilespmem:v22+s30+$0x0], $0xffff;
	v59 =	vmul.f32 v24, v13;
	v25 =	vmul.f32 v19, v57  }
0xbc: {  	v61 =	vadd.s32 $0x20, v15;
	v26 =	vmul.f32 v23, v58;
	v20 =	vmul.f32 $5.000000000e-01, v20  }
0xbd: {  	v55 =	vadd.s32 $0x20, v21;
	v14 =	vld.idx.msk [tilespmem:v14+s30+$0x0], $0xffff;
	v31 =	vmul.f32 v24, v59;
	v25 =	vmul.f32 $5.000000000e-01, v25  }
0xbe: {  	v16 =	vadd.s32 $0x60, v21;
	v30 =	vmul.f32 v30, v10;
	v26 =	vmul.f32 $5.000000000e-01, v26  }
0xbf: {  	v20 =	vsub.f32 $1.500000000e+00, v20;
	v31 =	vmul.f32 $5.000000000e-01, v31;
	v25 =	vsub.f32 $1.500000000e+00, v25  }
0xc0: {  	v32 =	vmul.f32 v32, v10;
	v22 =	vmul.f32 v22, v10;
	v26 =	vsub.f32 $1.500000000e+00, v26  }
0xc1: {  	v18 =	vmul.f32 v18, v20;
	v20 =	vsub.f32 $1.500000000e+00, v31;
	v19 =	vmul.f32 v19, v25;
	v33 =	vld.idx.msk [tilespmem:v61+s30+$0x0], $0xffff  }
0xc2: {  	v60 =	vadd.s32 $0x80, v27;
	v14 =	vmul.f32 v14, v9;
	v23 =	vmul.f32 v23, v26  }
0xc3: {  	v58 =	vadd.s32 $0x80, v28;
	v31 =	vld.idx.msk [tilespmem:v21+s30+$0x0], $0xffff;
	v52 =	vmul.f32 v18, v17;
	v20 =	vmul.f32 v24, v20  }
0xc4: {  	v56 =	vadd.s32 $0x80, v21;
	v25 =	vld.idx.msk [tilespmem:v28+s30+$0x0], $0xffff;
	v53 =	vmul.f32 v19, v11;
	v54 =	vmul.f32 v23, v12  }
0xc5: {  	v29 =	vld.idx.msk [tilespmem:v55+s30+$0x0], $0xffff;
	v57 =	vadd.s32 $0xA0, v21;
	v40 =	vmul.f32 v52, v18;
	v55 =	vmul.f32 v20, v13  }
0xc6: {  	v35 =	vadd.s32 $0x40, v15;
	v24 =	vld.idx.msk [tilespmem:v15+s30+$0x0], $0xffff;
	v42 =	vmul.f32 v53, v19;
	v33 =	vmul.f32 v33, v9  }
0xc7: {  	v50 =	vld.idx.msk [tilespmem:v27+s30+$0x0], $0xffff;
	v26 =	vadd.s32 $0x20, v34;
	v43 =	vmul.f32 v54, v23;
	v40 =	vmul.f32 $5.000000000e-01, v40  }
0xc8: {  	v36 =	vadd.s32 $0x60, v15;
	v45 =	vmul.f32 v55, v20;
	v42 =	vmul.f32 $5.000000000e-01, v42;
	v55 =	vld.idx.msk [tilespmem:v58+s30+$0x0], $0xffff  }
0xc9: {  	v60 =	vld.idx.msk [tilespmem:v60+s30+$0x0], $0xffff;
	v51 =	vadd.s32 $0x80, v15;
	v31 =	vmul.f32 v31, v9;
	v25 =	vmul.f32 v25, v9  }
0xca: {  	v43 =	vmul.f32 $5.000000000e-01, v43;
	v40 =	vsub.f32 $1.500000000e+00, v40;
	v42 =	vsub.f32 $1.500000000e+00, v42  }
0xcb: {  	v63 =	vld.idx.msk [tilespmem:v63+s30+$0x0], $0xffff;
	v61 =	vadd.s32 $0xA0, v27;
	v24 =	vmul.f32 v24, v9;
	v45 =	vmul.f32 $5.000000000e-01, v45  }
0xcc: {  	v26 =	vld.idx.msk [tilespmem:v26+s30+$0x0], $0xffff;
	v43 =	vsub.f32 $1.500000000e+00, v43;
	v18 =	vmul.f32 v40, v18;
	v19 =	vmul.f32 v42, v19  }
0xcd: {  	v62 =	vld.idx.msk [tilespmem:v62+s30+$0x0], $0xffff;
	v59 =	vsub.f32 $1.500000000e+00, v45;
	v45 =	vmul.f32 v50, v9;
	v50 =	vmul.f32 v55, v8  }
0xce: {  	v16 =	vld.idx.msk [tilespmem:v16+s30+$0x0], $0xffff;
	v53 =	vadd.s32 $0xA0, v15;
	v55 =	vmul.f32 v60, v8;
	v23 =	vmul.f32 v43, v23  }
0xcf: {  	v52 =	vld.idx.msk [tilespmem:v34+s30+$0x0], $0xffff;
	v40 =	vadd.s32 $0xC0, v15;
	v17 =	vmul.f32 v18, v17;
	v18 =	vmul.f32 v59, v20  }
0xd0: {  	v15 =	vadd.s32 $0xE0, v15;
	v20 =	vld.idx.msk [tilespmem:v35+s30+$0x0], $0xffff;
	v11 =	vmul.f32 v19, v11;
	v59 =	vmul.f32 v63, v10  }
0xd1: {  	v19 =	vld.idx.msk [tilespmem:v36+s30+$0x0], $0xffff;
	v36 =	vadd.s32 $0xC0, v21;
	v26 =	vmul.f32 v26, v9;
	v12 =	vmul.f32 v23, v12  }
0xd2: {  	v61 =	vld.idx.msk [tilespmem:v61+s30+$0x0], $0xffff;
	v21 =	vadd.s32 $0xE0, v21;
	v17 =	vmul.f32 $-1.000000000e+01, v17;
	v13 =	vmul.f32 v18, v13  }
0xd3: {  	v28 =	vadd.s32 $0xE0, v28;
	v18 =	vld.idx.msk [tilespmem:v37+s30+$0x0], $0xffff;
	v11 =	vmul.f32 $-1.000000000e+01, v11;
	v37 =	vmul.f32 v62, v10  }
0xd4: {  	v14 =	vadd.f32 v32, v14;
	v54 =	vld.idx.msk [tilespmem:v44+s30+$0x0], $0xffff;
	v12 =	vmul.f32 $-1.000000000e+01, v12;
	v17 =	vmul.f32 $1.442695020e+00, v17  }
0xd5: {  	v44 =	vadd.s32 $0xC0, v34;
	v58 =	vld.idx.msk [tilespmem:v53+s30+$0x0], $0xffff;
	v13 =	vmul.f32 $-1.000000000e+01, v13;
	v11 =	vmul.f32 $1.442695020e+00, v11  }
0xd6: {  	v22 =	vadd.f32 v22, v31;
	v15 =	vld.idx.msk [tilespmem:v15+s30+$0x0], $0xffff;
	v20 =	vmul.f32 v20, v10;
	v19 =	vmul.f32 v19, v10  }
0xd7: {  	v25 =	vadd.f32 v30, v25;
	v21 =	vld.idx.msk [tilespmem:v21+s30+$0x0], $0xffff;
	v12 =	vmul.f32 $1.442695020e+00, v12;
	(erf) = vpow2.f32 v17  }
0xd8: {  	v35 =	vadd.s32 $0x80, v34;
	v17 =	vld.idx.msk [tilespmem:v41+s30+$0x0], $0xffff;
	(erf) = vpow2.f32 v11;
	v11 =	vmul.f32 v29, v9  }
0xd9: {  	v23 =	vadd.s32 $0xA0, v34;
	v18 =	vmul.f32 v18, v9;
	v9 =	vmul.f32 v52, v9;
	v52 =	vld.idx.msk [tilespmem:v39+s30+$0x0], $0xffff  }
0xda: {  	v34 =	vadd.s32 $0xE0, v34;
	v13 =	vmul.f32 $1.442695020e+00, v13;
	(erf) = vpow2.f32 v12;
	v12 =	vld.idx.msk [tilespmem:v56+s30+$0x0], $0xffff  }
0xdb: {  	v29 =	vadd.s32 $0xC0, v27;
	v27 =	vadd.s32 $0xE0, v27;
	v19 =	vadd.f32 v19, v33;
	v56 =	vld.idx.msk [tilespmem:v49+s30+$0x0], $0xffff  }
0xdc: {  	v20 =	vadd.f32 v20, v24;
	(erf) = vpow2.f32 v13;
	v13 =	vmul.f32 v16, v10;
	v16 =	vld.idx.msk [tilespmem:v57+s30+$0x0], $0xffff  }
0xdd: {  	v24 =	vadd.f32 v50, v25;
	v15 =	vmul.f32 v15, v7;
	v57 =	vld.idx.msk [tilespmem:v51+s30+$0x0], $0xffff;
	v18 =	vadd.f32 v59, v18  }
0xde: {  	v35 =	vld.idx.msk [tilespmem:v35+s30+$0x0], $0xffff;
	v51 =	vadd.f32 v37, v45;
	v21 =	vmul.f32 v21, v7;
	v17 =	vmul.f32 v17, v10  }
0xdf: {  	v23 =	vld.idx.msk [tilespmem:v23+s30+$0x0], $0xffff;
	v13 =	vadd.f32 v13, v11;
	v10 =	vmul.f32 v54, v10;
	v59 =	vmul.f32 v52, v7  }
0xe0: {  	v36 =	vld.idx.msk [tilespmem:v36+s30+$0x0], $0xffff;
	v12 =	vmul.f32 v12, v8;
	v53 =	vmul.f32 v56, v8;
	v9 =	vadd.f32 v17, v9  }
0xe1: {  	v17 =	vld.idx.msk [tilespmem:v28+s30+$0x0], $0xffff;
	v10 =	vadd.f32 v10, v26;
	v56 =	vmul.f32 v61, v8;
	v16 =	vmul.f32 v16, v8  }
0xe2: {  	v29 =	vld.idx.msk [tilespmem:v29+s30+$0x0], $0xffff;
	v24 =	vadd.f32 v59, v24;
	v12 =	vadd.f32 v12, v22;
	v22 =	vmul.f32 v57, v8  }
0xe3: {  	v54 =	vld.idx.msk [tilespmem:v40+s30+$0x0], $0xffff;
	v57 =	vmul.f32 v35, v8;
	v14 =	vadd.f32 v53, v14;
	v18 =	vadd.f32 v56, v18  }
0xe4: {  	v13 =	vadd.f32 v16, v13;
	v16 =	vmul.f32 v58, v8;
	v8 =	vmul.f32 v23, v8  }
0xe5: {  	v23 =	vmul.f32 v36, v7;
	v58 =	vld.idx.msk [tilespmem:v44+s30+$0x0], $0xffff;
	v20 =	vadd.f32 v22, v20;
	v9 =	vadd.f32 v57, v9  }
0xe6: {  	v22 =	vld.idx.msk [tilespmem:v27+s30+$0x0], $0xffff;
	v16 =	vadd.f32 v16, v19;
	v19 =	vadd.f32 v55, v51;
	v17 =	vmul.f32 v17, v7  }
0xe7: {  	v8 =	vadd.f32 v8, v10;
	v10 =	vld.idx.msk [tilespmem:v34+s30+$0x0], $0xffff;
	v13 =	vadd.f32 v21, v13;
	v21 =	vmul.f32 v29, v7  }
0xe8: {  	v12 =	vadd.f32 v23, v12;
	v23 =	vmul.f32 v54, v7;
	v14 =	vadd.f32 v17, v14  }
0xe9: {  	v15 =	vadd.f32 v15, v16;
	v16 =	vadd.f32 v21, v19  }
0xea: {  	v17 =	vadd.f32 v23, v20;
	v19 =	vsub.f32 v12, v24;
	v20 =	vmul.f32 v58, v7  }
0xeb: {  	v22 =	vmul.f32 v22, v7;
	v15 =	vsub.f32 v13, v15;
	v16 =	vsub.f32 v12, v16  }
0xec: {  	v7 =	vmul.f32 v10, v7;
	v9 =	vadd.f32 v20, v9;
	v10 =	vsub.f32 v13, v14  }
0xed: {  	v14 =	vsub.f32 v12, v17;
	v17 =	vmul.f32 v19, v5;
	v18 =	vadd.f32 v22, v18  }
0xee: {  	v11 =	vpop (erf);
	v21 =	vmul.f32 v15, v6;
	v20 =	vmul.f32 v10, v6;
	v7 =	vadd.f32 v7, v8  }
0xef: {  	v62 =	vpop (erf);
	v8 =	vmul.f32 v14, v5;
	v9 =	vsub.f32 v12, v9;
	v12 =	vmul.f32 v16, v5  }
0xf0: {  	v63 =	vpop (erf);
	v18 =	vsub.f32 v13, v18;
	v7 =	vsub.f32 v13, v7;
	v13 =	vmul.f32 v17, v19  }
0xf1: {  	s17 =	simm.s32 $0x8;
	s21 =	simm.s32 $0x100;
	v32 =	vadd.f32 v62, v11;
	v49 =	vpop (erf);
	v10 =	vmul.f32 v20, v10;
	v8 =	vmul.f32 v8, v14  }
0xf2: {  	s15 =	sand.u32 $0x100, s21;
	s13 =	sand.u32 $0x70, s17;
	s17 =	simm.s32 $0x0;
	v41 =	vadd.f32 v49, v63;
	v14 =	vmul.f32 v21, v15;
	v22 =	vmul.f32 v18, v6  }
0xf3: {  	s22 =	simm.s32 $0x0;
	s15 =	sor.u32 s15, s17;
	v15 =	vmul.f32 v9, v5;
	v17 =	vmul.f32 v7, v6;
	v10 =	vadd.f32 v10, v13  }
0xf4: {  	s16 =	sor.u32 s13, s22;
	s13 =	sor.u32 s13, s15;
	v12 =	vmul.f32 v12, v16;
	v14 =	vadd.f32 v14, v8;
	v13 =	vmul.f32 v22, v18  }
0xf5: {  	v23 =	vld [tilespmem:s13+$0x1080];
	v8 =	vmul.f32 v15, v9;
	v7 =	vmul.f32 v17, v7;
	v9 =	vshra.s32 v10, $0x1  }
0xf6: {  	v32 =	vadd.f32 v41, v32;
	v12 =	vadd.f32 v13, v12;
	v9 =	vsub.s32 $0x5F3759DF, v9  }
0xf7: {  	v21 =	vld [tilespmem:s13+$0x80];
	v13 =	vshra.s32 v14, $0x1;
	v7 =	vadd.f32 v7, v8;
	v8 =	vmul.f32 v9, v10  }
0xf8: {  	(erf) = vrcp.f32 v32;
	v15 =	vsub.s32 $0x5F3759DF, v13;
	v13 =	vshra.s32 v12, $0x1  }
0xf9: {  	v16 =	vmul.f32 v15, v14;
	v17 =	vsub.s32 $0x5F3759DF, v13;
	v8 =	vmul.f32 v9, v8  }
0xfa: {  	v37 =	vadd.s32 $0xC0, v23;
	v22 =	vld [tilespmem:s13+$0x880];
	v13 =	vshra.s32 v7, $0x1;
	v19 =	vmul.f32 v17, v12  }
0xfb: {  	v25 =	vld [tilespmem:s16+$0x2C80];
	v20 =	vsub.s32 $0x5F3759DF, v13;
	v13 =	vmul.f32 v15, v16;
	v8 =	vmul.f32 $5.000000000e-01, v8  }
0xfc: {  	v26 =	vld [tilespmem:s16+$0x2C00];
	v51 =	vadd.s32 $0xC0, v21;
	v52 =	vadd.s32 $0xE0, v21;
	v16 =	vmul.f32 v20, v7  }
0xfd: {  	v63 =	vld [tilespmem:s16+$0x2800];
	v19 =	vmul.f32 v17, v19;
	v13 =	vmul.f32 $5.000000000e-01, v13;
	v8 =	vsub.f32 $1.500000000e+00, v8  }
0xfe: {  	v27 =	vadd.s32 $0xE0, v23;
	v33 =	vld.idx.msk [tilespmem:v23+s30+$0x0], $0xffff;
	v47 =	vadd.s32 $0x80, v21;
	v60 =	vmul.f32 v20, v16  }
0xff: {  	v18 =	vld [tilespmem:s16+$0x2880];
	v53 =	vadd.s32 $0xC0, v22;
	v19 =	vmul.f32 $5.000000000e-01, v19;
	v61 =	vsub.f32 $1.500000000e+00, v13  }
0x100: {  	v29 =	vld.idx.msk [tilespmem:v21+s30+$0x0], $0xffff;
	v50 =	vadd.s32 $0xA0, v22;
	v24 =	vmul.f32 $5.000000000e-01, v60;
	v9 =	vmul.f32 v9, v8  }
0x101: {  	v28 =	vld.idx.msk [tilespmem:v51+s30+$0x0], $0xffff;
	v51 =	vadd.s32 $0x80, v23;
	v19 =	vsub.f32 $1.500000000e+00, v19;
	v15 =	vmul.f32 v15, v61;
	v8 =	vpop (erf)  }
0x102: {  	v30 =	vld.idx.msk [tilespmem:v52+s30+$0x0], $0xffff;
	v62 =	vmul.f32 v9, v10;
	v8 =	vmul.f32 v8, v11;
	v11 =	vsub.f32 $1.500000000e+00, v24  }
0x103: {  	v52 =	vadd.s32 $0x20, v21;
	v16 =	vld [tilespmem:s13+$0x1880];
	v17 =	vmul.f32 v17, v19;
	v19 =	vmul.f32 v15, v14  }
0x104: {  	v55 =	vadd.s32 $0xE0, v22;
	v39 =	vld.idx.msk [tilespmem:v47+s30+$0x0], $0xffff;
	v11 =	vmul.f32 v20, v11;
	v20 =	vmul.f32 v62, v9  }
0x105: {  	v13 =	vld [tilespmem:s13+$0x2080];
	v60 =	vadd.s32 $0x40, v22;
	v54 =	vmul.f32 v17, v12;
	v19 =	vmul.f32 v19, v15  }
0x106: {  	v49 =	vadd.s32 $0x80, v22;
	v31 =	vld.idx.msk [tilespmem:v50+s30+$0x0], $0xffff;
	v56 =	vmul.f32 v11, v7;
	v20 =	vmul.f32 $5.000000000e-01, v20  }
0x107: {  	v34 =	vld.idx.msk [tilespmem:v51+s30+$0x0], $0xffff;
	v61 =	vadd.s32 $0x20, v23;
	v32 =	vmul.f32 v54, v17;
	v19 =	vmul.f32 $5.000000000e-01, v19  }
0x108: {  	v59 =	vadd.s32 $0x20, v22;
	v42 =	vld.idx.msk [tilespmem:v52+s30+$0x0], $0xffff;
	v35 =	vmul.f32 v56, v11;
	v20 =	vsub.f32 $1.500000000e+00, v20  }
0x109: {  	v24 =	vld.idx.msk [tilespmem:v22+s30+$0x0], $0xffff;
	v22 =	vadd.s32 $0x60, v22;
	v32 =	vmul.f32 $5.000000000e-01, v32;
	v19 =	vsub.f32 $1.500000000e+00, v19  }
0x10a: {  	v48 =	vadd.s32 $0xA0, v21;
	v40 =	vld.idx.msk [tilespmem:v60+s30+$0x0], $0xffff;
	v35 =	vmul.f32 $5.000000000e-01, v35;
	v9 =	vmul.f32 v20, v9  }
0x10b: {  	v45 =	vadd.s32 $0xC0, v16;
	v57 =	vld.idx.msk [tilespmem:v16+s30+$0x0], $0xffff;
	v32 =	vsub.f32 $1.500000000e+00, v32;
	v15 =	vmul.f32 v19, v15  }
0x10c: {  	v62 =	vadd.s32 $0x60, v23;
	v44 =	vld.idx.msk [tilespmem:v61+s30+$0x0], $0xffff;
	v35 =	vsub.f32 $1.500000000e+00, v35;
	v9 =	vmul.f32 v9, v10  }
0x10d: {  	v60 =	vadd.s32 $0x80, v16;
	v58 =	vld.idx.msk [tilespmem:v13+s30+$0x0], $0xffff;
	v10 =	vmul.f32 v32, v17;
	v14 =	vmul.f32 v15, v14  }
0x10e: {  	v22 =	vld.idx.msk [tilespmem:v22+s30+$0x0], $0xffff;
	v15 =	vadd.s32 $0x40, v21;
	v11 =	vmul.f32 v35, v11;
	v9 =	vmul.f32 $-1.000000000e+01, v9  }
0x10f: {  	v56 =	vadd.s32 $0x60, v16;
	v20 =	vld.idx.msk [tilespmem:v53+s30+$0x0], $0xffff;
	v12 =	vmul.f32 v10, v12;
	v14 =	vmul.f32 $-1.000000000e+01, v14  }
0x110: {  	v54 =	vadd.s32 $0x20, v16;
	v19 =	vld.idx.msk [tilespmem:v55+s30+$0x0], $0xffff;
	v11 =	vmul.f32 v11, v7;
	v10 =	vmul.f32 $1.442695020e+00, v9  }
0x111: {  	v53 =	vld.idx.msk [tilespmem:v49+s30+$0x0], $0xffff;
	v55 =	vadd.s32 $0x40, v16;
	v41 =	vmul.f32 $-1.000000000e+01, v12;
	v7 =	vmul.f32 $1.442695020e+00, v14  }
0x112: {  	v17 =	vld.idx.msk [tilespmem:v48+s30+$0x0], $0xffff;
	v21 =	vadd.s32 $0x60, v21;
	v9 =	vmul.f32 v18, v25;
	v14 =	vmul.f32 v63, v26  }
0x113: {  	v61 =	vadd.s32 $0xA0, v16;
	v12 =	vmul.f32 v18, v26;
	v43 =	vld.idx.msk [tilespmem:v15+s30+$0x0], $0xffff;
	v15 =	vmul.f32 v63, v25  }
0x114: {  	v16 =	vadd.s32 $0xE0, v16;
	v47 =	vld.idx.msk [tilespmem:v56+s30+$0x0], $0xffff;
	v11 =	vmul.f32 $-1.000000000e+01, v11;
	v29 =	vmul.f32 v29, v14  }
0x115: {  	v35 =	vld.idx.msk [tilespmem:v54+s30+$0x0], $0xffff;
	v54 =	vadd.s32 $0xA0, v13;
	v24 =	vmul.f32 v24, v14;
	v33 =	vmul.f32 v33, v14  }
0x116: {  	v46 =	vld.idx.msk [tilespmem:v55+s30+$0x0], $0xffff;
	v55 =	vadd.s32 $0xC0, v13;
	v36 =	vmul.f32 v57, v14;
	v38 =	vmul.f32 v58, v14  }
0x117: {  	v18 =	vld.idx.msk [tilespmem:v21+s30+$0x0], $0xffff;
	v21 =	vadd.s32 $0x40, v23;
	v28 =	vmul.f32 v28, v9;
	v30 =	vmul.f32 v30, v9  }
0x118: {  	v63 =	vld.idx.msk [tilespmem:v59+s30+$0x0], $0xffff;
	v59 =	vadd.s32 $0x60, v13;
	v20 =	vmul.f32 v20, v9;
	v19 =	vmul.f32 v19, v9  }
0x119: {  	v51 =	vld.idx.msk [tilespmem:v60+s30+$0x0], $0xffff;
	v23 =	vadd.s32 $0xA0, v23;
	v39 =	vmul.f32 v39, v12;
	v17 =	vmul.f32 v17, v12  }
0x11a: {  	v25 =	vld.idx.msk [tilespmem:v62+s30+$0x0], $0xffff;
	v62 =	vadd.s32 $0x80, v13;
	v32 =	vmul.f32 v53, v12;
	v31 =	vmul.f32 v31, v12  }
0x11b: {  	v52 =	vld.idx.msk [tilespmem:v61+s30+$0x0], $0xffff;
	v57 =	vadd.s32 $0x40, v13;
	v34 =	vmul.f32 v34, v12;
	v42 =	vmul.f32 v42, v14  }
0x11c: {  	v60 =	vld.idx.msk [tilespmem:v16+s30+$0x0], $0xffff;
	v58 =	vadd.s32 $0x20, v13;
	v44 =	vmul.f32 v44, v14;
	v40 =	vmul.f32 v40, v15  }
0x11d: {  	v13 =	vadd.s32 $0xE0, v13;
	v35 =	vmul.f32 v35, v14;
	v47 =	vmul.f32 v47, v15;
	v21 =	vld.idx.msk [tilespmem:v21+s30+$0x0], $0xffff  }
0x11e: {  	v22 =	vmul.f32 v22, v15;
	v46 =	vmul.f32 v46, v15;
	v24 =	vadd.f32 v40, v24;
	v50 =	vld.idx.msk [tilespmem:v59+s30+$0x0], $0xffff  }
0x11f: {  	v35 =	vadd.f32 v47, v35;
	v43 =	vmul.f32 v43, v15;
	v18 =	vmul.f32 v18, v15;
	v23 =	vld.idx.msk [tilespmem:v23+s30+$0x0], $0xffff  }
0x120: {  	v26 =	vmul.f32 v63, v14;
	v25 =	vmul.f32 v25, v15;
	v36 =	vadd.f32 v46, v36;
	v59 =	vld.idx.msk [tilespmem:v45+s30+$0x0], $0xffff  }
0x121: {  	v49 =	vld.idx.msk [tilespmem:v58+s30+$0x0], $0xffff;
	v58 =	vmul.f32 v51, v12;
	v24 =	vadd.f32 v32, v24;
	v29 =	vadd.f32 v43, v29  }
0x122: {  	v11 =	vmul.f32 $1.442695020e+00, v11;
	v48 =	vld.idx.msk [tilespmem:v57+s30+$0x0], $0xffff;
	v18 =	vadd.f32 v18, v42;
	v22 =	vadd.f32 v22, v26  }
0x123: {  	v25 =	vadd.f32 v25, v44;
	v43 =	vmul.f32 v60, v9;
	v36 =	vadd.f32 v58, v36  }
0x124: {  	v56 =	vld.idx.msk [tilespmem:v54+s30+$0x0], $0xffff;
	v20 =	vadd.f32 v20, v24;
	v17 =	vadd.f32 v17, v18;
	v18 =	vmul.f32 v52, v12  }
0x125: {  	v61 =	vld.idx.msk [tilespmem:v55+s30+$0x0], $0xffff;
	v29 =	vadd.f32 v39, v29;
	v21 =	vmul.f32 v21, v15;
	v57 =	vmul.f32 v50, v15  }
0x126: {  	v37 =	vld.idx.msk [tilespmem:v37+s30+$0x0], $0xffff;
	v22 =	vadd.f32 v31, v22;
	v23 =	vmul.f32 v23, v12;
	v42 =	vmul.f32 v59, v9  }
0x127: {  	v27 =	vld.idx.msk [tilespmem:v27+s30+$0x0], $0xffff;
	v63 =	vmul.f32 v48, v15;
	v18 =	vadd.f32 v18, v35;
	v28 =	vadd.f32 v28, v29  }
0x128: {  	v39 =	vld [tilespmem:s13+$0x2000];
	v53 =	vmul.f32 v49, v14;
	v17 =	vadd.f32 v30, v17;
	v19 =	vadd.f32 v19, v22  }
0x129: {  	v48 =	vld.idx.msk [tilespmem:v62+s30+$0x0], $0xffff;
	v62 =	vmul.f32 v56, v12;
	v21 =	vadd.f32 v21, v33;
	v23 =	vadd.f32 v23, v25  }
0x12a: {  	v22 =	vmul.f32 v61, v9;
	v44 =	vadd.f32 v42, v36;
	v38 =	vadd.f32 v63, v38  }
0x12b: {  	v26 =	vadd.f32 v57, v53;
	v63 =	vmul.f32 v37, v9;
	v18 =	vadd.f32 v43, v18  }
0x12c: {  	v37 =	vld.idx.msk [tilespmem:v13+s30+$0x0], $0xffff;
	v13 =	vmul.f32 v27, v9;
	v20 =	vsub.f32 v28, v20;
	v19 =	vsub.f32 v17, v19  }
0x12d: {  	v21 =	vadd.f32 v34, v21;
	v24 =	vsub.f32 v28, v44;
	v43 =	vadd.s32 $0x40, v39  }
0x12e: {  	v25 =	vadd.f32 v62, v26;
	v23 =	vadd.f32 v13, v23;
	v13 =	vmul.f32 $1.442695020e+00, v41  }
0x12f: {  	v18 =	vsub.f32 v17, v18;
	v46 =	vmul.f32 v20, v5;
	v47 =	vmul.f32 v19, v6  }
0x130: {  	v26 =	vld [tilespmem:s13+$0x800];
	v16 =	vmul.f32 v48, v12;
	v21 =	vadd.f32 v63, v21;
	v50 =	vmul.f32 v24, v5  }
0x131: {  	v23 =	vsub.f32 v17, v23;
	v20 =	vmul.f32 v46, v20;
	v19 =	vmul.f32 v47, v19  }
0x132: {  	v51 =	vmul.f32 v18, v6;
	v40 =	vadd.f32 v16, v38;
	v45 =	vmul.f32 v37, v9  }
0x133: {  	v16 =	vld [tilespmem:s13+$0x0];
	v21 =	vsub.f32 v28, v21;
	v49 =	vmul.f32 v23, v6;
	v19 =	vadd.f32 v19, v20  }
0x134: {  	v20 =	vmul.f32 v50, v24;
	v18 =	vmul.f32 v51, v18;
	v22 =	vadd.f32 v22, v40  }
0x135: {  	v24 =	vld [tilespmem:s13+$0x1000];
	v25 =	vadd.f32 v45, v25;
	v48 =	vmul.f32 v21, v5;
	v58 =	vadd.s32 $0x40, v26  }
0x136: {  	v60 =	vadd.s32 $0x60, v26;
	v23 =	vmul.f32 v49, v23;
	v18 =	vadd.f32 v18, v20  }
0x137: {  	v22 =	vsub.f32 v28, v22;
	v17 =	vsub.f32 v17, v25;
	v21 =	vmul.f32 v48, v21  }
0x138: {  	v34 =	vld [tilespmem:s13+$0x1800];
	v28 =	vadd.s32 $0x20, v26;
	v27 =	vadd.s32 $0x20, v16;
	v29 =	vadd.s32 $0x40, v16  }
0x139: {  	v54 =	vshra.s32 v18, $0x1;
	v52 =	vmul.f32 v22, v5;
	v53 =	vmul.f32 v17, v6  }
0x13a: {  	v21 =	vadd.f32 v23, v21;
	v23 =	vshra.s32 v19, $0x1;
	v30 =	vsub.s32 $0x5F3759DF, v54  }
0x13b: {  	v25 =	vadd.s32 $0x60, v16;
	v20 =	vsub.s32 $0x5F3759DF, v23;
	v57 =	vmul.f32 v30, v18;
	v35 =	vld.idx.msk [tilespmem:v58+s30+$0x0], $0xffff  }
0x13c: {  	v58 =	vld.idx.msk [tilespmem:v60+s30+$0x0], $0xffff;
	v22 =	vmul.f32 v52, v22;
	v17 =	vmul.f32 v53, v17;
	v23 =	vshra.s32 v21, $0x1  }
0x13d: {  	v47 =	vadd.s32 $0x20, v39;
	v42 =	vadd.s32 $0x40, v34;
	v23 =	vsub.s32 $0x5F3759DF, v23;
	v46 =	vld.idx.msk [tilespmem:v24+s30+$0x0], $0xffff  }
0x13e: {  	v33 =	vmul.f32 v30, v57;
	v28 =	vld.idx.msk [tilespmem:v28+s30+$0x0], $0xffff;
	v17 =	vadd.f32 v17, v22;
	v22 =	vmul.f32 v20, v19  }
0x13f: {  	v40 =	vadd.s32 $0x40, v24;
	v60 =	vadd.s32 $0x80, v34;
	v55 =	vmul.f32 v23, v21;
	v27 =	vld.idx.msk [tilespmem:v27+s30+$0x0], $0xffff  }
0x140: {  	v29 =	vld.idx.msk [tilespmem:v29+s30+$0x0], $0xffff;
	v33 =	vmul.f32 $5.000000000e-01, v33;
	v56 =	vshra.s32 v17, $0x1;
	v22 =	vmul.f32 v20, v22  }
0x141: {  	v25 =	vld.idx.msk [tilespmem:v25+s30+$0x0], $0xffff;
	v31 =	vmul.f32 v23, v55;
	v35 =	vmul.f32 v35, v15;
	v32 =	vsub.s32 $0x5F3759DF, v56  }
0x142: {  	v33 =	vsub.f32 $1.500000000e+00, v33;
	v59 =	vmul.f32 v32, v17;
	v22 =	vmul.f32 $5.000000000e-01, v22  }
0x143: {  	v63 =	vadd.s32 $0x60, v34;
	v31 =	vmul.f32 $5.000000000e-01, v31;
	v28 =	vmul.f32 v28, v14  }
0x144: {  	v45 =	vadd.s32 $0xC0, v26;
	v38 =	vld.idx.msk [tilespmem:v60+s30+$0x0], $0xffff;
	v60 =	vmul.f32 v46, v14;
	v30 =	vmul.f32 v30, v33  }
0x145: {  	v49 =	vadd.s32 $0x60, v39;
	v40 =	vld.idx.msk [tilespmem:v40+s30+$0x0], $0xffff;
	v29 =	vmul.f32 v29, v15;
	v27 =	vmul.f32 v27, v14  }
0x146: {  	v51 =	vadd.s32 $0x80, v16;
	v25 =	vmul.f32 v25, v15;
	v36 =	vmul.f32 v32, v59  }
0x147: {  	v44 =	vld.idx.msk [tilespmem:v26+s30+$0x0], $0xffff;
	v22 =	vsub.f32 $1.500000000e+00, v22;
	v31 =	vsub.f32 $1.500000000e+00, v31;
	v59 =	vadd.s32 $0xA0, v24  }
0x148: {  	v61 =	vadd.s32 $0x20, v24;
	v56 =	vmul.f32 v30, v18;
	v36 =	vmul.f32 $5.000000000e-01, v36  }
0x149: {  	v41 =	vadd.s32 $0x60, v24;
	v20 =	vmul.f32 v20, v22;
	v23 =	vmul.f32 v23, v31;
	v31 =	vld.idx.msk [tilespmem:v16+s30+$0x0], $0xffff  }
0x14a: {  	v40 =	vmul.f32 v40, v15;
	v22 =	vadd.s32 $0x20, v34;
	v48 =	vmul.f32 v56, v30  }
0x14b: {  	v36 =	vsub.f32 $1.500000000e+00, v36;
	v62 =	vmul.f32 v20, v19;
	v54 =	vmul.f32 v23, v21  }
0x14c: {  	v52 =	vadd.s32 $0xA0, v16;
	v48 =	vmul.f32 $5.000000000e-01, v48;
	v37 =	vld.idx.msk [tilespmem:v59+s30+$0x0], $0xffff;
	v59 =	vmul.f32 v44, v14  }
0x14d: {  	v63 =	vld.idx.msk [tilespmem:v63+s30+$0x0], $0xffff;
	v53 =	vadd.s32 $0x80, v26;
	v32 =	vmul.f32 v32, v36;
	v55 =	vmul.f32 v62, v20  }
0x14e: {  	v33 =	vmul.f32 v54, v23;
	v48 =	vsub.f32 $1.500000000e+00, v48;
	v31 =	vmul.f32 v31, v14  }
0x14f: {  	v47 =	vld.idx.msk [tilespmem:v47+s30+$0x0], $0xffff;
	v25 =	vadd.f32 v25, v27;
	v57 =	vmul.f32 v32, v17;
	v36 =	vmul.f32 $5.000000000e-01, v55  }
0x150: {  	v22 =	vld.idx.msk [tilespmem:v22+s30+$0x0], $0xffff;
	v33 =	vmul.f32 $5.000000000e-01, v33;
	v30 =	vmul.f32 v48, v30;
	v48 =	vadd.f32 v40, v60  }
0x151: {  	v60 =	vmul.f32 v38, v12;
	v50 =	vmul.f32 v57, v32;
	v36 =	vsub.f32 $1.500000000e+00, v36  }
0x152: {  	v33 =	vsub.f32 $1.500000000e+00, v33;
	v57 =	vmul.f32 v63, v15;
	v18 =	vmul.f32 v30, v18  }
0x153: {  	v30 =	vadd.s32 $0xC0, v16;
	v50 =	vmul.f32 $5.000000000e-01, v50;
	v20 =	vmul.f32 v36, v20  }
0x154: {  	v41 =	vld.idx.msk [tilespmem:v41+s30+$0x0], $0xffff;
	v16 =	vadd.s32 $0xE0, v16;
	v23 =	vmul.f32 v33, v23;
	v33 =	vmul.f32 v58, v15  }
0x155: {  	v54 =	vld.idx.msk [tilespmem:v34+s30+$0x0], $0xffff;
	v22 =	vmul.f32 v22, v14;
	v58 =	vmul.f32 v47, v14;
	v50 =	vsub.f32 $1.500000000e+00, v50  }
0x156: {  	v62 =	vld.idx.msk [tilespmem:v42+s30+$0x0], $0xffff;
	v19 =	vmul.f32 v20, v19;
	v21 =	vmul.f32 v23, v21;
	v23 =	vadd.s32 $0x80, v39  }
0x157: {  	v36 =	vld.idx.msk [tilespmem:v39+s30+$0x0], $0xffff;
	v18 =	vmul.f32 $-1.000000000e+01, v18;
	v28 =	vadd.f32 v33, v28;
	v32 =	vmul.f32 v50, v32  }
0x158: {  	v20 =	vld.idx.msk [tilespmem:v61+s30+$0x0], $0xffff;
	v33 =	vadd.f32 v35, v59;
	v59 =	vmul.f32 v37, v12;
	v19 =	vmul.f32 $-1.000000000e+01, v19  }
0x159: {  	v56 =	vadd.s32 $0x80, v24;
	v21 =	vmul.f32 $-1.000000000e+01, v21;
	v30 =	vld.idx.msk [tilespmem:v30+s30+$0x0], $0xffff;
	v17 =	vmul.f32 v32, v17  }
0x15a: {  	v55 =	vadd.s32 $0xA0, v26;
	v18 =	vmul.f32 $1.442695020e+00, v18;
	v16 =	vld.idx.msk [tilespmem:v16+s30+$0x0], $0xffff;
	v19 =	vmul.f32 $1.442695020e+00, v19  }
0x15b: {  	v26 =	vadd.s32 $0xE0, v26;
	v21 =	vmul.f32 $1.442695020e+00, v21;
	v23 =	vld.idx.msk [tilespmem:v23+s30+$0x0], $0xffff;
	v17 =	vmul.f32 $-1.000000000e+01, v17  }
0x15c: {  	v29 =	vadd.f32 v29, v31;
	v32 =	vmul.f32 v62, v15;
	(erf) = vpow2.f32 v19;
	v19 =	vld.idx.msk [tilespmem:v43+s30+$0x0], $0xffff  }
0x15d: {  	v61 =	vadd.s32 $0xA0, v34;
	(erf) = vpow2.f32 v21;
	v21 =	vld.idx.msk [tilespmem:v49+s30+$0x0], $0xffff;
	v17 =	vmul.f32 $1.442695020e+00, v17  }
0x15e: {  	v22 =	vadd.f32 v57, v22;
	v62 =	vmul.f32 v54, v14;
	(erf) = vpow2.f32 v18;
	v18 =	vld.idx.msk [tilespmem:v51+s30+$0x0], $0xffff  }
0x15f: {  	v50 =	vadd.s32 $0xA0, v39;
	v20 =	vmul.f32 v20, v14;
	v51 =	vld.idx.msk [tilespmem:v53+s30+$0x0], $0xffff;
	(erf) = vpow2.f32 v17  }
0x160: {  	v14 =	vmul.f32 v36, v14;
	v43 =	vadd.s32 $0xC0, v24;
	v24 =	vadd.s32 $0xE0, v24;
	v53 =	vld.idx.msk [tilespmem:v55+s30+$0x0], $0xffff  }
0x161: {  	v32 =	vadd.f32 v32, v62;
	v49 =	vadd.s32 $0xC0, v34;
	v30 =	vmul.f32 v30, v9;
	v55 =	vld.idx.msk [tilespmem:v56+s30+$0x0], $0xffff  }
0x162: {  	v34 =	vadd.s32 $0xE0, v34;
	v16 =	vmul.f32 v16, v9;
	v56 =	vmul.f32 v41, v15;
	v41 =	vld.idx.msk [tilespmem:v61+s30+$0x0], $0xffff  }
0x163: {  	v42 =	vadd.f32 v60, v32;
	v17 =	vld.idx.msk [tilespmem:v52+s30+$0x0], $0xffff;
	v52 =	vadd.s32 $0xC0, v39;
	v19 =	vmul.f32 v19, v15  }
0x164: {  	v39 =	vadd.s32 $0xE0, v39;
	v20 =	vadd.f32 v56, v20;
	v23 =	vmul.f32 v23, v12  }
0x165: {  	v15 =	vmul.f32 v21, v15;
	v18 =	vmul.f32 v18, v12;
	v14 =	vadd.f32 v19, v14;
	v19 =	vld.idx.msk [tilespmem:v26+s30+$0x0], $0xffff;
	v27 =	vpop (erf)  }
0x166: {  	v31 =	vld.idx.msk [tilespmem:v50+s30+$0x0], $0xffff;
	v20 =	vadd.f32 v59, v20;
	v54 =	vmul.f32 v51, v12;
	v56 =	vmul.f32 v53, v12;
	v21 =	vpop (erf)  }
0x167: {  	v50 =	vld.idx.msk [tilespmem:v45+s30+$0x0], $0xffff;
	v62 =	vmul.f32 v41, v12;
	v15 =	vadd.f32 v15, v58;
	v18 =	vadd.f32 v18, v29;
	v61 =	vpop (erf)  }
0x168: {  	v57 =	vld.idx.msk [tilespmem:v43+s30+$0x0], $0xffff;
	v17 =	vmul.f32 v17, v12;
	v33 =	vadd.f32 v54, v33;
	v26 =	vadd.f32 v56, v28;
	v63 =	vpop (erf)  }
0x169: {  	v58 =	vmul.f32 v55, v12;
	v41 =	vld.idx.msk [tilespmem:v52+s30+$0x0], $0xffff;
	v21 =	vadd.f32 v21, v27;
	v36 =	vadd.f32 v63, v61  }
0x16a: {  	v43 =	vld.idx.msk [tilespmem:v39+s30+$0x0], $0xffff;
	v22 =	vadd.f32 v62, v22;
	v17 =	vadd.f32 v17, v25;
	v19 =	vmul.f32 v19, v9  }
0x16b: {  	v12 =	vmul.f32 v31, v12;
	v14 =	vadd.f32 v23, v14;
	v61 =	vld.idx.msk [tilespmem:v49+s30+$0x0], $0xffff;
	v21 =	vadd.f32 v36, v21  }
0x16c: {  	v23 =	vmul.f32 v50, v9;
	v16 =	vadd.f32 v16, v17;
	v63 =	vld.idx.msk [tilespmem:v34+s30+$0x0], $0xffff;
	v19 =	vadd.f32 v19, v26  }
0x16d: {  	v12 =	vadd.f32 v12, v15;
	v15 =	vadd.f32 v30, v18;
	(erf) = vrcp.f32 v21;
	v21 =	vld.idx.msk [tilespmem:v24+s30+$0x0], $0xffff  }
0x16e: {  	v18 =	vmul.f32 v57, v9;
	v36 =	vadd.f32 v58, v48;
	v19 =	vsub.f32 v16, v19  }
0x16f: {  	v23 =	vadd.f32 v23, v33;
	v44 =	vmul.f32 v41, v9;
	v25 =	vmul.f32 v43, v9  }
0x170: {  	v18 =	vadd.f32 v18, v36;
	v45 =	vmul.f32 v19, v6;
	v17 =	vmul.f32 v61, v9  }
0x171: {  	v14 =	vadd.f32 v44, v14;
	v28 =	vmul.f32 v63, v9;
	(erf) = vpow2.f32 v10  }
0x172: {  	s4 =	simm.s32 $0x200;
	v18 =	vsub.f32 v15, v18;
	v17 =	vadd.f32 v17, v42;
	v21 =	vmul.f32 v21, v9  }
0x173: {  	s21 =	simm.s32 $0x0;
	s31 =	simm.s32 $0x10;
	s16 =	sand.u32 $0x100, s4;
	v12 =	vadd.f32 v25, v12;
	v19 =	vmul.f32 v45, v19;
	(erf) = vpow2.f32 v7  }
0x174: {  	s5 =	simm.s32 $0x0;
	s15 =	sand.u32 $0x70, s31;
	s16 =	sor.u32 s16, s21;
	v46 =	vmul.f32 v18, v5;
	v17 =	vsub.f32 v15, v17;
	v20 =	vadd.f32 v21, v20  }
0x175: {  	s17 =	sor.u32 s15, s5;
	s15 =	sor.u32 s15, s16;
	(erf) = vpow2.f32 v13;
	v21 =	vadd.f32 v28, v22;
	v22 =	vsub.f32 v15, v23  }
0x176: {  	v25 =	vld [tilespmem:s15+$0x880];
	v14 =	vsub.f32 v15, v14;
	v18 =	vmul.f32 v46, v18;
	v15 =	vmul.f32 v17, v5  }
0x177: {  	v28 =	vld [tilespmem:s15+$0x1080];
	v9 =	vpop (erf);
	v23 =	vmul.f32 v22, v5;
	v20 =	vsub.f32 v16, v20;
	v21 =	vsub.f32 v16, v21  }
0x178: {  	v15 =	vmul.f32 v15, v17;
	v9 =	vmul.f32 v9, v27  }
0x179: {  	v12 =	vsub.f32 v16, v12;
	v47 =	vmul.f32 v20, v6;
	v48 =	vmul.f32 v21, v6  }
0x17a: {  	v16 =	vmul.f32 v23, v22;
	v22 =	vmul.f32 v14, v5  }
0x17b: {  	v58 =	vadd.s32 $0xA0, v25;
	v23 =	vmul.f32 v12, v6;
	v20 =	vmul.f32 v47, v20  }
0x17c: {  	v60 =	vadd.s32 $0x80, v28;
	v16 =	vadd.f32 v19, v16;
	v17 =	vmul.f32 v48, v21  }
0x17d: {  	v14 =	vmul.f32 v22, v14;
	v12 =	vmul.f32 v23, v12;
	v18 =	vadd.f32 v20, v18  }
0x17e: {  	v7 =	vld [tilespmem:s15+$0x2080];
	v48 =	vadd.s32 $0xE0, v25;
	v19 =	vshra.s32 v16, $0x1;
	v15 =	vadd.f32 v17, v15  }
0x17f: {  	v23 =	vld [tilespmem:s15+$0x80];
	v12 =	vadd.f32 v12, v14;
	v17 =	vsub.s32 $0x5F3759DF, v19;
	v19 =	vshra.s32 v18, $0x1  }
0x180: {  	v32 =	vld.idx.msk [tilespmem:v25+s30+$0x0], $0xffff;
	v14 =	vmul.f32 v17, v16;
	v10 =	vshra.s32 v15, $0x1;
	v19 =	vsub.s32 $0x5F3759DF, v19  }
0x181: {  	v63 =	vld.idx.msk [tilespmem:v58+s30+$0x0], $0xffff;
	v22 =	vshra.s32 v12, $0x1;
	v10 =	vsub.s32 $0x5F3759DF, v10;
	v20 =	vmul.f32 v19, v18  }
0x182: {  	v21 =	vld [tilespmem:s17+$0x2880];
	v22 =	vsub.s32 $0x5F3759DF, v22;
	v14 =	vmul.f32 v17, v14;
	v49 =	vmul.f32 v10, v15  }
0x183: {  	v33 =	vld.idx.msk [tilespmem:v28+s30+$0x0], $0xffff;
	v50 =	vmul.f32 v22, v12;
	v20 =	vmul.f32 v19, v20  }
0x184: {  	v57 =	vadd.s32 $0x80, v25;
	v35 =	vld.idx.msk [tilespmem:v60+s30+$0x0], $0xffff;
	v51 =	vmul.f32 $5.000000000e-01, v14;
	v24 =	vmul.f32 v10, v49  }
0x185: {  	v55 =	vadd.s32 $0x80, v23;
	v59 =	vld.idx.msk [tilespmem:v48+s30+$0x0], $0xffff;
	v26 =	vmul.f32 v22, v50;
	v20 =	vmul.f32 $5.000000000e-01, v20  }
0x186: {  	v56 =	vadd.s32 $0xA0, v23;
	v14 =	vld [tilespmem:s15+$0x1880];
	v27 =	vsub.f32 $1.500000000e+00, v51;
	v13 =	vmul.f32 $5.000000000e-01, v24  }
0x187: {  	(erf) = vpow2.f32 v11;
	v54 =	vld.idx.msk [tilespmem:v23+s30+$0x0], $0xffff;
	v26 =	vmul.f32 $5.000000000e-01, v26;
	v20 =	vsub.f32 $1.500000000e+00, v20  }
0x188: {  	v52 =	vadd.s32 $0xC0, v23;
	v24 =	vld [tilespmem:s17+$0x2C00];
	v17 =	vmul.f32 v17, v27;
	v11 =	vsub.f32 $1.500000000e+00, v13  }
0x189: {  	v58 =	vadd.s32 $0x20, v7;
	v51 =	vld.idx.msk [tilespmem:v7+s30+$0x0], $0xffff;
	v13 =	vmul.f32 v19, v20;
	v20 =	vsub.f32 $1.500000000e+00, v26  }
0x18a: {  	v38 =	vadd.s32 $0xC0, v28;
	v40 =	vld.idx.msk [tilespmem:v55+s30+$0x0], $0xffff;
	v53 =	vmul.f32 v17, v16;
	v10 =	vmul.f32 v10, v11  }
0x18b: {  	v41 =	vld.idx.msk [tilespmem:v56+s30+$0x0], $0xffff;
	v11 =	vadd.s32 $0xE0, v23;
	v46 =	vmul.f32 v13, v18;
	v20 =	vmul.f32 v22, v20  }
0x18c: {  	v27 =	vld [tilespmem:s17+$0x2C80];
	v55 =	vadd.s32 $0x40, v14;
	v29 =	vmul.f32 v53, v17;
	v47 =	vmul.f32 v10, v15  }
0x18d: {  	v26 =	vld.idx.msk [tilespmem:v52+s30+$0x0], $0xffff;
	v52 =	vadd.s32 $0x40, v25;
	v31 =	vmul.f32 v46, v13;
	v50 =	vmul.f32 v20, v12  }
0x18e: {  	v56 =	vadd.s32 $0x60, v14;
	v19 =	vld [tilespmem:s17+$0x2800];
	v29 =	vmul.f32 $5.000000000e-01, v29;
	v34 =	vmul.f32 v47, v10  }
0x18f: {  	v62 =	vadd.s32 $0x20, v23;
	v49 =	vld.idx.msk [tilespmem:v14+s30+$0x0], $0xffff;
	v31 =	vmul.f32 $5.000000000e-01, v31;
	v37 =	vmul.f32 v50, v20  }
0x190: {  	v22 =	vadd.s32 $0xC0, v25;
	v42 =	vld.idx.msk [tilespmem:v11+s30+$0x0], $0xffff;
	v29 =	vsub.f32 $1.500000000e+00, v29;
	v11 =	vmul.f32 $5.000000000e-01, v34  }
0x191: {  	v53 =	vadd.s32 $0x20, v28;
	v47 =	vld.idx.msk [tilespmem:v55+s30+$0x0], $0xffff;
	v31 =	vsub.f32 $1.500000000e+00, v31;
	v37 =	vmul.f32 $5.000000000e-01, v37  }
0x192: {  	v44 =	vld.idx.msk [tilespmem:v52+s30+$0x0], $0xffff;
	v52 =	vadd.s32 $0x80, v14;
	v17 =	vmul.f32 v29, v17;
	v11 =	vsub.f32 $1.500000000e+00, v11  }
0x193: {  	v60 =	vadd.s32 $0xA0, v14;
	v48 =	vld.idx.msk [tilespmem:v56+s30+$0x0], $0xffff;
	v13 =	vmul.f32 v31, v13;
	v61 =	vsub.f32 $1.500000000e+00, v37  }
0x194: {  	v46 =	vadd.s32 $0xC0, v14;
	v50 =	vld.idx.msk [tilespmem:v58+s30+$0x0], $0xffff;
	v16 =	vmul.f32 v17, v16;
	v10 =	vmul.f32 v11, v10  }
0x195: {  	v22 =	vld.idx.msk [tilespmem:v22+s30+$0x0], $0xffff;
	v17 =	vadd.s32 $0x40, v23;
	v11 =	vmul.f32 v13, v18;
	v13 =	vmul.f32 v61, v20  }
0x196: {  	v37 =	vld.idx.msk [tilespmem:v53+s30+$0x0], $0xffff;
	v18 =	vadd.s32 $0x60, v23;
	v16 =	vmul.f32 $-1.000000000e+01, v16;
	v15 =	vmul.f32 v10, v15  }
0x197: {  	v52 =	vld.idx.msk [tilespmem:v52+s30+$0x0], $0xffff;
	v23 =	vadd.s32 $0x20, v25;
	v34 =	vmul.f32 $-1.000000000e+01, v11;
	v43 =	vmul.f32 v13, v12  }
0x198: {  	v53 =	vld.idx.msk [tilespmem:v60+s30+$0x0], $0xffff;
	v25 =	vadd.s32 $0x60, v25;
	v10 =	vmul.f32 $1.442695020e+00, v16;
	v45 =	vmul.f32 $-1.000000000e+01, v15  }
0x199: {  	v20 =	vld.idx.msk [tilespmem:v57+s30+$0x0], $0xffff;
	v57 =	vadd.s32 $0x40, v7;
	v11 =	vmul.f32 v21, v27;
	v13 =	vmul.f32 v19, v24  }
0x19a: {  	v61 =	vadd.s32 $0x80, v7;
	v16 =	vld.idx.msk [tilespmem:v62+s30+$0x0], $0xffff;
	v12 =	vmul.f32 v21, v24;
	v15 =	vmul.f32 v19, v27  }
0x19b: {  	v21 =	vadd.s32 $0x40, v28;
	v17 =	vld.idx.msk [tilespmem:v17+s30+$0x0], $0xffff;
	v27 =	vmul.f32 v54, v13;
	v32 =	vmul.f32 v32, v13  }
0x19c: {  	v19 =	vadd.s32 $0x60, v28;
	v33 =	vmul.f32 v33, v13;
	v36 =	vmul.f32 v49, v13;
	v18 =	vld.idx.msk [tilespmem:v18+s30+$0x0], $0xffff  }
0x19d: {  	v24 =	vadd.s32 $0xE0, v28;
	v39 =	vmul.f32 v51, v13;
	v26 =	vmul.f32 v26, v11;
	v23 =	vld.idx.msk [tilespmem:v23+s30+$0x0], $0xffff  }
0x19e: {  	v28 =	vadd.s32 $0xA0, v28;
	v42 =	vmul.f32 v42, v11;
	v22 =	vmul.f32 v22, v11;
	v25 =	vld.idx.msk [tilespmem:v25+s30+$0x0], $0xffff  }
0x19f: {  	v62 =	vadd.s32 $0xA0, v7;
	v29 =	vmul.f32 v59, v11;
	v40 =	vmul.f32 v40, v12;
	v49 =	vld.idx.msk [tilespmem:v57+s30+$0x0], $0xffff  }
0x1a0: {  	v54 =	vadd.s32 $0x20, v14;
	v41 =	vmul.f32 v41, v12;
	v31 =	vmul.f32 v63, v12;
	v57 =	vld.idx.msk [tilespmem:v38+s30+$0x0], $0xffff  }
0x1a1: {  	v59 =	vadd.s32 $0x60, v7;
	v35 =	vmul.f32 v35, v12;
	v44 =	vmul.f32 v44, v15;
	v21 =	vld.idx.msk [tilespmem:v21+s30+$0x0], $0xffff  }
0x1a2: {  	v37 =	vmul.f32 v37, v13;
	v14 =	vadd.s32 $0xE0, v14;
	v47 =	vmul.f32 v47, v15;
	v19 =	vld.idx.msk [tilespmem:v19+s30+$0x0], $0xffff  }
0x1a3: {  	v63 =	vadd.s32 $0xC0, v7;
	v48 =	vmul.f32 v48, v15;
	v50 =	vmul.f32 v50, v13;
	v28 =	vld.idx.msk [tilespmem:v28+s30+$0x0], $0xffff  }
0x1a4: {  	v7 =	vadd.s32 $0xE0, v7;
	v58 =	vmul.f32 v52, v12;
	v60 =	vmul.f32 v53, v12;
	v24 =	vld.idx.msk [tilespmem:v24+s30+$0x0], $0xffff  }
0x1a5: {  	v20 =	vmul.f32 v20, v12;
	v32 =	vadd.f32 v44, v32;
	v16 =	vmul.f32 v16, v13;
	v30 =	vld.idx.msk [tilespmem:v54+s30+$0x0], $0xffff  }
0x1a6: {  	v36 =	vadd.f32 v47, v36;
	v17 =	vmul.f32 v17, v15;
	v51 =	vld.idx.msk [tilespmem:v59+s30+$0x0], $0xffff;
	v18 =	vmul.f32 v18, v15  }
0x1a7: {  	v20 =	vadd.f32 v20, v32;
	v54 =	vld.idx.msk [tilespmem:v62+s30+$0x0], $0xffff;
	v23 =	vmul.f32 v23, v13;
	v25 =	vmul.f32 v25, v15  }
0x1a8: {  	v14 =	vld.idx.msk [tilespmem:v14+s30+$0x0], $0xffff;
	v17 =	vadd.f32 v17, v27;
	v21 =	vmul.f32 v21, v15;
	v19 =	vmul.f32 v19, v15  }
0x1a9: {  	v16 =	vadd.f32 v18, v16;
	v18 =	vmul.f32 v49, v15;
	v49 =	vld.idx.msk [tilespmem:v61+s30+$0x0], $0xffff;
	v23 =	vadd.f32 v25, v23  }
0x1aa: {  	v28 =	vmul.f32 v28, v12;
	v17 =	vadd.f32 v40, v17;
	v61 =	vld.idx.msk [tilespmem:v63+s30+$0x0], $0xffff;
	v63 =	vmul.f32 v57, v11  }
0x1ab: {  	v7 =	vld.idx.msk [tilespmem:v7+s30+$0x0], $0xffff;
	v24 =	vmul.f32 v24, v11;
	v21 =	vadd.f32 v21, v33;
	v19 =	vadd.f32 v19, v37  }
0x1ac: {  	v30 =	vmul.f32 v30, v13;
	v18 =	vadd.f32 v18, v39;
	v16 =	vadd.f32 v41, v16  }
0x1ad: {  	v55 =	vmul.f32 v51, v15;
	v23 =	vadd.f32 v31, v23;
	v37 =	vadd.f32 v58, v36  }
0x1ae: {  	v62 =	vmul.f32 v54, v12;
	v26 =	vadd.f32 v26, v17;
	v17 =	vadd.f32 v22, v20  }
0x1af: {  	v14 =	vmul.f32 v14, v11;
	v30 =	vadd.f32 v48, v30;
	v25 =	vadd.f32 v55, v50  }
0x1b0: {  	v59 =	vld.idx.msk [tilespmem:v46+s30+$0x0], $0xffff;
	v7 =	vmul.f32 v7, v11;
	v21 =	vadd.f32 v35, v21;
	v19 =	vadd.f32 v28, v19  }
0x1b1: {  	v38 =	vadd.f32 v42, v16;
	v20 =	vadd.f32 v29, v23;
	v16 =	vmul.f32 $1.442695020e+00, v34  }
0x1b2: {  	v39 =	vsub.f32 v26, v17;
	v17 =	vmul.f32 $1.442695020e+00, v45;
	v30 =	vadd.f32 v60, v30  }
0x1b3: {  	v28 =	vld [tilespmem:s15+$0x0];
	v27 =	vmul.f32 v49, v12;
	v25 =	vadd.f32 v62, v25;
	v21 =	vadd.f32 v63, v21  }
0x1b4: {  	v22 =	vmul.f32 v61, v11;
	v19 =	vadd.f32 v24, v19;
	v20 =	vsub.f32 v38, v20  }
0x1b5: {  	v27 =	vadd.f32 v27, v18;
	v18 =	vmul.f32 v59, v11;
	v14 =	vadd.f32 v14, v30  }
0x1b6: {  	v33 =	vld [tilespmem:s15+$0x1000];
	v21 =	vsub.f32 v26, v21;
	v19 =	vsub.f32 v38, v19;
	v41 =	vmul.f32 v20, v6  }
0x1b7: {  	v25 =	vadd.f32 v7, v25;
	v23 =	vadd.f32 v18, v37;
	v18 =	vmul.f32 $-1.000000000e+01, v43  }
0x1b8: {  	v22 =	vadd.f32 v22, v27;
	v51 =	vadd.s32 $0x20, v28;
	v60 =	vadd.s32 $0x40, v28  }
0x1b9: {  	v40 =	vsub.f32 v38, v14;
	v14 =	vmul.f32 v39, v5;
	v42 =	vmul.f32 v21, v5  }
0x1ba: {  	v43 =	vmul.f32 v19, v6;
	v25 =	vsub.f32 v38, v25;
	v20 =	vmul.f32 v41, v20  }
0x1bb: {  	v23 =	vsub.f32 v26, v23;
	v18 =	vmul.f32 $1.442695020e+00, v18;
	v45 =	vmul.f32 v40, v6  }
0x1bc: {  	v7 =	vpop (erf);
	v22 =	vsub.f32 v26, v22;
	v24 =	vmul.f32 v14, v39;
	v21 =	vmul.f32 v42, v21  }
0x1bd: {  	v46 =	vpop (erf);
	v26 =	vld [tilespmem:s15+$0x800];
	v19 =	vmul.f32 v43, v19;
	v44 =	vmul.f32 v23, v5  }
0x1be: {  	v14 =	vadd.f32 v46, v7;
	v48 =	vmul.f32 v25, v6;
	v46 =	vld.idx.msk [tilespmem:v33+s30+$0x0], $0xffff;
	v47 =	vmul.f32 v22, v5  }
0x1bf: {  	v24 =	vadd.f32 v20, v24;
	v21 =	vadd.f32 v19, v21;
	v27 =	vld.idx.msk [tilespmem:v51+s30+$0x0], $0xffff;
	v20 =	vmul.f32 v44, v23  }
0x1c0: {  	v53 =	vadd.s32 $0x60, v28;
	v34 =	vld.idx.msk [tilespmem:v60+s30+$0x0], $0xffff;
	v23 =	vmul.f32 v45, v40;
	v19 =	vmul.f32 v47, v22  }
0x1c1: {  	v22 =	vmul.f32 v48, v25;
	v49 =	vshra.s32 v24, $0x1;
	v50 =	vshra.s32 v21, $0x1  }
0x1c2: {  	v54 =	vadd.s32 $0x20, v26;
	v23 =	vadd.f32 v23, v20;
	v20 =	vsub.s32 $0x5F3759DF, v49  }
0x1c3: {  	v22 =	vadd.f32 v22, v19;
	v25 =	vsub.s32 $0x5F3759DF, v50;
	v46 =	vmul.f32 v46, v13  }
0x1c4: {  	v19 =	vmul.f32 v20, v24;
	v57 =	vmul.f32 v25, v21;
	v56 =	vshra.s32 v23, $0x1  }
0x1c5: {  	v36 =	vld.idx.msk [tilespmem:v53+s30+$0x0], $0xffff;
	v58 =	vshra.s32 v22, $0x1;
	v34 =	vmul.f32 v34, v15;
	v27 =	vmul.f32 v27, v13  }
0x1c6: {  	v44 =	vld.idx.msk [tilespmem:v26+s30+$0x0], $0xffff;
	v29 =	vsub.s32 $0x5F3759DF, v56;
	v19 =	vmul.f32 v20, v19;
	v31 =	vsub.s32 $0x5F3759DF, v58  }
0x1c7: {  	v30 =	vmul.f32 v25, v57;
	v56 =	vadd.s32 $0x40, v26;
	v59 =	vmul.f32 v29, v23  }
0x1c8: {  	v41 =	vadd.s32 $0x20, v33;
	v52 =	vmul.f32 v31, v22;
	v19 =	vmul.f32 $5.000000000e-01, v19  }
0x1c9: {  	v42 =	vadd.s32 $0x40, v33;
	v37 =	vld.idx.msk [tilespmem:v54+s30+$0x0], $0xffff;
	v30 =	vmul.f32 $5.000000000e-01, v30;
	v32 =	vmul.f32 v29, v59  }
0x1ca: {  	v36 =	vmul.f32 v36, v15;
	v35 =	vmul.f32 v31, v52;
	v55 =	vsub.f32 $1.500000000e+00, v19  }
0x1cb: {  	v19 =	vld [tilespmem:s15+$0x1800];
	v30 =	vsub.f32 $1.500000000e+00, v30;
	v44 =	vmul.f32 v44, v13;
	v32 =	vmul.f32 $5.000000000e-01, v32  }
0x1cc: {  	v45 =	vadd.s32 $0x60, v33;
	v35 =	vmul.f32 $5.000000000e-01, v35;
	v39 =	vld.idx.msk [tilespmem:v56+s30+$0x0], $0xffff;
	v38 =	vmul.f32 v20, v55  }
0x1cd: {  	v25 =	vmul.f32 v25, v30;
	v55 =	vadd.s32 $0x80, v28;
	v32 =	vsub.f32 $1.500000000e+00, v32  }
0x1ce: {  	v37 =	vmul.f32 v37, v13;
	v35 =	vsub.f32 $1.500000000e+00, v35;
	v61 =	vmul.f32 v38, v24  }
0x1cf: {  	v40 =	vadd.s32 $0x60, v26;
	v62 =	vmul.f32 v25, v21;
	v29 =	vmul.f32 v29, v32  }
0x1d0: {  	v30 =	vld.idx.msk [tilespmem:v28+s30+$0x0], $0xffff;
	v63 =	vadd.s32 $0x20, v19;
	v31 =	vmul.f32 v31, v35;
	v57 =	vmul.f32 v61, v38  }
0x1d1: {  	v45 =	vld.idx.msk [tilespmem:v45+s30+$0x0], $0xffff;
	v47 =	vadd.s32 $0x80, v19;
	v32 =	vmul.f32 v62, v25;
	v39 =	vmul.f32 v39, v15  }
0x1d2: {  	v49 =	vadd.s32 $0x60, v19;
	v58 =	vmul.f32 v29, v23;
	v59 =	vmul.f32 v31, v22;
	v55 =	vld.idx.msk [tilespmem:v55+s30+$0x0], $0xffff  }
0x1d3: {  	v27 =	vadd.f32 v36, v27;
	v35 =	vmul.f32 $5.000000000e-01, v57;
	v32 =	vmul.f32 $5.000000000e-01, v32;
	v54 =	vld.idx.msk [tilespmem:v19+s30+$0x0], $0xffff  }
0x1d4: {  	v20 =	vld [tilespmem:s15+$0x2000];
	v62 =	vadd.s32 $0xA0, v26;
	v48 =	vmul.f32 v58, v29;
	v50 =	vmul.f32 v59, v31  }
0x1d5: {  	v30 =	vmul.f32 v30, v13;
	v35 =	vsub.f32 $1.500000000e+00, v35;
	v32 =	vsub.f32 $1.500000000e+00, v32;
	v63 =	vld.idx.msk [tilespmem:v63+s30+$0x0], $0xffff  }
0x1d6: {  	v43 =	vadd.s32 $0x40, v19;
	v36 =	vld.idx.msk [tilespmem:v47+s30+$0x0], $0xffff;
	v48 =	vmul.f32 $5.000000000e-01, v48;
	v50 =	vmul.f32 $5.000000000e-01, v50  }
0x1d7: {  	v61 =	vadd.s32 $0xA0, v28;
	v49 =	vld.idx.msk [tilespmem:v49+s30+$0x0], $0xffff;
	v35 =	vmul.f32 v35, v38;
	v25 =	vmul.f32 v32, v25  }
0x1d8: {  	v32 =	vld.idx.msk [tilespmem:v40+s30+$0x0], $0xffff;
	v55 =	vmul.f32 v55, v12;
	v48 =	vsub.f32 $1.500000000e+00, v48;
	v54 =	vmul.f32 v54, v13  }
0x1d9: {  	v50 =	vsub.f32 $1.500000000e+00, v50;
	v24 =	vmul.f32 v35, v24;
	v35 =	vld.idx.msk [tilespmem:v41+s30+$0x0], $0xffff;
	v21 =	vmul.f32 v25, v21  }
0x1da: {  	v53 =	vadd.s32 $0x60, v20;
	v41 =	vld.idx.msk [tilespmem:v62+s30+$0x0], $0xffff;
	v62 =	vmul.f32 v45, v15;
	v29 =	vmul.f32 v48, v29  }
0x1db: {  	v51 =	vadd.s32 $0x20, v20;
	v31 =	vmul.f32 v50, v31;
	v36 =	vmul.f32 v36, v12  }
0x1dc: {  	v40 =	vadd.s32 $0x80, v26;
	v24 =	vmul.f32 $-1.000000000e+01, v24;
	v21 =	vmul.f32 $-1.000000000e+01, v21  }
0x1dd: {  	v25 =	vld.idx.msk [tilespmem:v42+s30+$0x0], $0xffff;
	v42 =	vadd.s32 $0x80, v33;
	v23 =	vmul.f32 v29, v23;
	v22 =	vmul.f32 v31, v22  }
0x1de: {  	v60 =	vadd.s32 $0x40, v20;
	v38 =	vld.idx.msk [tilespmem:v20+s30+$0x0], $0xffff;
	v32 =	vmul.f32 v32, v15;
	v29 =	vmul.f32 v63, v13  }
0x1df: {  	v53 =	vld.idx.msk [tilespmem:v53+s30+$0x0], $0xffff;
	v48 =	vadd.s32 $0xA0, v33;
	v63 =	vmul.f32 v49, v15;
	v24 =	vmul.f32 $1.442695020e+00, v24  }
0x1e0: {  	v39 =	vadd.f32 v39, v44;
	v31 =	vld.idx.msk [tilespmem:v43+s30+$0x0], $0xffff;
	v21 =	vmul.f32 $1.442695020e+00, v21;
	v23 =	vmul.f32 $-1.000000000e+01, v23  }
0x1e1: {  	v50 =	vadd.s32 $0x80, v20;
	v40 =	vld.idx.msk [tilespmem:v40+s30+$0x0], $0xffff;
	v22 =	vmul.f32 $-1.000000000e+01, v22;
	v35 =	vmul.f32 v35, v13  }
0x1e2: {  	v43 =	vadd.s32 $0xA0, v19;
	v42 =	vld.idx.msk [tilespmem:v42+s30+$0x0], $0xffff;
	(erf) = vpow2.f32 v24;
	v23 =	vmul.f32 $1.442695020e+00, v23  }
0x1e3: {  	v30 =	vadd.f32 v34, v30;
	v24 =	vld.idx.msk [tilespmem:v51+s30+$0x0], $0xffff;
	(erf) = vpow2.f32 v21;
	v22 =	vmul.f32 $1.442695020e+00, v22  }
0x1e4: {  	v32 =	vadd.f32 v32, v37;
	v51 =	vadd.s32 $0xA0, v20;
	v48 =	vld.idx.msk [tilespmem:v48+s30+$0x0], $0xffff;
	(erf) = vpow2.f32 v23  }
0x1e5: {  	v25 =	vmul.f32 v25, v15;
	v21 =	vld.idx.msk [tilespmem:v60+s30+$0x0], $0xffff;
	v60 =	vadd.s32 $0xC0, v28;
	(erf) = vpow2.f32 v22  }
0x1e6: {  	v29 =	vadd.f32 v63, v29;
	v41 =	vmul.f32 v41, v12;
	v50 =	vld.idx.msk [tilespmem:v50+s30+$0x0], $0xffff;
	v28 =	vadd.s32 $0xE0, v28  }
0x1e7: {  	v35 =	vadd.f32 v62, v35;
	v25 =	vadd.f32 v25, v46;
	v37 =	vld.idx.msk [tilespmem:v43+s30+$0x0], $0xffff;
	v43 =	vadd.s32 $0xC0, v19  }
0x1e8: {  	v32 =	vadd.f32 v41, v32;
	v31 =	vmul.f32 v31, v15;
	v19 =	vadd.s32 $0xE0, v19;
	v22 =	vld.idx.msk [tilespmem:v61+s30+$0x0], $0xffff  }
0x1e9: {  	v45 =	vpop (erf);
	v40 =	vmul.f32 v40, v12;
	v23 =	vadd.s32 $0xC0, v26;
	v26 =	vadd.s32 $0xE0, v26;
	v51 =	vld.idx.msk [tilespmem:v51+s30+$0x0], $0xffff  }
0x1ea: {  	v49 =	vpop (erf);
	v61 =	vadd.s32 $0xC0, v33;
	v33 =	vadd.s32 $0xE0, v33;
	v63 =	vmul.f32 v42, v12;
	v52 =	vld.idx.msk [tilespmem:v60+s30+$0x0], $0xffff  }
0x1eb: {  	v31 =	vadd.f32 v31, v54;
	v24 =	vmul.f32 v24, v13;
	v13 =	vmul.f32 v38, v13;
	v28 =	vld.idx.msk [tilespmem:v28+s30+$0x0], $0xffff;
	v47 =	vpop (erf)  }
0x1ec: {  	v39 =	vadd.f32 v40, v39;
	v46 =	vmul.f32 v48, v12;
	v21 =	vmul.f32 v21, v15;
	v44 =	vld.idx.msk [tilespmem:v43+s30+$0x0], $0xffff;
	v57 =	vpop (erf)  }
0x1ed: {  	v15 =	vmul.f32 v53, v15;
	v60 =	vadd.s32 $0xC0, v20;
	v25 =	vadd.f32 v63, v25;
	v19 =	vld.idx.msk [tilespmem:v19+s30+$0x0], $0xffff;
	v58 =	vpop (erf)  }
0x1ee: {  	v20 =	vadd.s32 $0xE0, v20;
	v31 =	vadd.f32 v36, v31;
	v23 =	vld.idx.msk [tilespmem:v23+s30+$0x0], $0xffff;
	v13 =	vadd.f32 v21, v13;
	v59 =	vpop (erf)  }
0x1ef: {  	v37 =	vmul.f32 v37, v12;
	v26 =	vld.idx.msk [tilespmem:v26+s30+$0x0], $0xffff;
	v53 =	vadd.f32 v57, v47;
	v34 =	vadd.f32 v59, v58  }
0x1f0: {  	v48 =	vmul.f32 v50, v12;
	v15 =	vadd.f32 v15, v24;
	v21 =	vld.idx.msk [tilespmem:v61+s30+$0x0], $0xffff;
	v61 =	vadd.f32 v55, v30  }
0x1f1: {  	v22 =	vmul.f32 v22, v12;
	v29 =	vadd.f32 v37, v29;
	v34 =	vadd.f32 v34, v53  }
0x1f2: {  	v12 =	vmul.f32 v51, v12;
	v13 =	vadd.f32 v48, v13;
	v38 =	vld.idx.msk [tilespmem:v60+s30+$0x0], $0xffff;
	v50 =	vmul.f32 v52, v11  }
0x1f3: {  	v62 =	vld.idx.msk [tilespmem:v33+s30+$0x0], $0xffff;
	v22 =	vadd.f32 v22, v27;
	v28 =	vmul.f32 v28, v11;
	(erf) = vrcp.f32 v34  }
0x1f4: {  	v20 =	vld.idx.msk [tilespmem:v20+s30+$0x0], $0xffff;
	v15 =	vadd.f32 v12, v15;
	v27 =	vmul.f32 v44, v11;
	v19 =	vmul.f32 v19, v11  }
0x1f5: {  	v23 =	vmul.f32 v23, v11;
	v26 =	vmul.f32 v26, v11;
	v24 =	vadd.f32 v50, v61  }
0x1f6: {  	v22 =	vadd.f32 v28, v22;
	v12 =	vmul.f32 v21, v11;
	v19 =	vadd.f32 v19, v29  }
0x1f7: {  	s21 =	simm.s32 $0x300;
	v23 =	vadd.f32 v23, v39;
	v26 =	vadd.f32 v26, v32;
	v51 =	vmul.f32 v38, v11  }
0x1f8: {  	s31 =	simm.s32 $0x0;
	s4 =	sand.u32 $0x100, s21;
	s17 =	simm.s32 $0x18;
	v21 =	vmul.f32 v62, v11;
	v25 =	vadd.f32 v12, v25;
	v19 =	vsub.f32 v22, v19  }
0x1f9: {  	s4 =	sor.u32 s4, s31;
	s6 =	sand.u32 $0x70, s17;
	v11 =	vmul.f32 v20, v11;
	v34 =	vadd.f32 v46, v35;
	v13 =	vadd.f32 v51, v13  }
0x1fa: {  	s16 =	sor.u32 s6, s4;
	(erf) = vpow2.f32 v10;
	v10 =	vsub.f32 v24, v23;
	v23 =	vsub.f32 v24, v25  }
0x1fb: {  	v11 =	vadd.f32 v11, v15;
	v55 =	vmul.f32 v19, v6;
	v25 =	vld [tilespmem:s16+$0x880];
	(erf) = vpow2.f32 v16  }
0x1fc: {  	v16 =	vsub.f32 v22, v26;
	v13 =	vsub.f32 v24, v13;
	v15 =	vmul.f32 v23, v5;
	v20 =	vpop (erf)  }
0x1fd: {  	v19 =	vmul.f32 v55, v19;
	v12 =	vmul.f32 v20, v47;
	v20 =	vadd.f32 v21, v34  }
0x1fe: {  	v52 =	vmul.f32 v16, v6;
	v15 =	vmul.f32 v15, v23;
	v21 =	vadd.f32 v27, v31  }
0x1ff: {  	(erf) = vpow2.f32 v17;
	v17 =	vmul.f32 v10, v5;
	v20 =	vsub.f32 v22, v20  }
0x200: {  	v23 =	vmul.f32 v13, v5;
	v62 =	vadd.s32 $0xC0, v25;
	v21 =	vsub.f32 v24, v21  }
0x201: {  	v10 =	vmul.f32 v17, v10;
	v22 =	vsub.f32 v22, v11;
	v53 =	vmul.f32 v20, v6  }
0x202: {  	v63 =	vadd.s32 $0xE0, v25;
	v11 =	vmul.f32 v52, v16;
	v54 =	vmul.f32 v21, v5  }
0x203: {  	v26 =	vld [tilespmem:s16+$0x1080];
	v55 =	vadd.s32 $0xA0, v25;
	v56 =	vmul.f32 v22, v6;
	v20 =	vmul.f32 v53, v20  }
0x204: {  	s22 =	simm.s32 $0x0;
	v13 =	vmul.f32 v23, v13;
	v17 =	vadd.f32 v11, v10;
	v10 =	vmul.f32 v54, v21  }
0x205: {  	s22 =	sor.u32 s6, s22;
	(erf) = vpow2.f32 v18;
	v11 =	vadd.f32 v20, v15;
	v15 =	vmul.f32 v56, v22  }
0x206: {  	v30 =	vld [tilespmem:s22+$0x2C00];
	v16 =	vadd.f32 v49, v45;
	v20 =	vshra.s32 v17, $0x1;
	v19 =	vadd.f32 v19, v10  }
0x207: {  	v29 =	vld [tilespmem:s22+$0x2800];
	v20 =	vsub.s32 $0x5F3759DF, v20;
	v21 =	vshra.s32 v11, $0x1;
	v10 =	vadd.f32 v15, v13  }
0x208: {  	v23 =	vld [tilespmem:s16+$0x80];
	v13 =	vmul.f32 v20, v17;
	v18 =	vshra.s32 v19, $0x1;
	v15 =	vsub.s32 $0x5F3759DF, v21  }
0x209: {  	v32 =	vld [tilespmem:s22+$0x2C80];
	v18 =	vsub.s32 $0x5F3759DF, v18;
	v57 =	vmul.f32 v15, v11;
	v58 =	vshra.s32 v10, $0x1  }
0x20a: {  	v35 =	vld.idx.msk [tilespmem:v25+s30+$0x0], $0xffff;
	v13 =	vmul.f32 v20, v13;
	v59 =	vmul.f32 v18, v19;
	v28 =	vsub.s32 $0x5F3759DF, v58  }
0x20b: {  	v48 =	vadd.s32 $0xC0, v26;
	v37 =	vld.idx.msk [tilespmem:v26+s30+$0x0], $0xffff;
	v27 =	vmul.f32 v15, v57;
	v60 =	vmul.f32 v28, v10  }
0x20c: {  	v36 =	vld.idx.msk [tilespmem:v62+s30+$0x0], $0xffff;
	v14 =	vadd.f32 v16, v14;
	v13 =	vmul.f32 $5.000000000e-01, v13;
	v16 =	vmul.f32 v18, v59  }
0x20d: {  	v38 =	vld.idx.msk [tilespmem:v63+s30+$0x0], $0xffff;
	v61 =	vadd.s32 $0xC0, v23;
	v27 =	vmul.f32 $5.000000000e-01, v27;
	v31 =	vmul.f32 v28, v60  }
0x20e: {  	(erf) = vrcp.f32 v14;
	v22 =	vld [tilespmem:s16+$0x1880];
	v13 =	vsub.f32 $1.500000000e+00, v13;
	v16 =	vmul.f32 $5.000000000e-01, v16  }
0x20f: {  	v24 =	vld [tilespmem:s22+$0x2880];
	v14 =	vadd.s32 $0xE0, v23;
	v27 =	vsub.f32 $1.500000000e+00, v27;
	v31 =	vmul.f32 $5.000000000e-01, v31  }
0x210: {  	v45 =	vld.idx.msk [tilespmem:v55+s30+$0x0], $0xffff;
	v53 =	vadd.s32 $0x80, v25;
	v13 =	vmul.f32 v20, v13;
	v16 =	vsub.f32 $1.500000000e+00, v16  }
0x211: {  	v33 =	vld.idx.msk [tilespmem:v23+s30+$0x0], $0xffff;
	v56 =	vadd.s32 $0x20, v23;
	v15 =	vmul.f32 v15, v27;
	v20 =	vsub.f32 $1.500000000e+00, v31  }
0x212: {  	v34 =	vld.idx.msk [tilespmem:v61+s30+$0x0], $0xffff;
	v49 =	vmul.f32 v13, v17;
	v18 =	vmul.f32 v18, v16;
	v16 =	vadd.s32 $0x80, v23  }
0x213: {  	v21 =	vld [tilespmem:s16+$0x2080];
	v55 =	vadd.s32 $0x80, v22;
	v50 =	vmul.f32 v15, v11;
	v20 =	vmul.f32 v28, v20  }
0x214: {  	v51 =	vadd.s32 $0xA0, v23;
	v42 =	vld.idx.msk [tilespmem:v14+s30+$0x0], $0xffff;
	v14 =	vmul.f32 v49, v13;
	v52 =	vmul.f32 v18, v19  }
0x215: {  	v43 =	vld.idx.msk [tilespmem:v53+s30+$0x0], $0xffff;
	v63 =	vadd.s32 $0x40, v22;
	v41 =	vmul.f32 v50, v15;
	v54 =	vmul.f32 v20, v10  }
0x216: {  	v61 =	vadd.s32 $0x40, v26;
	v46 =	vld.idx.msk [tilespmem:v56+s30+$0x0], $0xffff;
	v14 =	vmul.f32 $5.000000000e-01, v14;
	v40 =	vmul.f32 v52, v18  }
0x217: {  	v47 =	vld.idx.msk [tilespmem:v16+s30+$0x0], $0xffff;
	v16 =	vadd.s32 $0x40, v23;
	v41 =	vmul.f32 $5.000000000e-01, v41;
	v44 =	vmul.f32 v54, v20  }
0x218: {  	v58 =	vadd.s32 $0x40, v25;
	v60 =	vadd.s32 $0x20, v26;
	v55 =	vld.idx.msk [tilespmem:v55+s30+$0x0], $0xffff;
	v14 =	vsub.f32 $1.500000000e+00, v14  }
0x219: {  	v27 =	vld.idx.msk [tilespmem:v48+s30+$0x0], $0xffff;
	v40 =	vmul.f32 $5.000000000e-01, v40;
	v41 =	vsub.f32 $1.500000000e+00, v41;
	v44 =	vmul.f32 $5.000000000e-01, v44  }
0x21a: {  	v57 =	vadd.s32 $0x20, v25;
	v48 =	vld.idx.msk [tilespmem:v63+s30+$0x0], $0xffff;
	v49 =	vmul.f32 v14, v13;
	v13 =	vmul.f32 v24, v32  }
0x21b: {  	v25 =	vadd.s32 $0x60, v25;
	v28 =	vld.idx.msk [tilespmem:v51+s30+$0x0], $0xffff;
	v14 =	vmul.f32 v24, v30;
	v41 =	vmul.f32 v41, v15  }
0x21c: {  	v63 =	vadd.s32 $0x60, v21;
	v59 =	vld.idx.msk [tilespmem:v16+s30+$0x0], $0xffff;
	v15 =	vmul.f32 v29, v30;
	v16 =	vmul.f32 v29, v32  }
0x21d: {  	v39 =	vld.idx.msk [tilespmem:v22+s30+$0x0], $0xffff;
	v23 =	vadd.s32 $0x60, v23;
	v34 =	vmul.f32 v34, v13;
	v42 =	vmul.f32 v42, v13  }
0x21e: {  	v53 =	vld.idx.msk [tilespmem:v60+s30+$0x0], $0xffff;
	v60 =	vadd.s32 $0x60, v22;
	v36 =	vmul.f32 v36, v13;
	v38 =	vmul.f32 v38, v13  }
0x21f: {  	v31 =	vld.idx.msk [tilespmem:v21+s30+$0x0], $0xffff;
	v54 =	vadd.s32 $0x20, v22;
	v47 =	vmul.f32 v47, v14;
	v27 =	vmul.f32 v27, v13  }
0x220: {  	v25 =	vld.idx.msk [tilespmem:v25+s30+$0x0], $0xffff;
	v51 =	vadd.s32 $0x80, v26;
	v28 =	vmul.f32 v28, v14;
	v43 =	vmul.f32 v43, v14  }
0x221: {  	v50 =	vadd.s32 $0xE0, v26;
	v24 =	vld.idx.msk [tilespmem:v61+s30+$0x0], $0xffff;
	v45 =	vmul.f32 v45, v14;
	v55 =	vmul.f32 v55, v14  }
0x222: {  	v61 =	vadd.s32 $0x40, v21;
	v23 =	vld.idx.msk [tilespmem:v23+s30+$0x0], $0xffff;
	v17 =	vmul.f32 v49, v17;
	v62 =	vmul.f32 v33, v15  }
0x223: {  	v29 =	vld.idx.msk [tilespmem:v57+s30+$0x0], $0xffff;
	v30 =	vadd.s32 $0x60, v26;
	v33 =	vmul.f32 v35, v15;
	v37 =	vmul.f32 v37, v15  }
0x224: {  	v26 =	vadd.s32 $0xA0, v26;
	v54 =	vld.idx.msk [tilespmem:v54+s30+$0x0], $0xffff;
	v39 =	vmul.f32 v39, v15;
	v31 =	vmul.f32 v31, v15  }
0x225: {  	v44 =	vsub.f32 $1.500000000e+00, v44;
	v35 =	vld.idx.msk [tilespmem:v58+s30+$0x0], $0xffff;
	v46 =	vmul.f32 v46, v15;
	v25 =	vmul.f32 v25, v16  }
0x226: {  	v40 =	vsub.f32 $1.500000000e+00, v40;
	v53 =	vmul.f32 v53, v15;
	v48 =	vmul.f32 v48, v16  }
0x227: {  	v20 =	vmul.f32 v44, v20;
	v24 =	vmul.f32 v24, v16;
	v56 =	vld.idx.msk [tilespmem:v61+s30+$0x0], $0xffff;
	v61 =	vadd.s32 $0x80, v21  }
0x228: {  	v50 =	vld.idx.msk [tilespmem:v50+s30+$0x0], $0xffff;
	v39 =	vadd.f32 v48, v39;
	v52 =	vmul.f32 v59, v16;
	v23 =	vmul.f32 v23, v16  }
0x229: {  	v30 =	vld.idx.msk [tilespmem:v30+s30+$0x0], $0xffff;
	v29 =	vmul.f32 v29, v15;
	v24 =	vadd.f32 v24, v37;
	v54 =	vmul.f32 v54, v15  }
0x22a: {  	v26 =	vld.idx.msk [tilespmem:v26+s30+$0x0], $0xffff;
	v39 =	vadd.f32 v55, v39;
	v32 =	vadd.f32 v52, v62;
	v35 =	vmul.f32 v35, v16  }
0x22b: {  	v62 =	vadd.s32 $0x20, v21;
	v23 =	vadd.f32 v23, v46;
	v46 =	vld.idx.msk [tilespmem:v51+s30+$0x0], $0xffff;
	v25 =	vadd.f32 v25, v29  }
0x22c: {  	v51 =	vld.idx.msk [tilespmem:v63+s30+$0x0], $0xffff;
	v63 =	vadd.s32 $0xC0, v22;
	v56 =	vmul.f32 v56, v16;
	v33 =	vadd.f32 v35, v33  }
0x22d: {  	v35 =	vld.idx.msk [tilespmem:v60+s30+$0x0], $0xffff;
	v60 =	vadd.s32 $0xA0, v22;
	v22 =	vadd.s32 $0xE0, v22;
	v32 =	vadd.f32 v47, v32  }
0x22e: {  	v37 =	vld.idx.msk [tilespmem:v61+s30+$0x0], $0xffff;
	v23 =	vadd.f32 v28, v23;
	v25 =	vadd.f32 v45, v25;
	v45 =	vmul.f32 v50, v13  }
0x22f: {  	v30 =	vmul.f32 v30, v16;
	v31 =	vadd.f32 v56, v31;
	v33 =	vadd.f32 v43, v33  }
0x230: {  	v26 =	vmul.f32 v26, v14;
	v32 =	vadd.f32 v34, v32;
	v23 =	vadd.f32 v42, v23;
	v52 =	vld.idx.msk [tilespmem:v62+s30+$0x0], $0xffff  }
0x231: {  	v25 =	vadd.f32 v38, v25;
	v30 =	vadd.f32 v30, v53;
	v62 =	vadd.s32 $0xA0, v21;
	v48 =	vld.idx.msk [tilespmem:v63+s30+$0x0], $0xffff  }
0x232: {  	v51 =	vmul.f32 v51, v16;
	v46 =	vmul.f32 v46, v14;
	v29 =	vld.idx.msk [tilespmem:v60+s30+$0x0], $0xffff;
	v60 =	vadd.s32 $0xC0, v21  }
0x233: {  	v37 =	vmul.f32 v37, v14;
	v25 =	vsub.f32 v23, v25;
	v21 =	vadd.s32 $0xE0, v21  }
0x234: {  	v33 =	vadd.f32 v36, v33;
	v35 =	vmul.f32 v35, v16;
	v24 =	vadd.f32 v46, v24  }
0x235: {  	v22 =	vld.idx.msk [tilespmem:v22+s30+$0x0], $0xffff;
	v26 =	vadd.f32 v26, v30;
	v31 =	vadd.f32 v37, v31;
	v50 =	vmul.f32 v25, v6  }
0x236: {  	v35 =	vadd.f32 v35, v54;
	v24 =	vadd.f32 v27, v24;
	v53 =	vld.idx.msk [tilespmem:v62+s30+$0x0], $0xffff;
	v52 =	vmul.f32 v52, v15  }
0x237: {  	v26 =	vadd.f32 v45, v26;
	v46 =	vmul.f32 v48, v13;
	v48 =	vmul.f32 v40, v18;
	v62 =	vld.idx.msk [tilespmem:v60+s30+$0x0], $0xffff  }
0x238: {  	v18 =	vmul.f32 v41, v11;
	v11 =	vsub.f32 v32, v33;
	v61 =	vmul.f32 v29, v14;
	v21 =	vld.idx.msk [tilespmem:v21+s30+$0x0], $0xffff  }
0x239: {  	v25 =	vmul.f32 v50, v25;
	v24 =	vsub.f32 v32, v24;
	v26 =	vsub.f32 v23, v26  }
0x23a: {  	v22 =	vmul.f32 v22, v13;
	v47 =	vadd.f32 v46, v39;
	v28 =	vadd.f32 v61, v35  }
0x23b: {  	v51 =	vadd.f32 v51, v52;
	v49 =	vmul.f32 v11, v5;
	v63 =	vmul.f32 v53, v14  }
0x23c: {  	v52 =	vmul.f32 v26, v6;
	v27 =	vsub.f32 v32, v47;
	v22 =	vadd.f32 v22, v28  }
0x23d: {  	v30 =	vadd.f32 v63, v51;
	v29 =	vmul.f32 v62, v13;
	v21 =	vmul.f32 v21, v13  }
0x23e: {  	v11 =	vmul.f32 v49, v11;
	v51 =	vmul.f32 v24, v5;
	v22 =	vsub.f32 v23, v22  }
0x23f: {  	v26 =	vmul.f32 v52, v26;
	v29 =	vadd.f32 v29, v31;
	v21 =	vadd.f32 v21, v30  }
0x240: {  	v11 =	vadd.f32 v25, v11;
	v24 =	vmul.f32 v51, v24;
	v53 =	vmul.f32 v22, v6  }
0x241: {  	v29 =	vsub.f32 v32, v29;
	v21 =	vsub.f32 v23, v21;
	v23 =	vmul.f32 v27, v5  }
0x242: {  	v28 =	vadd.f32 v26, v24;
	v56 =	vmul.f32 v53, v22;
	v22 =	vmul.f32 v20, v10  }
0x243: {  	v25 =	vld [tilespmem:s16+$0x800];
	v10 =	vshra.s32 v11, $0x1;
	v54 =	vmul.f32 v29, v5;
	v55 =	vmul.f32 v21, v6  }
0x244: {  	v23 =	vmul.f32 v23, v27;
	v58 =	vsub.s32 $0x5F3759DF, v10;
	v10 =	vshra.s32 v28, $0x1;
	v27 =	vld [tilespmem:s16+$0x0]  }
0x245: {  	v59 =	vsub.s32 $0x5F3759DF, v10;
	v57 =	vmul.f32 v54, v29;
	v21 =	vmul.f32 v55, v21  }
0x246: {  	v19 =	vmul.f32 v48, v19;
	v29 =	vadd.f32 v56, v23;
	v23 =	vmul.f32 v59, v28  }
0x247: {  	v18 =	vmul.f32 $-1.000000000e+01, v18;
	v30 =	vadd.f32 v21, v57;
	v21 =	vmul.f32 v58, v11  }
0x248: {  	v20 =	vshra.s32 v29, $0x1;
	v49 =	vmul.f32 v59, v23;
	v57 =	vadd.s32 $0x20, v25  }
0x249: {  	v26 =	vld [tilespmem:s16+$0x1800];
	v60 =	vsub.s32 $0x5F3759DF, v20;
	v55 =	vadd.s32 $0x40, v27;
	v21 =	vmul.f32 v58, v21  }
0x24a: {  	v43 =	vadd.s32 $0x60, v25;
	v61 =	vshra.s32 v30, $0x1;
	v62 =	vmul.f32 v60, v29  }
0x24b: {  	v10 =	vpop (erf);
	v52 =	vmul.f32 $5.000000000e-01, v49;
	v63 =	vsub.s32 $0x5F3759DF, v61;
	v51 =	vmul.f32 $5.000000000e-01, v21  }
0x24c: {  	v24 =	vld [tilespmem:s16+$0x2000];
	v54 =	vadd.s32 $0x20, v27;
	v20 =	vpop (erf);
	v50 =	vmul.f32 v63, v30;
	v32 =	vmul.f32 v60, v62  }
0x24d: {  	v56 =	vadd.s32 $0x60, v27;
	v48 =	vpop (erf);
	v34 =	vsub.f32 $1.500000000e+00, v52;
	v40 =	vld.idx.msk [tilespmem:v57+s30+$0x0], $0xffff;
	v37 =	vsub.f32 $1.500000000e+00, v51  }
0x24e: {  	v23 =	vpop (erf);
	v57 =	vadd.s32 $0x80, v26;
	v53 =	vmul.f32 v63, v50;
	v32 =	vmul.f32 $5.000000000e-01, v32;
	v38 =	vld.idx.msk [tilespmem:v55+s30+$0x0], $0xffff  }
0x24f: {  	v21 =	vadd.f32 v23, v48;
	v23 =	vld [tilespmem:s16+$0x1000];
	v34 =	vmul.f32 v59, v34;
	v37 =	vmul.f32 v58, v37  }
0x250: {  	v51 =	vadd.s32 $0x20, v26;
	v35 =	vmul.f32 $5.000000000e-01, v53;
	v32 =	vsub.f32 $1.500000000e+00, v32  }
0x251: {  	v36 =	vld.idx.msk [tilespmem:v54+s30+$0x0], $0xffff;
	v54 =	vadd.s32 $0x20, v24;
	v58 =	vadd.s32 $0x40, v25;
	v59 =	vmul.f32 v37, v11  }
0x252: {  	v35 =	vsub.f32 $1.500000000e+00, v35;
	v31 =	vmul.f32 v60, v32;
	v60 =	vmul.f32 v34, v28  }
0x253: {  	v55 =	vadd.s32 $0x40, v24;
	v32 =	vld.idx.msk [tilespmem:v27+s30+$0x0], $0xffff;
	v40 =	vmul.f32 v40, v15;
	v38 =	vmul.f32 v38, v16  }
0x254: {  	v39 =	vld.idx.msk [tilespmem:v56+s30+$0x0], $0xffff;
	v56 =	vadd.s32 $0xC0, v27;
	v33 =	vmul.f32 v63, v35;
	v42 =	vmul.f32 v59, v37  }
0x255: {  	v53 =	vadd.s32 $0x60, v26;
	v35 =	vld.idx.msk [tilespmem:v25+s30+$0x0], $0xffff;
	v61 =	vmul.f32 v31, v29;
	v44 =	vmul.f32 v60, v34  }
0x256: {  	v63 =	vadd.s32 $0x40, v26;
	v41 =	vld.idx.msk [tilespmem:v58+s30+$0x0], $0xffff;
	v62 =	vmul.f32 v33, v30;
	v42 =	vmul.f32 $5.000000000e-01, v42  }
0x257: {  	v45 =	vadd.s32 $0x20, v23;
	v47 =	vld.idx.msk [tilespmem:v23+s30+$0x0], $0xffff;
	v46 =	vmul.f32 v61, v31;
	v44 =	vmul.f32 $5.000000000e-01, v44  }
0x258: {  	v48 =	vadd.s32 $0x40, v23;
	v32 =	vmul.f32 v32, v15;
	v49 =	vmul.f32 v62, v33  }
0x259: {  	v56 =	vld.idx.msk [tilespmem:v56+s30+$0x0], $0xffff;
	v42 =	vsub.f32 $1.500000000e+00, v42;
	v46 =	vmul.f32 $5.000000000e-01, v46;
	v44 =	vsub.f32 $1.500000000e+00, v44  }
0x25a: {  	v50 =	vadd.s32 $0x60, v23;
	v53 =	vld.idx.msk [tilespmem:v53+s30+$0x0], $0xffff;
	v35 =	vmul.f32 v35, v15;
	v49 =	vmul.f32 $5.000000000e-01, v49  }
0x25b: {  	v63 =	vld.idx.msk [tilespmem:v63+s30+$0x0], $0xffff;
	v37 =	vmul.f32 v42, v37;
	v60 =	vsub.f32 $1.500000000e+00, v46;
	v34 =	vmul.f32 v44, v34  }
0x25c: {  	v46 =	vld.idx.msk [tilespmem:v26+s30+$0x0], $0xffff;
	v41 =	vmul.f32 v41, v16;
	v47 =	vmul.f32 v47, v15;
	v61 =	vsub.f32 $1.500000000e+00, v49  }
0x25d: {  	v52 =	vadd.s32 $0xA0, v23;
	v11 =	vmul.f32 v37, v11;
	v31 =	vmul.f32 v60, v31;
	v37 =	vld.idx.msk [tilespmem:v43+s30+$0x0], $0xffff  }
0x25e: {  	v62 =	vadd.s32 $0x60, v24;
	v28 =	vmul.f32 v34, v28;
	v34 =	vld.idx.msk [tilespmem:v45+s30+$0x0], $0xffff;
	v33 =	vmul.f32 v61, v33  }
0x25f: {  	v42 =	vadd.s32 $0x80, v27;
	v49 =	vld.idx.msk [tilespmem:v24+s30+$0x0], $0xffff;
	v11 =	vmul.f32 $-1.000000000e+01, v11;
	v29 =	vmul.f32 v31, v29  }
0x260: {  	v44 =	vadd.s32 $0x80, v25;
	v31 =	vld.idx.msk [tilespmem:v48+s30+$0x0], $0xffff;
	v28 =	vmul.f32 $-1.000000000e+01, v28;
	v30 =	vmul.f32 v33, v30  }
0x261: {  	v43 =	vadd.s32 $0xA0, v27;
	v48 =	vld.idx.msk [tilespmem:v51+s30+$0x0], $0xffff;
	v11 =	vmul.f32 $1.442695020e+00, v11;
	v29 =	vmul.f32 $-1.000000000e+01, v29  }
0x262: {  	v45 =	vadd.s32 $0xA0, v25;
	v61 =	vld.idx.msk [tilespmem:v55+s30+$0x0], $0xffff;
	v28 =	vmul.f32 $1.442695020e+00, v28;
	v37 =	vmul.f32 v37, v16  }
0x263: {  	v35 =	vadd.f32 v41, v35;
	v33 =	vld.idx.msk [tilespmem:v50+s30+$0x0], $0xffff;
	v34 =	vmul.f32 v34, v15;
	v30 =	vmul.f32 $-1.000000000e+01, v30  }
0x264: {  	v51 =	vld.idx.msk [tilespmem:v57+s30+$0x0], $0xffff;
	v57 =	vadd.s32 $0xC0, v26;
	v29 =	vmul.f32 $1.442695020e+00, v29;
	(erf) = vpow2.f32 v11  }
0x265: {  	v62 =	vld.idx.msk [tilespmem:v62+s30+$0x0], $0xffff;
	(erf) = vpow2.f32 v28;
	v37 =	vadd.f32 v37, v40;
	v40 =	vmul.f32 v63, v16  }
0x266: {  	v28 =	vld.idx.msk [tilespmem:v54+s30+$0x0], $0xffff;
	v54 =	vadd.s32 $0x80, v24;
	v48 =	vmul.f32 v48, v15;
	v63 =	vmul.f32 v53, v16  }
0x267: {  	v42 =	vld.idx.msk [tilespmem:v42+s30+$0x0], $0xffff;
	v58 =	vmul.f32 v61, v16;
	v61 =	vadd.s32 $0xC0, v25;
	v25 =	vadd.s32 $0xE0, v25  }
0x268: {  	v44 =	vld.idx.msk [tilespmem:v44+s30+$0x0], $0xffff;
	v11 =	vmul.f32 $1.442695020e+00, v30;
	v30 =	vadd.s32 $0xA0, v26;
	v33 =	vmul.f32 v33, v16  }
0x269: {  	v50 =	vadd.s32 $0x80, v23;
	v43 =	vld.idx.msk [tilespmem:v43+s30+$0x0], $0xffff;
	(erf) = vpow2.f32 v29;
	v26 =	vadd.s32 $0xE0, v26  }
0x26a: {  	v48 =	vadd.f32 v63, v48;
	v63 =	vadd.s32 $0xC0, v23;
	v33 =	vadd.f32 v33, v34;
	v34 =	vld.idx.msk [tilespmem:v57+s30+$0x0], $0xffff  }
0x26b: {  	[tilespmem:s2+$0x3400] =	vst v8;
	v23 =	vadd.s32 $0xE0, v23;
	(erf) = vpow2.f32 v11;
	v11 =	vmul.f32 v39, v16;
	v41 =	vld.idx.msk [tilespmem:v54+s30+$0x0], $0xffff  }
0x26c: {  	v8 =	vadd.f32 v20, v10;
	v60 =	vmul.f32 v36, v15;
	v46 =	vmul.f32 v46, v15;
	v25 =	vld.idx.msk [tilespmem:v25+s30+$0x0], $0xffff  }
0x26d: {  	v32 =	vadd.f32 v38, v32;
	v28 =	vmul.f32 v28, v15;
	v15 =	vmul.f32 v49, v15;
	v30 =	vld.idx.msk [tilespmem:v30+s30+$0x0], $0xffff  }
0x26e: {  	v55 =	vadd.s32 $0xA0, v24;
	v31 =	vmul.f32 v31, v16;
	v42 =	vmul.f32 v42, v14;
	v26 =	vld.idx.msk [tilespmem:v26+s30+$0x0], $0xffff  }
0x26f: {  	v16 =	vmul.f32 v62, v16;
	v29 =	vadd.f32 v11, v60;
	v11 =	vpop (erf);
	v15 =	vadd.f32 v58, v15;
	v58 =	vld.idx.msk [tilespmem:v61+s30+$0x0], $0xffff  }
0x270: {  	v27 =	vadd.s32 $0xE0, v27;
	v31 =	vadd.f32 v31, v47;
	v40 =	vadd.f32 v40, v46;
	v23 =	vld.idx.msk [tilespmem:v23+s30+$0x0], $0xffff;
	v36 =	vpop (erf)  }
0x271: {  	v45 =	vld.idx.msk [tilespmem:v45+s30+$0x0], $0xffff;
	v32 =	vadd.f32 v42, v32;
	v16 =	vadd.f32 v16, v28;
	v61 =	vmul.f32 v44, v14;
	v59 =	vpop (erf)  }
0x272: {  	v50 =	vld.idx.msk [tilespmem:v50+s30+$0x0], $0xffff;
	v57 =	vmul.f32 v34, v13;
	v39 =	vadd.f32 v59, v36;
	v59 =	vadd.s32 $0xC0, v24  }
0x273: {  	v52 =	vld.idx.msk [tilespmem:v52+s30+$0x0], $0xffff;
	v60 =	vpop (erf);
	v24 =	vadd.s32 $0xE0, v24;
	v41 =	vmul.f32 v41, v14;
	v25 =	vmul.f32 v25, v13  }
0x274: {  	v53 =	vld.idx.msk [tilespmem:v55+s30+$0x0], $0xffff;
	v35 =	vadd.f32 v61, v35;
	v30 =	vmul.f32 v30, v14;
	v26 =	vmul.f32 v26, v13;
	v62 =	vpop (erf)  }
0x275: {  	v27 =	vld.idx.msk [tilespmem:v27+s30+$0x0], $0xffff;
	v54 =	vmul.f32 v58, v13;
	v23 =	vmul.f32 v23, v13;
	v49 =	vadd.f32 v62, v60  }
0x276: {  	v15 =	vadd.f32 v41, v15;
	v60 =	vmul.f32 v43, v14;
	v62 =	vld.idx.msk [tilespmem:v63+s30+$0x0], $0xffff;
	v63 =	vmul.f32 v45, v14  }
0x277: {  	v30 =	vadd.f32 v30, v48;
	v39 =	vadd.f32 v49, v39;
	v49 =	vmul.f32 v50, v14;
	v38 =	vld.idx.msk [tilespmem:v59+s30+$0x0], $0xffff  }
0x278: {  	v29 =	vadd.f32 v60, v29;
	v50 =	vmul.f32 v52, v14;
	v52 =	vmul.f32 v51, v14;
	v24 =	vld.idx.msk [tilespmem:v24+s30+$0x0], $0xffff  }
0x279: {  	v37 =	vadd.f32 v63, v37;
	v14 =	vmul.f32 v53, v14;
	(erf) = vrcp.f32 v39  }
0x27a: {  	v53 =	vmul.f32 v56, v13;
	v26 =	vadd.f32 v26, v30;
	v31 =	vadd.f32 v49, v31  }
0x27b: {  	v33 =	vadd.f32 v50, v33;
	v14 =	vadd.f32 v14, v16;
	v16 =	vmul.f32 v27, v13  }
0x27c: {  	v40 =	vadd.f32 v52, v40;
	v56 =	vmul.f32 v62, v13;
	v58 =	vmul.f32 v38, v13  }
0x27d: {  	v55 =	vadd.f32 v53, v32;
	v24 =	vmul.f32 v24, v13;
	v13 =	vmul.f32 $-1.000000000e+01, v17  }
0x27e: {  	v19 =	vmul.f32 $-1.000000000e+01, v19;
	v27 =	vadd.f32 v54, v35;
	v16 =	vadd.f32 v16, v29  }
0x27f: {  	v23 =	vadd.f32 v23, v33;
	v29 =	vadd.f32 v57, v40;
	v13 =	vmul.f32 $1.442695020e+00, v13  }
0x280: {  	v18 =	vmul.f32 $1.442695020e+00, v18;
	v17 =	vadd.f32 v25, v37;
	v31 =	vadd.f32 v56, v31  }
0x281: {  	v23 =	vsub.f32 v16, v23;
	v61 =	vsub.f32 v55, v29;
	(erf) = vpow2.f32 v13  }
0x282: {  	v15 =	vadd.f32 v58, v15;
	v59 =	vpop (erf);
	(erf) = vpow2.f32 v18;
	v18 =	vmul.f32 $1.442695020e+00, v19  }
0x283: {  	v17 =	vsub.f32 v16, v17;
	v60 =	vsub.f32 v55, v31  }
0x284: {  	v20 =	vmul.f32 v61, v5;
	v19 =	vsub.f32 v55, v27;
	(erf) = vpow2.f32 v18  }
0x285: {  	v13 =	vmul.f32 $-1.000000000e+01, v22;
	v22 =	vadd.f32 v24, v14;
	v62 =	vmul.f32 v17, v6  }
0x286: {  	v14 =	vsub.f32 v55, v15;
	v15 =	vmul.f32 v60, v5;
	v18 =	vmul.f32 v19, v5  }
0x287: {  	v20 =	vmul.f32 v20, v61;
	v63 =	vmul.f32 v62, v17  }
0x288: {  	v26 =	vsub.f32 v16, v26;
	v18 =	vmul.f32 v18, v19;
	v19 =	vmul.f32 v23, v6  }
0x289: {  	v17 =	vmul.f32 v15, v60;
	v15 =	vsub.f32 v16, v22;
	v25 =	vmul.f32 v59, v36  }
0x28a: {  	[tilespmem:s13+$0x3400] =	vst v9;
	v22 =	vmul.f32 v19, v23;
	v23 =	vmul.f32 v26, v6  }
0x28b: {  	[tilespmem:s15+$0x3400] =	vst v12;
	v16 =	vadd.f32 v21, v8;
	v21 =	vmul.f32 v15, v6;
	v19 =	vmul.f32 v14, v5;
	v9 =	vpop (erf)  }
0x28c: {  	s22 =	simm.s32 $0x6;
	v13 =	vmul.f32 $1.442695020e+00, v13;
	[tilespmem:s16+$0x3400] =	vst v25;
	v8 =	vadd.f32 v63, v18;
	v23 =	vmul.f32 v23, v26;
	v18 =	vpop (erf)  }
.LBB2_2:
0x28d: {  	s22 =	sadd.s32 $0x2, s22;
	v12 =	vadd.f32 v22, v17;
	v17 =	vmul.f32 v19, v14;
	v15 =	vmul.f32 v21, v15;
	s17 =	sadd.s32 $0x8, s17;
	v19 =	vpop (erf)  }
0x28e: {  	s21 =	sadd.s32 $0x100, s21;
	s4 =	sshrl.u32 s22, $0x5;
	s31 =	sand.u32 $0x70, s17;
	v21 =	vshra.s32 v8, $0x1;
	v14 =	vadd.f32 v23, v20;
	(erf) = vpow2.f32 v13  }
0x28f: {  	s6 =	sand.u32 $0x100, s21;
	s5 =	sshll.u32 s4, $0x8;
	s4 =	sshll.u32 s4, $0x9;
	v23 =	vsub.s32 $0x5F3759DF, v21;
	v13 =	vshra.s32 v12, $0x1;
	v15 =	vadd.f32 v15, v17  }
0x290: {  	p0 =	slt.u32 s22, $0x7E;
	s5 =	sor.u32 s31, s5;
	s4 =	sor.u32 s6, s4;
	v20 =	vmul.f32 v23, v8;
	v24 =	vsub.s32 $0x5F3759DF, v13;
	v13 =	vshra.s32 v14, $0x1  }
0x291: {  	v17 =	vld [tilespmem:s5+$0x2880];
	s4 =	sor.u32 s31, s4;
	v21 =	vmul.f32 v24, v12;
	v25 =	vsub.s32 $0x5F3759DF, v13;
	v13 =	vshra.s32 v15, $0x1  }
0x292: {  	v26 =	vld [tilespmem:s4+$0x80];
	v20 =	vmul.f32 v23, v20;
	v27 =	vmul.f32 v25, v14;
	v28 =	vsub.s32 $0x5F3759DF, v13  }
0x293: {  	v13 =	vadd.f32 v18, v9;
	v29 =	vld [tilespmem:s4+$0x880];
	v30 =	vmul.f32 v24, v21;
	v31 =	vmul.f32 v28, v15  }
0x294: {  	v22 =	vld [tilespmem:s4+$0x1080];
	v18 =	vmul.f32 $5.000000000e-01, v20;
	v27 =	vmul.f32 v25, v27  }
0x295: {  	v21 =	vld [tilespmem:s4+$0x1880];
	v30 =	vmul.f32 $5.000000000e-01, v30;
	v31 =	vmul.f32 v28, v31  }
0x296: {  	v20 =	vld [tilespmem:s4+$0x2080];
	v18 =	vsub.f32 $1.500000000e+00, v18;
	v27 =	vmul.f32 $5.000000000e-01, v27;
	(erf) = vrcp.f32 v16  }
0x297: {  	v11 =	vmul.f32 v11, v7;
	v32 =	vld [tilespmem:s5+$0x2C00];
	v30 =	vsub.f32 $1.500000000e+00, v30;
	v31 =	vmul.f32 $5.000000000e-01, v31;
	v16 =	vpop (erf)  }
0x298: {  	v7 =	vmovc v10;
	v10 =	vmovc v9;
	v33 =	vld [tilespmem:s5+$0x2C80];
	v18 =	vmul.f32 v23, v18;
	v23 =	vsub.f32 $1.500000000e+00, v27;
	v16 =	vadd.f32 v16, v19  }
0x299: {  	v19 =	vld [tilespmem:s5+$0x2800];
	v9 =	vmul.f32 v24, v30;
	v24 =	vsub.f32 $1.500000000e+00, v31;
	[tilespmem:s2+$0x3380] =	vst v11;
	s2 =	smov.u32 s13;
	s13 =	smov.u32 s15;
	s15 =	smov.u32 s16  }
0x29a: {  	v11 =	vadd.s32 $0xC0, v26;
	s16 =	smov.u32 s4;
	v27 =	vld.idx.msk [tilespmem:v26+s30+$0x0], $0xffff;
	v30 =	vmul.f32 v18, v8;
	v23 =	vmul.f32 v25, v23  }
0x29b: {  	v25 =	vadd.s32 $0xE0, v26;
	v31 =	vld.idx.msk [tilespmem:v29+s30+$0x0], $0xffff;
	v34 =	vmul.f32 v9, v12;
	v24 =	vmul.f32 v28, v24  }
0x29c: {  	v28 =	vadd.s32 $0xC0, v29;
	v35 =	vld.idx.msk [tilespmem:v22+s30+$0x0], $0xffff;
	v30 =	vmul.f32 v30, v18;
	v36 =	vmul.f32 v23, v14  }
0x29d: {  	v37 =	vadd.s32 $0xE0, v29;
	v38 =	vld.idx.msk [tilespmem:v21+s30+$0x0], $0xffff;
	v34 =	vmul.f32 v34, v9;
	v39 =	vmul.f32 v24, v15  }
0x29e: {  	v40 =	vadd.s32 $0xC0, v22;
	v41 =	vld.idx.msk [tilespmem:v20+s30+$0x0], $0xffff;
	v30 =	vmul.f32 $5.000000000e-01, v30;
	v36 =	vmul.f32 v36, v23  }
0x29f: {  	v42 =	vadd.s32 $0x80, v26;
	v43 =	vld.idx.msk [tilespmem:v11+s30+$0x0], $0xffff;
	v34 =	vmul.f32 $5.000000000e-01, v34;
	v39 =	vmul.f32 v39, v24;
	v11 =	vpop (erf)  }
0x2a0: {  	v44 =	vadd.s32 $0xA0, v26;
	v25 =	vld.idx.msk [tilespmem:v25+s30+$0x0], $0xffff;
	v30 =	vsub.f32 $1.500000000e+00, v30;
	v36 =	vmul.f32 $5.000000000e-01, v36  }
0x2a1: {  	v45 =	vadd.s32 $0x80, v29;
	v28 =	vld.idx.msk [tilespmem:v28+s30+$0x0], $0xffff;
	v34 =	vsub.f32 $1.500000000e+00, v34;
	v39 =	vmul.f32 $5.000000000e-01, v39  }
0x2a2: {  	v46 =	vadd.s32 $0xA0, v29;
	v37 =	vld.idx.msk [tilespmem:v37+s30+$0x0], $0xffff;
	v18 =	vmul.f32 v30, v18;
	v30 =	vsub.f32 $1.500000000e+00, v36  }
0x2a3: {  	v36 =	vadd.s32 $0x80, v22;
	v40 =	vld.idx.msk [tilespmem:v40+s30+$0x0], $0xffff;
	v9 =	vmul.f32 v34, v9;
	v34 =	vsub.f32 $1.500000000e+00, v39  }
0x2a4: {  	v39 =	vadd.s32 $0x20, v26;
	v42 =	vld.idx.msk [tilespmem:v42+s30+$0x0], $0xffff;
	v8 =	vmul.f32 v18, v8;
	v18 =	vmul.f32 v30, v23  }
0x2a5: {  	v23 =	vadd.s32 $0x40, v26;
	v30 =	vld.idx.msk [tilespmem:v44+s30+$0x0], $0xffff;
	v9 =	vmul.f32 v9, v12;
	v12 =	vmul.f32 v34, v24  }
0x2a6: {  	v24 =	vadd.s32 $0x60, v26;
	v26 =	vld.idx.msk [tilespmem:v45+s30+$0x0], $0xffff;
	v8 =	vmul.f32 $-1.000000000e+01, v8;
	v14 =	vmul.f32 v18, v14  }
0x2a7: {  	v34 =	vadd.s32 $0x20, v29;
	v44 =	vld.idx.msk [tilespmem:v46+s30+$0x0], $0xffff;
	v9 =	vmul.f32 $-1.000000000e+01, v9;
	v12 =	vmul.f32 v12, v15  }
0x2a8: {  	v45 =	vadd.s32 $0x40, v29;
	v36 =	vld.idx.msk [tilespmem:v36+s30+$0x0], $0xffff;
	v8 =	vmul.f32 $1.442695020e+00, v8;
	v18 =	vmul.f32 $-1.000000000e+01, v14  }
0x2a9: {  	v29 =	vadd.s32 $0x60, v29;
	v39 =	vld.idx.msk [tilespmem:v39+s30+$0x0], $0xffff;
	v9 =	vmul.f32 $1.442695020e+00, v9;
	v14 =	vmul.f32 $-1.000000000e+01, v12  }
0x2aa: {  	v15 =	vmul.f32 v17, v33;
	v46 =	vadd.s32 $0x20, v22;
	v23 =	vld.idx.msk [tilespmem:v23+s30+$0x0], $0xffff;
	v12 =	vmul.f32 $1.442695020e+00, v18  }
0x2ab: {  	v17 =	vmul.f32 v17, v32;
	v18 =	vmul.f32 v19, v32;
	v32 =	vadd.s32 $0x40, v22;
	v24 =	vld.idx.msk [tilespmem:v24+s30+$0x0], $0xffff  }
0x2ac: {  	v47 =	vadd.s32 $0xE0, v22;
	v19 =	vmul.f32 v19, v33;
	v33 =	vld.idx.msk [tilespmem:v34+s30+$0x0], $0xffff;
	v34 =	vadd.s32 $0x60, v22  }
0x2ad: {  	v48 =	vadd.s32 $0x20, v21;
	v49 =	vadd.s32 $0xC0, v21;
	v27 =	vmul.f32 v27, v18;
	v45 =	vld.idx.msk [tilespmem:v45+s30+$0x0], $0xffff  }
0x2ae: {  	v50 =	vadd.s32 $0x40, v21;
	v31 =	vmul.f32 v31, v18;
	v35 =	vmul.f32 v35, v18;
	v29 =	vld.idx.msk [tilespmem:v29+s30+$0x0], $0xffff  }
0x2af: {  	v51 =	vadd.s32 $0x60, v21;
	v38 =	vmul.f32 v38, v18;
	v41 =	vmul.f32 v41, v18;
	v46 =	vld.idx.msk [tilespmem:v46+s30+$0x0], $0xffff  }
0x2b0: {  	v43 =	vmul.f32 v43, v15;
	v52 =	vmul.f32 v25, v15;
	v25 =	vld.idx.msk [tilespmem:v32+s30+$0x0], $0xffff;
	v32 =	vadd.s32 $0x40, v20  }
0x2b1: {  	v53 =	vmul.f32 v28, v15;
	v37 =	vmul.f32 v37, v15;
	v28 =	vld.idx.msk [tilespmem:v34+s30+$0x0], $0xffff;
	v34 =	vadd.s32 $0x20, v20  }
0x2b2: {  	v54 =	vadd.s32 $0x60, v20;
	v42 =	vmul.f32 v42, v17;
	v40 =	vmul.f32 v40, v15;
	v48 =	vld.idx.msk [tilespmem:v48+s30+$0x0], $0xffff  }
0x2b3: {  	v30 =	vmul.f32 v30, v17;
	v26 =	vmul.f32 v26, v17;
	v22 =	vadd.s32 $0xA0, v22;
	v50 =	vld.idx.msk [tilespmem:v50+s30+$0x0], $0xffff  }
0x2b4: {  	v55 =	vadd.s32 $0x80, v21;
	v44 =	vmul.f32 v44, v17;
	v36 =	vmul.f32 v36, v17;
	v51 =	vld.idx.msk [tilespmem:v51+s30+$0x0], $0xffff  }
0x2b5: {  	v56 =	vadd.s32 $0xA0, v21;
	v39 =	vmul.f32 v39, v18;
	v23 =	vmul.f32 v23, v19;
	v32 =	vld.idx.msk [tilespmem:v32+s30+$0x0], $0xffff  }
0x2b6: {  	v57 =	vadd.s32 $0x80, v20;
	v24 =	vmul.f32 v24, v19;
	v45 =	vmul.f32 v45, v19;
	v34 =	vld.idx.msk [tilespmem:v34+s30+$0x0], $0xffff  }
0x2b7: {  	v58 =	vadd.s32 $0xA0, v20;
	v33 =	vmul.f32 v33, v18;
	v29 =	vmul.f32 v29, v19;
	v54 =	vld.idx.msk [tilespmem:v54+s30+$0x0], $0xffff  }
0x2b8: {  	v21 =	vadd.s32 $0xE0, v21;
	v46 =	vmul.f32 v46, v18;
	v25 =	vmul.f32 v25, v19;
	v22 =	vld.idx.msk [tilespmem:v22+s30+$0x0], $0xffff  }
0x2b9: {  	v59 =	vadd.s32 $0xC0, v20;
	v28 =	vmul.f32 v28, v19;
	v50 =	vmul.f32 v50, v19;
	v55 =	vld.idx.msk [tilespmem:v55+s30+$0x0], $0xffff  }
0x2ba: {  	v20 =	vadd.s32 $0xE0, v20;
	v48 =	vmul.f32 v48, v18;
	v51 =	vmul.f32 v51, v19;
	v56 =	vld.idx.msk [tilespmem:v56+s30+$0x0], $0xffff  }
0x2bb: {  	v23 =	vadd.f32 v23, v27;
	v24 =	vadd.f32 v24, v39;
	v32 =	vmul.f32 v32, v19;
	v27 =	vld.idx.msk [tilespmem:v57+s30+$0x0], $0xffff  }
0x2bc: {  	v31 =	vadd.f32 v45, v31;
	v29 =	vadd.f32 v29, v33;
	v34 =	vmul.f32 v34, v18;
	v33 =	vld.idx.msk [tilespmem:v58+s30+$0x0], $0xffff  }
0x2bd: {  	v25 =	vadd.f32 v25, v35;
	v28 =	vadd.f32 v28, v46;
	v35 =	vmul.f32 v54, v19;
	v39 =	vld.idx.msk [tilespmem:v47+s30+$0x0], $0xffff  }
0x2be: {  	v38 =	vadd.f32 v50, v38;
	v46 =	vadd.f32 v51, v48;
	v22 =	vmul.f32 v22, v17;
	v45 =	vld.idx.msk [tilespmem:v49+s30+$0x0], $0xffff  }
0x2bf: {  	v32 =	vadd.f32 v32, v41;
	v47 =	vmul.f32 v55, v17;
	v34 =	vadd.f32 v35, v34;
	v21 =	vld.idx.msk [tilespmem:v21+s30+$0x0], $0xffff  }
0x2c0: {  	v23 =	vadd.f32 v42, v23;
	v30 =	vadd.f32 v30, v24;
	v24 =	vmul.f32 v56, v17;
	v35 =	vld.idx.msk [tilespmem:v59+s30+$0x0], $0xffff  }
0x2c1: {  	v26 =	vadd.f32 v26, v31;
	v31 =	vadd.f32 v44, v29;
	v27 =	vmul.f32 v27, v17;
	v20 =	vld.idx.msk [tilespmem:v20+s30+$0x0], $0xffff  }
0x2c2: {  	v36 =	vadd.f32 v36, v25;
	v22 =	vadd.f32 v22, v28;
	v33 =	vmul.f32 v33, v17;
	v29 =	vld [tilespmem:s16+$0x0]  }
0x2c3: {  	v38 =	vadd.f32 v47, v38;
	v41 =	vadd.f32 v24, v46;
	v39 =	vmul.f32 v39, v15;
	v28 =	vld [tilespmem:s16+$0x800]  }
0x2c4: {  	v27 =	vadd.f32 v27, v32;
	v42 =	vmul.f32 v45, v15;
	v32 =	vadd.f32 v33, v34;
	v25 =	vld [tilespmem:s16+$0x1000]  }
0x2c5: {  	v33 =	vadd.f32 v43, v23;
	v34 =	vadd.f32 v52, v30;
	v21 =	vmul.f32 v21, v15;
	v24 =	vld [tilespmem:s16+$0x1800]  }
0x2c6: {  	v26 =	vadd.f32 v53, v26;
	v30 =	vadd.f32 v37, v31;
	v31 =	vmul.f32 v35, v15;
	v23 =	vld [tilespmem:s16+$0x2000]  }
0x2c7: {  	v22 =	vadd.f32 v39, v22;
	v35 =	vadd.f32 v40, v36;
	v20 =	vmul.f32 v20, v15  }
0x2c8: {  	v37 =	vadd.f32 v42, v38;
	v38 =	vadd.f32 v21, v41;
	v36 =	vadd.s32 $0x20, v29  }
0x2c9: {  	v39 =	vadd.s32 $0x40, v29;
	v27 =	vadd.f32 v31, v27;
	v31 =	vadd.f32 v20, v32  }
0x2ca: {  	v26 =	vsub.f32 v33, v26;
	v40 =	vsub.f32 v34, v30;
	v32 =	vadd.s32 $0x60, v29;
	v20 =	vld.idx.msk [tilespmem:v29+s30+$0x0], $0xffff  }
0x2cb: {  	v42 =	vsub.f32 v34, v22;
	v35 =	vsub.f32 v33, v35;
	v41 =	vadd.s32 $0x20, v28;
	v21 =	vld.idx.msk [tilespmem:v28+s30+$0x0], $0xffff  }
0x2cc: {  	v37 =	vsub.f32 v33, v37;
	v43 =	vadd.s32 $0x40, v28;
	v38 =	vsub.f32 v34, v38;
	v22 =	vld.idx.msk [tilespmem:v25+s30+$0x0], $0xffff  }
0x2cd: {  	v44 =	vmul.f32 v40, v6;
	v45 =	vsub.f32 v33, v27;
	v30 =	vld.idx.msk [tilespmem:v36+s30+$0x0], $0xffff;
	v36 =	vmul.f32 v26, v5  }
0x2ce: {  	v27 =	vmul.f32 v35, v5;
	v46 =	vsub.f32 v34, v31;
	v33 =	vld.idx.msk [tilespmem:v39+s30+$0x0], $0xffff;
	v39 =	vmul.f32 v42, v6  }
0x2cf: {  	v47 =	vadd.s32 $0x60, v28;
	v48 =	vmul.f32 v37, v5;
	v49 =	vmul.f32 v38, v6;
	v31 =	vld.idx.msk [tilespmem:v32+s30+$0x0], $0xffff  }
0x2d0: {  	v50 =	vmul.f32 v45, v5;
	v51 =	vmul.f32 v46, v6;
	v32 =	vld.idx.msk [tilespmem:v41+s30+$0x0], $0xffff;
	v41 =	vadd.s32 $0x20, v25  }
0x2d1: {  	v40 =	vmul.f32 v44, v40;
	v36 =	vmul.f32 v36, v26;
	v34 =	vld.idx.msk [tilespmem:v43+s30+$0x0], $0xffff;
	v43 =	vadd.s32 $0x40, v25  }
0x2d2: {  	v44 =	vadd.s32 $0x60, v25;
	v52 =	vmul.f32 v27, v35;
	v39 =	vmul.f32 v39, v42;
	v26 =	vld.idx.msk [tilespmem:v24+s30+$0x0], $0xffff  }
0x2d3: {  	v37 =	vmul.f32 v48, v37;
	v38 =	vmul.f32 v49, v38;
	v40 =	vadd.f32 v40, v36;
	v27 =	vld.idx.msk [tilespmem:v23+s30+$0x0], $0xffff  }
0x2d4: {  	v42 =	vadd.f32 v39, v52;
	v39 =	vmul.f32 v50, v45;
	v45 =	vmul.f32 v51, v46;
	v35 =	vld.idx.msk [tilespmem:v47+s30+$0x0], $0xffff  }
0x2d5: {  	v46 =	vshra.s32 v40, $0x1;
	v47 =	vadd.f32 v38, v37;
	v36 =	vld.idx.msk [tilespmem:v41+s30+$0x0], $0xffff;
	v41 =	vadd.s32 $0x20, v24  }
0x2d6: {  	v45 =	vadd.f32 v45, v39;
	v37 =	vld.idx.msk [tilespmem:v43+s30+$0x0], $0xffff;
	v43 =	vsub.s32 $0x5F3759DF, v46;
	v46 =	vshra.s32 v42, $0x1  }
0x2d7: {  	v38 =	vld.idx.msk [tilespmem:v44+s30+$0x0], $0xffff;
	v39 =	vmul.f32 v43, v40;
	v44 =	vsub.s32 $0x5F3759DF, v46;
	v46 =	vshra.s32 v47, $0x1  }
0x2d8: {  	v49 =	vshra.s32 v45, $0x1;
	v48 =	vmul.f32 v44, v42;
	v46 =	vsub.s32 $0x5F3759DF, v46  }
0x2d9: {  	v49 =	vsub.s32 $0x5F3759DF, v49;
	v50 =	vmul.f32 v43, v39;
	v51 =	vmul.f32 v46, v47  }
0x2da: {  	v52 =	vmul.f32 v49, v45;
	v39 =	vld.idx.msk [tilespmem:v41+s30+$0x0], $0xffff;
	v41 =	vadd.s32 $0x40, v24;
	v48 =	vmul.f32 v44, v48  }
0x2db: {  	v53 =	vadd.s32 $0x60, v24;
	v50 =	vmul.f32 $5.000000000e-01, v50;
	v51 =	vmul.f32 v46, v51  }
0x2dc: {  	v54 =	vadd.s32 $0x20, v23;
	v52 =	vmul.f32 v49, v52;
	v48 =	vmul.f32 $5.000000000e-01, v48  }
0x2dd: {  	v55 =	vadd.s32 $0x40, v23;
	v50 =	vsub.f32 $1.500000000e+00, v50;
	v51 =	vmul.f32 $5.000000000e-01, v51  }
0x2de: {  	v56 =	vadd.s32 $0x60, v23;
	v52 =	vmul.f32 $5.000000000e-01, v52;
	v48 =	vsub.f32 $1.500000000e+00, v48  }
0x2df: {  	v57 =	vadd.s32 $0x80, v29;
	v41 =	vld.idx.msk [tilespmem:v41+s30+$0x0], $0xffff;
	v43 =	vmul.f32 v43, v50;
	v50 =	vsub.f32 $1.500000000e+00, v51  }
0x2e0: {  	v51 =	vadd.s32 $0xA0, v29;
	v53 =	vld.idx.msk [tilespmem:v53+s30+$0x0], $0xffff;
	v44 =	vmul.f32 v44, v48;
	v48 =	vsub.f32 $1.500000000e+00, v52  }
0x2e1: {  	v52 =	vadd.s32 $0x80, v28;
	v54 =	vld.idx.msk [tilespmem:v54+s30+$0x0], $0xffff;
	v58 =	vmul.f32 v43, v40;
	v46 =	vmul.f32 v46, v50  }
0x2e2: {  	v50 =	vadd.s32 $0xA0, v28;
	v55 =	vld.idx.msk [tilespmem:v55+s30+$0x0], $0xffff;
	v59 =	vmul.f32 v44, v42;
	v48 =	vmul.f32 v49, v48  }
0x2e3: {  	v49 =	vadd.s32 $0x80, v25;
	v56 =	vld.idx.msk [tilespmem:v56+s30+$0x0], $0xffff;
	v58 =	vmul.f32 v58, v43;
	v60 =	vmul.f32 v46, v47  }
0x2e4: {  	v61 =	vadd.s32 $0xA0, v25;
	v57 =	vld.idx.msk [tilespmem:v57+s30+$0x0], $0xffff;
	v59 =	vmul.f32 v59, v44;
	v62 =	vmul.f32 v48, v45  }
0x2e5: {  	v63 =	vadd.s32 $0x80, v24;
	v51 =	vld.idx.msk [tilespmem:v51+s30+$0x0], $0xffff;
	v58 =	vmul.f32 $5.000000000e-01, v58;
	v60 =	vmul.f32 v60, v46  }
0x2e6: {  	v4 =	vadd.s32 $0xA0, v24;
	v52 =	vld.idx.msk [tilespmem:v52+s30+$0x0], $0xffff;
	v59 =	vmul.f32 $5.000000000e-01, v59;
	v62 =	vmul.f32 v62, v48  }
0x2e7: {  	v0 =	vadd.s32 $0x80, v23;
	v50 =	vld.idx.msk [tilespmem:v50+s30+$0x0], $0xffff;
	v58 =	vsub.f32 $1.500000000e+00, v58;
	v60 =	vmul.f32 $5.000000000e-01, v60  }
0x2e8: {  	v1 =	vadd.s32 $0xA0, v23;
	v49 =	vld.idx.msk [tilespmem:v49+s30+$0x0], $0xffff;
	v59 =	vsub.f32 $1.500000000e+00, v59;
	v62 =	vmul.f32 $5.000000000e-01, v62  }
0x2e9: {  	v2 =	vadd.s32 $0xC0, v29;
	v61 =	vld.idx.msk [tilespmem:v61+s30+$0x0], $0xffff;
	v43 =	vmul.f32 v58, v43;
	v58 =	vsub.f32 $1.500000000e+00, v60  }
0x2ea: {  	v29 =	vadd.s32 $0xE0, v29;
	v60 =	vld.idx.msk [tilespmem:v63+s30+$0x0], $0xffff;
	v44 =	vmul.f32 v59, v44;
	v59 =	vsub.f32 $1.500000000e+00, v62  }
0x2eb: {  	v62 =	vadd.s32 $0xC0, v28;
	v4 =	vld.idx.msk [tilespmem:v4+s30+$0x0], $0xffff;
	v40 =	vmul.f32 v43, v40;
	v43 =	vmul.f32 v58, v46  }
0x2ec: {  	v28 =	vadd.s32 $0xE0, v28;
	v0 =	vld.idx.msk [tilespmem:v0+s30+$0x0], $0xffff;
	v42 =	vmul.f32 v44, v42;
	v44 =	vmul.f32 v59, v48  }
0x2ed: {  	v46 =	vadd.s32 $0xC0, v25;
	v1 =	vld.idx.msk [tilespmem:v1+s30+$0x0], $0xffff;
	v40 =	vmul.f32 $-1.000000000e+01, v40;
	v43 =	vmul.f32 v43, v47  }
0x2ee: {  	v25 =	vadd.s32 $0xE0, v25;
	v2 =	vld.idx.msk [tilespmem:v2+s30+$0x0], $0xffff;
	v42 =	vmul.f32 $-1.000000000e+01, v42;
	v44 =	vmul.f32 v44, v45  }
0x2ef: {  	v45 =	vadd.s32 $0xC0, v24;
	v29 =	vld.idx.msk [tilespmem:v29+s30+$0x0], $0xffff;
	v40 =	vmul.f32 $1.442695020e+00, v40;
	v43 =	vmul.f32 $-1.000000000e+01, v43  }
0x2f0: {  	v24 =	vadd.s32 $0xE0, v24;
	v47 =	vld.idx.msk [tilespmem:v62+s30+$0x0], $0xffff;
	v42 =	vmul.f32 $1.442695020e+00, v42;
	v44 =	vmul.f32 $-1.000000000e+01, v44  }
0x2f1: {  	v48 =	vadd.s32 $0xC0, v23;
	v28 =	vld.idx.msk [tilespmem:v28+s30+$0x0], $0xffff;
	v43 =	vmul.f32 $1.442695020e+00, v43;
	(erf) = vpow2.f32 v40  }
0x2f2: {  	v23 =	vadd.s32 $0xE0, v23;
	v40 =	vld.idx.msk [tilespmem:v46+s30+$0x0], $0xffff;
	v44 =	vmul.f32 $1.442695020e+00, v44;
	(erf) = vpow2.f32 v42  }
0x2f3: {  	v16 =	vadd.f32 v16, v13;
	v33 =	vmul.f32 v33, v19;
	v25 =	vld.idx.msk [tilespmem:v25+s30+$0x0], $0xffff;
	(erf) = vpow2.f32 v43  }
0x2f4: {  	v13 =	vmul.f32 v30, v18;
	v30 =	vld.idx.msk [tilespmem:v45+s30+$0x0], $0xffff;
	(erf) = vpow2.f32 v44  }
0x2f5: {  	v31 =	vmul.f32 v31, v19;
	v34 =	vmul.f32 v34, v19;
	v24 =	vld.idx.msk [tilespmem:v24+s30+$0x0], $0xffff  }
0x2f6: {  	v32 =	vmul.f32 v32, v18;
	v35 =	vmul.f32 v35, v19;
	v42 =	vld.idx.msk [tilespmem:v48+s30+$0x0], $0xffff  }
0x2f7: {  	v13 =	vadd.f32 v31, v13;
	v36 =	vmul.f32 v36, v18;
	v31 =	vmul.f32 v37, v19;
	v23 =	vld.idx.msk [tilespmem:v23+s30+$0x0], $0xffff  }
0x2f8: {  	v32 =	vadd.f32 v35, v32;
	v35 =	vmul.f32 v38, v19;
	v37 =	vmul.f32 v41, v19  }
0x2f9: {  	v38 =	vmul.f32 v39, v18;
	v45 =	vmul.f32 v53, v19  }
0x2fa: {  	v35 =	vadd.f32 v35, v36;
	v41 =	vmul.f32 v54, v18;
	v36 =	vmul.f32 v55, v19;
	v43 =	vpop (erf)  }
0x2fb: {  	v20 =	vmul.f32 v20, v18;
	v19 =	vmul.f32 v56, v19;
	v38 =	vadd.f32 v45, v38;
	v39 =	vpop (erf)  }
0x2fc: {  	v21 =	vmul.f32 v21, v18;
	v22 =	vmul.f32 v22, v18;
	v44 =	vpop (erf)  }
0x2fd: {  	v20 =	vadd.f32 v33, v20;
	v26 =	vmul.f32 v26, v18;
	v18 =	vmul.f32 v27, v18;
	v27 =	vpop (erf)  }
0x2fe: {  	v33 =	vmul.f32 v57, v17;
	v39 =	vadd.f32 v39, v43;
	v27 =	vadd.f32 v27, v44  }
0x2ff: {  	v21 =	vadd.f32 v34, v21;
	v22 =	vadd.f32 v31, v22;
	v44 =	vmul.f32 v51, v17  }
0x300: {  	v26 =	vadd.f32 v37, v26;
	v31 =	vmul.f32 v52, v17;
	v27 =	vadd.f32 v27, v39  }
0x301: {  	v18 =	vadd.f32 v36, v18;
	v34 =	vmul.f32 v50, v17;
	v19 =	vadd.f32 v19, v41  }
0x302: {  	v20 =	vadd.f32 v33, v20;
	v33 =	vmul.f32 v49, v17;
	(erf) = vrcp.f32 v27  }
0x303: {  	v36 =	vmul.f32 v60, v17;
	v13 =	vadd.f32 v44, v13;
	v27 =	vmul.f32 v61, v17  }
0x304: {  	v21 =	vadd.f32 v31, v21;
	v4 =	vmul.f32 v4, v17;
	v0 =	vmul.f32 v0, v17  }
0x305: {  	v31 =	vadd.f32 v34, v32;
	v22 =	vadd.f32 v33, v22;
	v1 =	vmul.f32 v1, v17  }
0x306: {  	v26 =	vadd.f32 v36, v26;
	v2 =	vmul.f32 v2, v15;
	v17 =	vadd.f32 v27, v35  }
0x307: {  	v0 =	vadd.f32 v0, v18;
	v4 =	vadd.f32 v4, v38;
	v27 =	vmul.f32 v29, v15  }
0x308: {  	v18 =	vmul.f32 v47, v15;
	v28 =	vmul.f32 v28, v15;
	v1 =	vadd.f32 v1, v19  }
0x309: {  	v2 =	vadd.f32 v2, v20;
	v19 =	vmul.f32 v40, v15;
	v20 =	vmul.f32 v25, v15  }
0x30a: {  	v24 =	vmul.f32 v24, v15;
	v25 =	vadd.f32 v27, v13;
	v13 =	vmul.f32 v30, v15  }
0x30b: {  	v18 =	vadd.f32 v18, v21;
	v21 =	vmul.f32 v42, v15;
	v15 =	vmul.f32 v23, v15;
	v23 =	vpop (erf)  }
0x30c: {  	v19 =	vadd.f32 v19, v22;
	v27 =	vadd.f32 v28, v31;
	v22 =	vmul.f32 v23, v43  }
0x30d: {  	v17 =	vadd.f32 v20, v17;
	v20 =	vadd.f32 v13, v26;
	v13 =	vmul.f32 $1.442695020e+00, v14  }
0x30e: {  	v4 =	vadd.f32 v24, v4;
	v0 =	vadd.f32 v21, v0;
	[tilespmem:s16+$0x3400] =	vst v22;
	(erf) = vpow2.f32 v8  }
0x30f: {  	v1 =	vadd.f32 v15, v1;
	v8 =	vsub.f32 v2, v18;
	(erf) = vpow2.f32 v9  }
0x310: {  	v18 =	vsub.f32 v2, v19;
	v9 =	vsub.f32 v25, v27;
	(erf) = vpow2.f32 v12  }
0x311: {  	v20 =	vsub.f32 v2, v20;
	v22 =	vsub.f32 v25, v17;
	v12 =	vmul.f32 v8, v5  }
0x312: {  	v4 =	vsub.f32 v25, v4;
	v14 =	vsub.f32 v2, v0;
	v17 =	vmul.f32 v9, v6  }
0x313: {  	v15 =	vsub.f32 v25, v1;
	v0 =	vmul.f32 v18, v5;
	v2 =	vmul.f32 v22, v6  }
.Ltmp0:
0x314: {  	v1 =	vmul.f32 v20, v5;
	v23 =	vmul.f32 v4, v6;
	(pc) =	sbr.rel @p0 .LBB2_2-.Ltmp0, $4  }
0x315: {  	v21 =	vmul.f32 v15, v6;
	v19 =	vmul.f32 v14, v5  }
0x316: {  	v8 =	vmul.f32 v12, v8;
	v12 =	vmul.f32 v17, v9  }
0x317: {  	v22 =	vmul.f32 v2, v22;
	v17 =	vmul.f32 v0, v18;
	v9 =	vpop (erf)  }
0x318: {  	v20 =	vmul.f32 v1, v20;
	v23 =	vmul.f32 v23, v4;
	v8 =	vadd.f32 v12, v8;
	v18 =	vpop (erf)  }
0x319: {  	v0 =	vadd.f32 v22, v17;
	v1 =	vmul.f32 v19, v14;
	v2 =	vmul.f32 v21, v15  }
0x31a: {  	v4 =	vshra.s32 v8, $0x1;
	v5 =	vadd.f32 v23, v20  }
0x31b: {  	v4 =	vsub.s32 $0x5F3759DF, v4;
	v6 =	vshra.s32 v0, $0x1;
	v1 =	vadd.f32 v2, v1  }
0x31c: {  	v2 =	vmul.f32 v4, v8;
	v6 =	vsub.s32 $0x5F3759DF, v6;
	v12 =	vshra.s32 v5, $0x1  }
0x31d: {  	v49 =	vmul.f32 v6, v0;
	v12 =	vsub.s32 $0x5F3759DF, v12;
	v50 =	vshra.s32 v1, $0x1  }
0x31e: {  	v2 =	vmul.f32 v4, v2;
	v51 =	vmul.f32 v12, v5;
	v15 =	vsub.s32 $0x5F3759DF, v50  }
0x31f: {  	v14 =	vmul.f32 v6, v49;
	v52 =	vmul.f32 v15, v1  }
0x320: {  	v2 =	vmul.f32 $5.000000000e-01, v2;
	v17 =	vmul.f32 v12, v51  }
0x321: {  	v14 =	vmul.f32 $5.000000000e-01, v14;
	v19 =	vmul.f32 v15, v52  }
0x322: {  	v2 =	vsub.f32 $1.500000000e+00, v2;
	v17 =	vmul.f32 $5.000000000e-01, v17  }
0x323: {  	v14 =	vsub.f32 $1.500000000e+00, v14;
	v19 =	vmul.f32 $5.000000000e-01, v19  }
0x324: {  	v2 =	vmul.f32 v4, v2;
	v4 =	vsub.f32 $1.500000000e+00, v17  }
0x325: {  	v6 =	vmul.f32 v6, v14;
	v53 =	vsub.f32 $1.500000000e+00, v19  }
0x326: {  	v54 =	vmul.f32 v2, v8;
	v4 =	vmul.f32 v12, v4  }
0x327: {  	v55 =	vmul.f32 v6, v0;
	v14 =	vmul.f32 v15, v53  }
0x328: {  	v56 =	vmul.f32 v54, v2;
	v57 =	vmul.f32 v4, v5  }
0x329: {  	v12 =	vmul.f32 v55, v6;
	v58 =	vmul.f32 v14, v1  }
0x32a: {  	v15 =	vmul.f32 $5.000000000e-01, v56;
	v17 =	vmul.f32 v57, v4  }
0x32b: {  	v12 =	vmul.f32 $5.000000000e-01, v12;
	v19 =	vmul.f32 v58, v14  }
0x32c: {  	v15 =	vsub.f32 $1.500000000e+00, v15;
	v17 =	vmul.f32 $5.000000000e-01, v17  }
0x32d: {  	v12 =	vsub.f32 $1.500000000e+00, v12;
	v19 =	vmul.f32 $5.000000000e-01, v19  }
0x32e: {  	(erf) = vpow2.f32 v13;
	v2 =	vmul.f32 v15, v2;
	v59 =	vsub.f32 $1.500000000e+00, v17  }
0x32f: {  	(erf) = vrcp.f32 v16;
	v6 =	vmul.f32 v12, v6;
	v60 =	vsub.f32 $1.500000000e+00, v19  }
0x330: {  	v2 =	vmul.f32 v2, v8;
	v4 =	vmul.f32 v59, v4  }
0x331: {  	v0 =	vmul.f32 v6, v0;
	v61 =	vmul.f32 v60, v14  }
0x332: {  	v2 =	vmul.f32 $-1.000000000e+01, v2;
	v4 =	vmul.f32 v4, v5  }
0x333: {  	v0 =	vmul.f32 $-1.000000000e+01, v0;
	v1 =	vmul.f32 v61, v1  }
0x334: {  	v2 =	vmul.f32 $1.442695020e+00, v2;
	v4 =	vmul.f32 $-1.000000000e+01, v4  }
0x335: {  	v0 =	vmul.f32 $1.442695020e+00, v0;
	v1 =	vmul.f32 $-1.000000000e+01, v1  }
0x336: {  	v4 =	vmul.f32 $1.442695020e+00, v4;
	(erf) = vpow2.f32 v2  }
0x337: {  	v1 =	vmul.f32 $1.442695020e+00, v1;
	(erf) = vpow2.f32 v0  }
0x338: {  	(erf) = vpow2.f32 v4  }
0x339: {  	(erf) = vpow2.f32 v1;
	_ =	sdelay $0x2  }
0x33a: {  	v0 =	vpop (erf)  }
0x33b: {  	v1 =	vpop (erf)  }
0x33c: {  	v2 =	vpop (erf)  }
0x33d: {  	v4 =	vpop (erf)  }
0x33e: {  	v5 =	vpop (erf)  }
0x33f: {  	v62 =	vpop (erf)  }
0x340: {  	v63 =	vadd.f32 v18, v9;
	v0 =	vadd.f32 v1, v0;
	v1 =	vpop (erf)  }
0x341: {  	v5 =	vadd.f32 v5, v4;
	v1 =	vadd.f32 v1, v62  }
0x342: {  	v0 =	vadd.f32 v0, v63  }
0x343: {  	v1 =	vadd.f32 v1, v5  }
0x344: {  	(erf) = vrcp.f32 v0  }
0x345: {  	(erf) = vrcp.f32 v1;
	_ =	sdelay $0x6  }
0x346: {  	v0 =	vmul.f32 v11, v7  }
0x347: {  	v1 =	vmul.f32 v2, v10;
	v2 =	vpop (erf)  }
0x348: {  	[tilespmem:s2+$0x3380] =	vst v0;
	v0 =	vmul.f32 v2, v9;
	v2 =	vpop (erf)  }
0x349: {  	s1 =	sadd.s32 $0x1, s1;
	[tilespmem:s13+$0x3380] =	vst v1;
	v1 =	vmul.f32 v2, v4  }
0x34a: {  	p0 =	sne.s32 s1, s20;
	[tilespmem:s15+$0x3380] =	vst v0  }
.Ltmp1:
0x34b: {  	s31 =	simm.s32 $0x3380;
	[tilespmem:s16+$0x3380] =	vst v1;
	(pc) =	sbr.rel @p0 .LBB2_1-.Ltmp1, $4  }
0x34c: {  	[hbm4b:s19+s3] =	stream.linear.scatter [tilespmem:s31], [sflag:$0x2], $0x800, $0x38;
	[tilespmem:$0x3B80] =	vst v63  }
0x34d: {  	_ =	swait.ge [sflag:s0], $0x800  }
0x34e: {  	[sflag:s0] =	ssyncset.done $0x0  }
0x34f: {  	[sflag:s0] =	ssyncadd.s32 $0xFFFFF800  }
0x350: {  	_ =	sfence.sel $0x180000  }
0x351: {  	[bflag:$0x0] =	sbarrier.arrive $0xFFFF  }
0x352: {  	_ =	strace $0x90000047  }
0x353: {  	s0 =	stileid.u32;
	[bflag:$0x2] =	sbarrier.arrive $0xFFFF  }
0x354: {  	p0 =	sne.s32 s0, $0x0;
	s0 =	rddreg [dreg:$0x6]  }
0x355: {  	s0 =	sadd.s32 @!p0 $0x100000, s0  }
0x356: {  	[sflag:s0] =	ssyncadd.tile.s32 @!p0 $0x1;
	_ =	shalt  }
.Lfunc_end2:
_tile_overlayer_lowered:
.L_overlay_start_2:
0x357: {  	(tag) =	ssettag $0x2  }
0x358: {  	s0 =	rddreg [dreg:$0x0];
	s2 =	stileid.u32  }
0x359: {  	s1 =	rddreg [dreg:$0x1];
	p0 =	sne.s32 s2, $0x0  }
0x35a: {  	s3 =	rddreg [dreg:$0x2];
	[bflag:$0x3] =	sbarrier.arrive $0xFFFF;
	s2 =	simm.s32 @!p0 $0x1C02  }
0x35b: {  	[timem:s3], [sflag:s2] =	dma.local @!p0 [hbm:s0], s1  }
0x35c: {  	s0 =	simm.s32 @!p0 $0x2  }
0x35d: {  	_ =	swait.ge @!p0 [sflag:s0], s1  }
0x35e: {  	s1 =	ssub.s32 @!p0 $0x0, s1;
	[sflag:s0] =	ssyncset.done @!p0 $0x0  }
0x35f: {  	[sflag:s0] =	ssyncadd.s32 @!p0 s1  }
0x360: {  	[bflag:$0x3] =	sbarrier.arrive $0xFFFF  }
0x361: {  	_ =	shalt  }

</sc_bundles>
